<compile_context>
chip_gen: v7x
topology: tpu7x:2x2x1
jax: 0.10.2.dev20260603
libtpu: 0.0.44.dev20260713+nightly
codegen_flags: <defaults>
</compile_context>

<pallas_src>
import functools

import jax
import jax.numpy as jnp
from jax import lax
from jax.experimental import pallas as pl
from jax.experimental.pallas import tpu as pltpu
from jax.experimental.pallas import tpu_sc as plsc

N = 1048576
M = 1200
NC = 2
NS = 16
NW = NC * NS
L = 16
CHUNK = N // NW
SUB = 8192
NSUB = CHUNK // SUB
VPS = SUB // L
U = 8
YO = M + L
LS = 2 * M + 2 * L

_mesh = plsc.VectorSubcoreMesh(
    core_axis_name="c", subcore_axis_name="s", num_cores=NC, num_subcores=NS)


@functools.partial(
    pl.kernel,
    out_type=jax.ShapeDtypeStruct((NW, LS), jnp.float32),
    mesh=_mesh,
    compiler_params=pltpu.CompilerParams(needs_layout_passes=False),
    scratch_types=[
        pltpu.VMEM((L * LS,), jnp.float32),
        pltpu.VMEM((LS,), jnp.float32),
        pltpu.VMEM((2, SUB), jnp.int32),
        pltpu.VMEM((2, SUB), jnp.float32),
        pltpu.VMEM((2, SUB), jnp.float32),
        pltpu.SemaphoreType.DMA,
        pltpu.SemaphoreType.DMA,
    ],
)
def _phase_a(x_hbm, y_hbm, m_hbm, part_hbm, bins, red, buf_m, buf_x, buf_y,
             sem0, sem1):
    wid = lax.axis_index("s") * NC + lax.axis_index("c")
    base = wid * CHUNK
    sems = (sem0, sem1)

    neg = jnp.full((L,), -jnp.inf, jnp.float32)
    lane = lax.broadcasted_iota(jnp.int32, (L,), 0)
    lane_base = lane * LS

    def copies(s):
        par = s % 2
        off = base + s * SUB
        sem = sems[par]
        return [
            pltpu.make_async_copy(m_hbm.at[pl.ds(off, SUB)], buf_m.at[par], sem),
            pltpu.make_async_copy(x_hbm.at[pl.ds(off, SUB)], buf_x.at[par], sem),
            pltpu.make_async_copy(y_hbm.at[pl.ds(off, SUB)], buf_y.at[par], sem),
        ]

    def scan_step(par, voff, carry):
        cur_m, cmx, cmy = carry
        m = buf_m[par, pl.ds(voff, L)]
        x = buf_x[par, pl.ds(voff, L)]
        y = buf_y[par, pl.ds(voff, L)]
        changed = m != cur_m
        ix = lane_base + cur_m
        plsc.store_scatter(bins, [ix], cmx, mask=changed)
        plsc.store_scatter(bins, [ix + YO], cmy, mask=changed)
        cmx = jnp.where(changed, x, jnp.maximum(cmx, x))
        cmy = jnp.where(changed, y, jnp.maximum(cmy, y))
        return m, cmx, cmy

    for c in copies(0):
        c.start()

    @plsc.parallel_loop(0, LS // L, 1, unroll=8)
    def _(g):
        red[pl.ds(g * L, L)] = neg

    carry = None
    first = None
    prev_last = None
    for s in range(NSUB):
        par = s % 2
        if s + 1 < NSUB:
            for c in copies(s + 1):
                c.start()
        for c in copies(s):
            c.wait()
        vlast = buf_m[par, pl.ds(SUB - L, L)]
        last_s = vlast[L - 1]
        if s == 0:
            vfirst = buf_m[0, pl.ds(0, L)]
            first = vfirst[0]
            start_col = (first >> 4) << 4
            carry = (vfirst, buf_x[0, pl.ds(0, L)], buf_y[0, pl.ds(0, L)])
            t0 = 1
        else:
            start_col = prev_last + 1
            t0 = 0

        nvec = (last_s - start_col + L) >> 4
        def init_body(j, _, start_col=start_col):
            c0 = start_col + j * L
            for ln in range(L):
                bins[pl.ds(ln * LS + c0, L)] = neg
                bins[pl.ds(ln * LS + YO + c0, L)] = neg
            return 0
        lax.fori_loop(0, nvec, init_body, 0)
        prev_last = last_s

        def block_body(t, carry, par=par):
            return scan_step(par, t * L, carry)
        carry = plsc.parallel_loop(t0, VPS, 1, unroll=U, carry=carry)(block_body)

    cur_m, cmx, cmy = carry
    ix = lane_base + cur_m
    plsc.store_scatter(bins, [ix], cmx)
    plsc.store_scatter(bins, [ix + YO], cmy)

    for ln in range(L):
        bins[pl.ds(ln * LS + prev_last + 1, L)] = neg
        bins[pl.ds(ln * LS + YO + prev_last + 1, L)] = neg

    gstart = (first >> 4) << 4
    nred = ((prev_last - gstart) >> 4) + 1
    def red_body(j, _):
        c0 = gstart + j * L
        accx = neg
        accy = neg
        for ln in range(L):
            accx = jnp.maximum(accx, bins[pl.ds(ln * LS + c0, L)])
            accy = jnp.maximum(accy, bins[pl.ds(ln * LS + YO + c0, L)])
        red[pl.ds(c0, L)] = accx
        red[pl.ds(YO + c0, L)] = accy
        return 0
    lax.fori_loop(0, nred, red_body, 0)

    pltpu.sync_copy(red, part_hbm.at[wid])


def _phase_b_body(p_ref, o_ref):
    p = p_ref[...]
    mx = jnp.max(p[:, :M], axis=0)
    my = jnp.max(p[:, YO:YO + M], axis=0)
    d = mx - my
    o_ref[0] = jnp.sum(d * d) * (1.0 / M)


_phase_b = pl.pallas_call(
    _phase_b_body,
    out_shape=jax.ShapeDtypeStruct((1,), jnp.float32),
    out_specs=pl.BlockSpec(memory_space=pltpu.SMEM),
)


def kernel(output, target, months):
    x = output.reshape(-1)
    y = target.reshape(-1)
    part = _phase_a(x, y, months)
    loss = _phase_b(part)
    return loss.reshape(())

# --- scband reference (transcript-rebuilt; emitter-appended) ---
"""Pipeline reference for scband-monthly-max-loss-36979668418907 (READ-ONLY COPY).

The authoritative reference and input builder live on the scoring server;
editing this copy changes nothing except your own understanding.
"""

import jax, jax.numpy as jnp
import numpy as np

N = 1048576
NUM_MONTHS = 1200

def setup_inputs(seed: int = 0) -> dict:
    key = jax.random.key(seed)
    k1, k2, k3 = jax.random.split(key, 3)
    output = jax.random.normal(k1, (N, 1), dtype=jnp.float32)
    target = jax.random.normal(k2, (N, 1), dtype=jnp.float32)
    months = jnp.sort(jax.random.randint(k3, (N,), 0, NUM_MONTHS, dtype=jnp.int32))
    return {"output": output, "target": target, "months": months}

def reference(output, target, months):
    # month_data: scatter_max of the (squeezed) series into per-month bins
    monthly_output = jax.ops.segment_max(output.squeeze(), months, num_segments=NUM_MONTHS)
    monthly_target = jax.ops.segment_max(target.squeeze(), months, num_segments=NUM_MONTHS)
    # MSE over the monthly maxima
    monthly_loss = jnp.mean((monthly_output - monthly_target) ** 2)
    return monthly_loss

if __name__ == "__main__":
    import jax
    _d = setup_inputs()
    print(jax.jit(kernel)(*tuple(_d.values())))

</pallas_src>

<mosaic_0001>
#map = affine_map<(d0, d1) -> (0)>
#map1 = affine_map<(d0, d1) -> (0, 0)>
module attributes {stable_mosaic.version = 14 : i64} {
  func.func @_phase_a(%arg0: i32, %arg1: i32, %arg2: memref<1048576xf32, #tpu.memory_space<hbm>>, %arg3: memref<1048576xf32, #tpu.memory_space<hbm>>, %arg4: memref<1048576xi32, #tpu.memory_space<hbm>>, %arg5: memref<32x2432xf32, #tpu.memory_space<hbm>>, %arg6: memref<38912xf32, #tpu.memory_space<vmem>>, %arg7: memref<2432xf32, #tpu.memory_space<vmem>>, %arg8: memref<2x8192xi32, #tpu.memory_space<vmem>>, %arg9: memref<2x8192xf32, #tpu.memory_space<vmem>>, %arg10: memref<2x8192xf32, #tpu.memory_space<vmem>>, %arg11: memref<!tpu.dma_semaphore, #tpu.memory_space<semaphore_mem>>, %arg12: memref<!tpu.dma_semaphore, #tpu.memory_space<semaphore_mem>>) attributes {dimension_semantics = [#tpu.dimension_semantics<core_parallel>, #tpu.dimension_semantics<subcore_parallel>], iteration_bounds = array<i64: 2, 16>, scalar_prefetch = 0 : i64, scratch_operands = 7 : i64, tpu.core_type = #tpu.core_type<sc_vector_subcore>, window_params = [{transform_indices = #map}, {transform_indices = #map}, {transform_indices = #map}, {transform_indices = #map1}]} {
    %mul3A = arith.constant 2 : i32
    %mul3A_0 = arith.muli %arg1, %mul3A : i32
    %add3A = arith.addi %mul3A_0, %arg0 : i32
    %mul3A_1 = arith.constant 32768 : i32
    %mul3A_2 = arith.muli %add3A, %mul3A_1 : i32
    %broadcast_in_dim3A = arith.constant 0xFF800000 : f32
    %broadcast_in_dim3A_3 = vector.broadcast %broadcast_in_dim3A : f32 to vector<16xf32>
    %iota3A = tpu.iota {dimensions = array<i32: 0>} : vector<16xi32>
    %mul3A_4 = arith.constant 2432 : i32
    %mul3A_5 = vector.broadcast %mul3A_4 : i32 to vector<16xi32>
    %mul3A_6 = arith.muli %iota3A, %mul3A_5 : vector<16xi32>
    %add3A_7 = arith.constant 0 : i32
    %add3A_8 = arith.addi %mul3A_2, %add3A_7 : i32
    %dma_start3A = arith.constant 0 : i32
    %dma_start3A_9 = arith.constant 0 : i32
    %dma_start3A_10 = tpu.memref_slice %arg8[%dma_start3A, %dma_start3A_9] : memref<2x8192xi32, #tpu.memory_space<vmem>> -> memref<1x8192xi32, #tpu.memory_space<vmem>>
    %dma_start3A_11 = tpu.memref_squeeze %dma_start3A_10 : memref<1x8192xi32, #tpu.memory_space<vmem>> -> memref<8192xi32, #tpu.memory_space<vmem>>
    %dma_start3A_12 = tpu.memref_slice %arg4[%add3A_8] : memref<1048576xi32, #tpu.memory_space<hbm>> -> memref<8192xi32, #tpu.memory_space<hbm>>
    %dma_start3A_13 = arith.constant 0 : i32
    %dma_start3A_14 = tpu.memref_slice %arg8[%dma_start3A, %dma_start3A_13] : memref<2x8192xi32, #tpu.memory_space<vmem>> -> memref<1x8192xi32, #tpu.memory_space<vmem>>
    %dma_start3A_15 = tpu.memref_squeeze %dma_start3A_14 : memref<1x8192xi32, #tpu.memory_space<vmem>> -> memref<8192xi32, #tpu.memory_space<vmem>>
    %dma_start3A_16 = tpu.memref_slice %arg4[%add3A_8] : memref<1048576xi32, #tpu.memory_space<hbm>> -> memref<8192xi32, #tpu.memory_space<hbm>>
    tpu.enqueue_dma source(%dma_start3A_16 : memref<8192xi32, #tpu.memory_space<hbm>>) target(%dma_start3A_15 : memref<8192xi32, #tpu.memory_space<vmem>>) target_semaphore(%arg11 : memref<!tpu.dma_semaphore, #tpu.memory_space<semaphore_mem>>)
    %dma_start3A_17 = arith.constant 0 : i32
    %dma_start3A_18 = arith.constant 0 : i32
    %dma_start3A_19 = tpu.memref_slice %arg9[%dma_start3A_17, %dma_start3A_18] : memref<2x8192xf32, #tpu.memory_space<vmem>> -> memref<1x8192xf32, #tpu.memory_space<vmem>>
    %dma_start3A_20 = tpu.memref_squeeze %dma_start3A_19 : memref<1x8192xf32, #tpu.memory_space<vmem>> -> memref<8192xf32, #tpu.memory_space<vmem>>
    %dma_start3A_21 = tpu.memref_slice %arg2[%add3A_8] : memref<1048576xf32, #tpu.memory_space<hbm>> -> memref<8192xf32, #tpu.memory_space<hbm>>
    %dma_start3A_22 = arith.constant 0 : i32
    %dma_start3A_23 = tpu.memref_slice %arg9[%dma_start3A_17, %dma_start3A_22] : memref<2x8192xf32, #tpu.memory_space<vmem>> -> memref<1x8192xf32, #tpu.memory_space<vmem>>
    %dma_start3A_24 = tpu.memref_squeeze %dma_start3A_23 : memref<1x8192xf32, #tpu.memory_space<vmem>> -> memref<8192xf32, #tpu.memory_space<vmem>>
    %dma_start3A_25 = tpu.memref_slice %arg2[%add3A_8] : memref<1048576xf32, #tpu.memory_space<hbm>> -> memref<8192xf32, #tpu.memory_space<hbm>>
    tpu.enqueue_dma source(%dma_start3A_25 : memref<8192xf32, #tpu.memory_space<hbm>>) target(%dma_start3A_24 : memref<8192xf32, #tpu.memory_space<vmem>>) target_semaphore(%arg11 : memref<!tpu.dma_semaphore, #tpu.memory_space<semaphore_mem>>)
    %dma_start3A_26 = arith.constant 0 : i32
    %dma_start3A_27 = arith.constant 0 : i32
    %dma_start3A_28 = tpu.memref_slice %arg10[%dma_start3A_26, %dma_start3A_27] : memref<2x8192xf32, #tpu.memory_space<vmem>> -> memref<1x8192xf32, #tpu.memory_space<vmem>>
    %dma_start3A_29 = tpu.memref_squeeze %dma_start3A_28 : memref<1x8192xf32, #tpu.memory_space<vmem>> -> memref<8192xf32, #tpu.memory_space<vmem>>
    %dma_start3A_30 = tpu.memref_slice %arg3[%add3A_8] : memref<1048576xf32, #tpu.memory_space<hbm>> -> memref<8192xf32, #tpu.memory_space<hbm>>
    %dma_start3A_31 = arith.constant 0 : i32
    %dma_start3A_32 = tpu.memref_slice %arg10[%dma_start3A_26, %dma_start3A_31] : memref<2x8192xf32, #tpu.memory_space<vmem>> -> memref<1x8192xf32, #tpu.memory_space<vmem>>
    %dma_start3A_33 = tpu.memref_squeeze %dma_start3A_32 : memref<1x8192xf32, #tpu.memory_space<vmem>> -> memref<8192xf32, #tpu.memory_space<vmem>>
    %dma_start3A_34 = tpu.memref_slice %arg3[%add3A_8] : memref<1048576xf32, #tpu.memory_space<hbm>> -> memref<8192xf32, #tpu.memory_space<hbm>>
    tpu.enqueue_dma source(%dma_start3A_34 : memref<8192xf32, #tpu.memory_space<hbm>>) target(%dma_start3A_33 : memref<8192xf32, #tpu.memory_space<vmem>>) target_semaphore(%arg11 : memref<!tpu.dma_semaphore, #tpu.memory_space<semaphore_mem>>)
    %parallel_loop3A = arith.constant 0 : i32
    %parallel_loop3A_35 = arith.constant 152 : i32
    %parallel_loop3A_36 = arith.constant 1 : i32
    scf.for %parallel_loop3A_580 = %parallel_loop3A to %parallel_loop3A_35 step %parallel_loop3A_36  : i32 {
      %parallel_loop3A_581 = arith.constant 16 : i32
      %parallel_loop3A_582 = arith.muli %parallel_loop3A_580, %parallel_loop3A_581 : i32
      %parallel_loop3A_583 = arith.index_cast %parallel_loop3A_582 : i32 to index
      %parallel_loop3A_584 = tpu.vector_load %arg7[%parallel_loop3A_583] {strides = array<i32>} : memref<2432xf32, #tpu.memory_space<vmem>>, vector<16xf32>,
      tpu.vector_store %arg7[%parallel_loop3A_583], %broadcast_in_dim3A_3 {strides = array<i32>} : memref<2432xf32, #tpu.memory_space<vmem>>, vector<16xf32>,
    } {sc.loop_unroll_factor = 8 : i64, sc.parallel_access}
    %add3A_37 = arith.constant 8192 : i32
    %add3A_38 = arith.addi %mul3A_2, %add3A_37 : i32
    %dma_start3A_39 = arith.constant 1 : i32
    %dma_start3A_40 = arith.constant 0 : i32
    %dma_start3A_41 = tpu.memref_slice %arg8[%dma_start3A_39, %dma_start3A_40] : memref<2x8192xi32, #tpu.memory_space<vmem>> -> memref<1x8192xi32, #tpu.memory_space<vmem>>
    %dma_start3A_42 = tpu.memref_squeeze %dma_start3A_41 : memref<1x8192xi32, #tpu.memory_space<vmem>> -> memref<8192xi32, #tpu.memory_space<vmem>>
    %dma_start3A_43 = tpu.memref_slice %arg4[%add3A_38] : memref<1048576xi32, #tpu.memory_space<hbm>> -> memref<8192xi32, #tpu.memory_space<hbm>>
    %dma_start3A_44 = arith.constant 0 : i32
    %dma_start3A_45 = tpu.memref_slice %arg8[%dma_start3A_39, %dma_start3A_44] : memref<2x8192xi32, #tpu.memory_space<vmem>> -> memref<1x8192xi32, #tpu.memory_space<vmem>>
    %dma_start3A_46 = tpu.memref_squeeze %dma_start3A_45 : memref<1x8192xi32, #tpu.memory_space<vmem>> -> memref<8192xi32, #tpu.memory_space<vmem>>
    %dma_start3A_47 = tpu.memref_slice %arg4[%add3A_38] : memref<1048576xi32, #tpu.memory_space<hbm>> -> memref<8192xi32, #tpu.memory_space<hbm>>
    tpu.enqueue_dma source(%dma_start3A_47 : memref<8192xi32, #tpu.memory_space<hbm>>) target(%dma_start3A_46 : memref<8192xi32, #tpu.memory_space<vmem>>) target_semaphore(%arg12 : memref<!tpu.dma_semaphore, #tpu.memory_space<semaphore_mem>>)
    %dma_start3A_48 = arith.constant 1 : i32
    %dma_start3A_49 = arith.constant 0 : i32
    %dma_start3A_50 = tpu.memref_slice %arg9[%dma_start3A_48, %dma_start3A_49] : memref<2x8192xf32, #tpu.memory_space<vmem>> -> memref<1x8192xf32, #tpu.memory_space<vmem>>
    %dma_start3A_51 = tpu.memref_squeeze %dma_start3A_50 : memref<1x8192xf32, #tpu.memory_space<vmem>> -> memref<8192xf32, #tpu.memory_space<vmem>>
    %dma_start3A_52 = tpu.memref_slice %arg2[%add3A_38] : memref<1048576xf32, #tpu.memory_space<hbm>> -> memref<8192xf32, #tpu.memory_space<hbm>>
    %dma_start3A_53 = arith.constant 0 : i32
    %dma_start3A_54 = tpu.memref_slice %arg9[%dma_start3A_48, %dma_start3A_53] : memref<2x8192xf32, #tpu.memory_space<vmem>> -> memref<1x8192xf32, #tpu.memory_space<vmem>>
    %dma_start3A_55 = tpu.memref_squeeze %dma_start3A_54 : memref<1x8192xf32, #tpu.memory_space<vmem>> -> memref<8192xf32, #tpu.memory_space<vmem>>
    %dma_start3A_56 = tpu.memref_slice %arg2[%add3A_38] : memref<1048576xf32, #tpu.memory_space<hbm>> -> memref<8192xf32, #tpu.memory_space<hbm>>
    tpu.enqueue_dma source(%dma_start3A_56 : memref<8192xf32, #tpu.memory_space<hbm>>) target(%dma_start3A_55 : memref<8192xf32, #tpu.memory_space<vmem>>) target_semaphore(%arg12 : memref<!tpu.dma_semaphore, #tpu.memory_space<semaphore_mem>>)
    %dma_start3A_57 = arith.constant 1 : i32
    %dma_start3A_58 = arith.constant 0 : i32
    %dma_start3A_59 = tpu.memref_slice %arg10[%dma_start3A_57, %dma_start3A_58] : memref<2x8192xf32, #tpu.memory_space<vmem>> -> memref<1x8192xf32, #tpu.memory_space<vmem>>
    %dma_start3A_60 = tpu.memref_squeeze %dma_start3A_59 : memref<1x8192xf32, #tpu.memory_space<vmem>> -> memref<8192xf32, #tpu.memory_space<vmem>>
    %dma_start3A_61 = tpu.memref_slice %arg3[%add3A_38] : memref<1048576xf32, #tpu.memory_space<hbm>> -> memref<8192xf32, #tpu.memory_space<hbm>>
    %dma_start3A_62 = arith.constant 0 : i32
    %dma_start3A_63 = tpu.memref_slice %arg10[%dma_start3A_57, %dma_start3A_62] : memref<2x8192xf32, #tpu.memory_space<vmem>> -> memref<1x8192xf32, #tpu.memory_space<vmem>>
    %dma_start3A_64 = tpu.memref_squeeze %dma_start3A_63 : memref<1x8192xf32, #tpu.memory_space<vmem>> -> memref<8192xf32, #tpu.memory_space<vmem>>
    %dma_start3A_65 = tpu.memref_slice %arg3[%add3A_38] : memref<1048576xf32, #tpu.memory_space<hbm>> -> memref<8192xf32, #tpu.memory_space<hbm>>
    tpu.enqueue_dma source(%dma_start3A_65 : memref<8192xf32, #tpu.memory_space<hbm>>) target(%dma_start3A_64 : memref<8192xf32, #tpu.memory_space<vmem>>) target_semaphore(%arg12 : memref<!tpu.dma_semaphore, #tpu.memory_space<semaphore_mem>>)
    %add3A_66 = arith.constant 0 : i32
    %add3A_67 = arith.addi %mul3A_2, %add3A_66 : i32
    %dma_wait3A = arith.constant 0 : i32
    %dma_wait3A_68 = arith.constant 0 : i32
    %dma_wait3A_69 = tpu.memref_slice %arg8[%dma_wait3A, %dma_wait3A_68] : memref<2x8192xi32, #tpu.memory_space<vmem>> -> memref<1x8192xi32, #tpu.memory_space<vmem>>
    %dma_wait3A_70 = tpu.memref_squeeze %dma_wait3A_69 : memref<1x8192xi32, #tpu.memory_space<vmem>> -> memref<8192xi32, #tpu.memory_space<vmem>>
    %dma_wait3A_71 = tpu.memref_slice %arg4[%add3A_67] : memref<1048576xi32, #tpu.memory_space<hbm>> -> memref<8192xi32, #tpu.memory_space<hbm>>
    %dma_wait3A_72 = arith.constant 0 : i32
    %dma_wait3A_73 = tpu.memref_slice %arg8[%dma_wait3A, %dma_wait3A_72] : memref<2x8192xi32, #tpu.memory_space<vmem>> -> memref<1x8192xi32, #tpu.memory_space<vmem>>
    %dma_wait3A_74 = tpu.memref_squeeze %dma_wait3A_73 : memref<1x8192xi32, #tpu.memory_space<vmem>> -> memref<8192xi32, #tpu.memory_space<vmem>>
    %dma_wait3A_75 = tpu.memref_slice %arg4[%add3A_67] : memref<1048576xi32, #tpu.memory_space<hbm>> -> memref<8192xi32, #tpu.memory_space<hbm>>
    tpu.wait_dma2 semaphore(%arg11 : memref<!tpu.dma_semaphore, #tpu.memory_space<semaphore_mem>>) src(%dma_wait3A_75 : memref<8192xi32, #tpu.memory_space<hbm>>) dst(%dma_wait3A_74 : memref<8192xi32, #tpu.memory_space<vmem>>)
    %dma_wait3A_76 = arith.constant 0 : i32
    %dma_wait3A_77 = arith.constant 0 : i32
    %dma_wait3A_78 = tpu.memref_slice %arg9[%dma_wait3A_76, %dma_wait3A_77] : memref<2x8192xf32, #tpu.memory_space<vmem>> -> memref<1x8192xf32, #tpu.memory_space<vmem>>
    %dma_wait3A_79 = tpu.memref_squeeze %dma_wait3A_78 : memref<1x8192xf32, #tpu.memory_space<vmem>> -> memref<8192xf32, #tpu.memory_space<vmem>>
    %dma_wait3A_80 = tpu.memref_slice %arg2[%add3A_67] : memref<1048576xf32, #tpu.memory_space<hbm>> -> memref<8192xf32, #tpu.memory_space<hbm>>
    %dma_wait3A_81 = arith.constant 0 : i32
    %dma_wait3A_82 = tpu.memref_slice %arg9[%dma_wait3A_76, %dma_wait3A_81] : memref<2x8192xf32, #tpu.memory_space<vmem>> -> memref<1x8192xf32, #tpu.memory_space<vmem>>
    %dma_wait3A_83 = tpu.memref_squeeze %dma_wait3A_82 : memref<1x8192xf32, #tpu.memory_space<vmem>> -> memref<8192xf32, #tpu.memory_space<vmem>>
    %dma_wait3A_84 = tpu.memref_slice %arg2[%add3A_67] : memref<1048576xf32, #tpu.memory_space<hbm>> -> memref<8192xf32, #tpu.memory_space<hbm>>
    tpu.wait_dma2 semaphore(%arg11 : memref<!tpu.dma_semaphore, #tpu.memory_space<semaphore_mem>>) src(%dma_wait3A_84 : memref<8192xf32, #tpu.memory_space<hbm>>) dst(%dma_wait3A_83 : memref<8192xf32, #tpu.memory_space<vmem>>)
    %dma_wait3A_85 = arith.constant 0 : i32
    %dma_wait3A_86 = arith.constant 0 : i32
    %dma_wait3A_87 = tpu.memref_slice %arg10[%dma_wait3A_85, %dma_wait3A_86] : memref<2x8192xf32, #tpu.memory_space<vmem>> -> memref<1x8192xf32, #tpu.memory_space<vmem>>
    %dma_wait3A_88 = tpu.memref_squeeze %dma_wait3A_87 : memref<1x8192xf32, #tpu.memory_space<vmem>> -> memref<8192xf32, #tpu.memory_space<vmem>>
    %dma_wait3A_89 = tpu.memref_slice %arg3[%add3A_67] : memref<1048576xf32, #tpu.memory_space<hbm>> -> memref<8192xf32, #tpu.memory_space<hbm>>
    %dma_wait3A_90 = arith.constant 0 : i32
    %dma_wait3A_91 = tpu.memref_slice %arg10[%dma_wait3A_85, %dma_wait3A_90] : memref<2x8192xf32, #tpu.memory_space<vmem>> -> memref<1x8192xf32, #tpu.memory_space<vmem>>
    %dma_wait3A_92 = tpu.memref_squeeze %dma_wait3A_91 : memref<1x8192xf32, #tpu.memory_space<vmem>> -> memref<8192xf32, #tpu.memory_space<vmem>>
    %dma_wait3A_93 = tpu.memref_slice %arg3[%add3A_67] : memref<1048576xf32, #tpu.memory_space<hbm>> -> memref<8192xf32, #tpu.memory_space<hbm>>
    tpu.wait_dma2 semaphore(%arg11 : memref<!tpu.dma_semaphore, #tpu.memory_space<semaphore_mem>>) src(%dma_wait3A_93 : memref<8192xf32, #tpu.memory_space<hbm>>) dst(%dma_wait3A_92 : memref<8192xf32, #tpu.memory_space<vmem>>)
    %get3A = arith.constant 0 : i32
    %get3A_94 = arith.index_cast %get3A : i32 to index
    %get3A_95 = arith.constant 8176 : index
    %get3A_96 = tpu.vector_load %arg8[%get3A_94, %get3A_95] {strides = array<i32>} : memref<2x8192xi32, #tpu.memory_space<vmem>>, vector<16xi32>,
    %slice3A = vector.extract_strided_slice %get3A_96 {offsets = [15], sizes = [1], strides = [1]} : vector<16xi32> to vector<1xi32>
    %squeeze3A = vector.extract %slice3A[0] : i32 from vector<1xi32>
    %get3A_97 = arith.constant 0 : i32
    %get3A_98 = arith.index_cast %get3A_97 : i32 to index
    %get3A_99 = arith.constant 0 : index
    %get3A_100 = tpu.vector_load %arg8[%get3A_98, %get3A_99] {strides = array<i32>} : memref<2x8192xi32, #tpu.memory_space<vmem>>, vector<16xi32>,
    %slice3A_101 = vector.extract_strided_slice %get3A_100 {offsets = [0], sizes = [1], strides = [1]} : vector<16xi32> to vector<1xi32>
    %squeeze3A_102 = vector.extract %slice3A_101[0] : i32 from vector<1xi32>
    %shift_right_arithmetic3A = arith.constant 4 : i32
    %shift_right_arithmetic3A_103 = arith.shrsi %squeeze3A_102, %shift_right_arithmetic3A : i32
    %shift_left3A = arith.constant 4 : i32
    %shift_left3A_104 = arith.shli %shift_right_arithmetic3A_103, %shift_left3A : i32
    %get3A_105 = arith.constant 0 : i32
    %get3A_106 = arith.index_cast %get3A_105 : i32 to index
    %get3A_107 = arith.constant 0 : index
    %get3A_108 = tpu.vector_load %arg9[%get3A_106, %get3A_107] {strides = array<i32>} : memref<2x8192xf32, #tpu.memory_space<vmem>>, vector<16xf32>,
    %get3A_109 = arith.constant 0 : i32
    %get3A_110 = arith.index_cast %get3A_109 : i32 to index
    %get3A_111 = arith.constant 0 : index
    %get3A_112 = tpu.vector_load %arg10[%get3A_110, %get3A_111] {strides = array<i32>} : memref<2x8192xf32, #tpu.memory_space<vmem>>, vector<16xf32>,
    %sub3A = arith.subi %squeeze3A, %shift_left3A_104 : i32
    %add3A_113 = arith.constant 16 : i32
    %add3A_114 = arith.addi %sub3A, %add3A_113 : i32
    %shift_right_arithmetic3A_115 = arith.constant 4 : i32
    %shift_right_arithmetic3A_116 = arith.shrsi %add3A_114, %shift_right_arithmetic3A_115 : i32
    %while3A = arith.constant 0 : i32
    %while3A_117 = arith.constant 0 : i32
    %while3A_118 = arith.subi %shift_right_arithmetic3A_116, %while3A : i32
    %while3A_119 = arith.addi %while3A, %while3A_118 : i32
    %while3A_120 = arith.constant 1 : i32
    %while3A_121 = arith.divsi %while3A_118, %while3A_120 : i32
    %while3A_122 = arith.muli %while3A_121, %while3A_120 : i32
    %while3A_123 = arith.addi %while3A, %while3A_122 : i32
    %while3A_124 = arith.constant 1 : i32
    %while3A_125 = scf.for %while3A_580 = %while3A to %while3A_123 step %while3A_124 iter_args(%while3A_581 = %while3A_117) -> (i32)  : i32 {
      %mul3A_582 = arith.constant 16 : i32
      %mul3A_583 = arith.muli %while3A_580, %mul3A_582 : i32
      %add3A_584 = arith.addi %shift_left3A_104, %mul3A_583 : i32
      %add3A_585 = arith.constant 0 : i32
      %add3A_586 = arith.addi %add3A_585, %add3A_584 : i32
      %swap3A_587 = arith.index_cast %add3A_586 : i32 to index
      %swap3A_588 = tpu.vector_load %arg6[%swap3A_587] {strides = array<i32>} : memref<38912xf32, #tpu.memory_space<vmem>>, vector<16xf32>,
      tpu.vector_store %arg6[%swap3A_587], %broadcast_in_dim3A_3 {strides = array<i32>} : memref<38912xf32, #tpu.memory_space<vmem>>, vector<16xf32>,
      %add3A_589 = arith.constant 1216 : i32
      %add3A_590 = arith.addi %add3A_589, %add3A_584 : i32
      %swap3A_591 = arith.index_cast %add3A_590 : i32 to index
      %swap3A_592 = tpu.vector_load %arg6[%swap3A_591] {strides = array<i32>} : memref<38912xf32, #tpu.memory_space<vmem>>, vector<16xf32>,
      tpu.vector_store %arg6[%swap3A_591], %broadcast_in_dim3A_3 {strides = array<i32>} : memref<38912xf32, #tpu.memory_space<vmem>>, vector<16xf32>,
      %add3A_593 = arith.constant 2432 : i32
      %add3A_594 = arith.addi %add3A_593, %add3A_584 : i32
      %swap3A_595 = arith.index_cast %add3A_594 : i32 to index
      %swap3A_596 = tpu.vector_load %arg6[%swap3A_595] {strides = array<i32>} : memref<38912xf32, #tpu.memory_space<vmem>>, vector<16xf32>,
      tpu.vector_store %arg6[%swap3A_595], %broadcast_in_dim3A_3 {strides = array<i32>} : memref<38912xf32, #tpu.memory_space<vmem>>, vector<16xf32>,
      %add3A_597 = arith.constant 3648 : i32
      %add3A_598 = arith.addi %add3A_597, %add3A_584 : i32
      %swap3A_599 = arith.index_cast %add3A_598 : i32 to index
      %swap3A_600 = tpu.vector_load %arg6[%swap3A_599] {strides = array<i32>} : memref<38912xf32, #tpu.memory_space<vmem>>, vector<16xf32>,
      tpu.vector_store %arg6[%swap3A_599], %broadcast_in_dim3A_3 {strides = array<i32>} : memref<38912xf32, #tpu.memory_space<vmem>>, vector<16xf32>,
      %add3A_601 = arith.constant 4864 : i32
      %add3A_602 = arith.addi %add3A_601, %add3A_584 : i32
      %swap3A_603 = arith.index_cast %add3A_602 : i32 to index
      %swap3A_604 = tpu.vector_load %arg6[%swap3A_603] {strides = array<i32>} : memref<38912xf32, #tpu.memory_space<vmem>>, vector<16xf32>,
      tpu.vector_store %arg6[%swap3A_603], %broadcast_in_dim3A_3 {strides = array<i32>} : memref<38912xf32, #tpu.memory_space<vmem>>, vector<16xf32>,
      %add3A_605 = arith.constant 6080 : i32
      %add3A_606 = arith.addi %add3A_605, %add3A_584 : i32
      %swap3A_607 = arith.index_cast %add3A_606 : i32 to index
      %swap3A_608 = tpu.vector_load %arg6[%swap3A_607] {strides = array<i32>} : memref<38912xf32, #tpu.memory_space<vmem>>, vector<16xf32>,
      tpu.vector_store %arg6[%swap3A_607], %broadcast_in_dim3A_3 {strides = array<i32>} : memref<38912xf32, #tpu.memory_space<vmem>>, vector<16xf32>,
      %add3A_609 = arith.constant 7296 : i32
      %add3A_610 = arith.addi %add3A_609, %add3A_584 : i32
      %swap3A_611 = arith.index_cast %add3A_610 : i32 to index
      %swap3A_612 = tpu.vector_load %arg6[%swap3A_611] {strides = array<i32>} : memref<38912xf32, #tpu.memory_space<vmem>>, vector<16xf32>,
      tpu.vector_store %arg6[%swap3A_611], %broadcast_in_dim3A_3 {strides = array<i32>} : memref<38912xf32, #tpu.memory_space<vmem>>, vector<16xf32>,
      %add3A_613 = arith.constant 8512 : i32
      %add3A_614 = arith.addi %add3A_613, %add3A_584 : i32
      %swap3A_615 = arith.index_cast %add3A_614 : i32 to index
      %swap3A_616 = tpu.vector_load %arg6[%swap3A_615] {strides = array<i32>} : memref<38912xf32, #tpu.memory_space<vmem>>, vector<16xf32>,
      tpu.vector_store %arg6[%swap3A_615], %broadcast_in_dim3A_3 {strides = array<i32>} : memref<38912xf32, #tpu.memory_space<vmem>>, vector<16xf32>,
      %add3A_617 = arith.constant 9728 : i32
      %add3A_618 = arith.addi %add3A_617, %add3A_584 : i32
      %swap3A_619 = arith.index_cast %add3A_618 : i32 to index
      %swap3A_620 = tpu.vector_load %arg6[%swap3A_619] {strides = array<i32>} : memref<38912xf32, #tpu.memory_space<vmem>>, vector<16xf32>,
      tpu.vector_store %arg6[%swap3A_619], %broadcast_in_dim3A_3 {strides = array<i32>} : memref<38912xf32, #tpu.memory_space<vmem>>, vector<16xf32>,
      %add3A_621 = arith.constant 10944 : i32
      %add3A_622 = arith.addi %add3A_621, %add3A_584 : i32
      %swap3A_623 = arith.index_cast %add3A_622 : i32 to index
      %swap3A_624 = tpu.vector_load %arg6[%swap3A_623] {strides = array<i32>} : memref<38912xf32, #tpu.memory_space<vmem>>, vector<16xf32>,
      tpu.vector_store %arg6[%swap3A_623], %broadcast_in_dim3A_3 {strides = array<i32>} : memref<38912xf32, #tpu.memory_space<vmem>>, vector<16xf32>,
      %add3A_625 = arith.constant 12160 : i32
      %add3A_626 = arith.addi %add3A_625, %add3A_584 : i32
      %swap3A_627 = arith.index_cast %add3A_626 : i32 to index
      %swap3A_628 = tpu.vector_load %arg6[%swap3A_627] {strides = array<i32>} : memref<38912xf32, #tpu.memory_space<vmem>>, vector<16xf32>,
      tpu.vector_store %arg6[%swap3A_627], %broadcast_in_dim3A_3 {strides = array<i32>} : memref<38912xf32, #tpu.memory_space<vmem>>, vector<16xf32>,
      %add3A_629 = arith.constant 13376 : i32
      %add3A_630 = arith.addi %add3A_629, %add3A_584 : i32
      %swap3A_631 = arith.index_cast %add3A_630 : i32 to index
      %swap3A_632 = tpu.vector_load %arg6[%swap3A_631] {strides = array<i32>} : memref<38912xf32, #tpu.memory_space<vmem>>, vector<16xf32>,
      tpu.vector_store %arg6[%swap3A_631], %broadcast_in_dim3A_3 {strides = array<i32>} : memref<38912xf32, #tpu.memory_space<vmem>>, vector<16xf32>,
      %add3A_633 = arith.constant 14592 : i32
      %add3A_634 = arith.addi %add3A_633, %add3A_584 : i32
      %swap3A_635 = arith.index_cast %add3A_634 : i32 to index
      %swap3A_636 = tpu.vector_load %arg6[%swap3A_635] {strides = array<i32>} : memref<38912xf32, #tpu.memory_space<vmem>>, vector<16xf32>,
      tpu.vector_store %arg6[%swap3A_635], %broadcast_in_dim3A_3 {strides = array<i32>} : memref<38912xf32, #tpu.memory_space<vmem>>, vector<16xf32>,
      %add3A_637 = arith.constant 15808 : i32
      %add3A_638 = arith.addi %add3A_637, %add3A_584 : i32
      %swap3A_639 = arith.index_cast %add3A_638 : i32 to index
      %swap3A_640 = tpu.vector_load %arg6[%swap3A_639] {strides = array<i32>} : memref<38912xf32, #tpu.memory_space<vmem>>, vector<16xf32>,
      tpu.vector_store %arg6[%swap3A_639], %broadcast_in_dim3A_3 {strides = array<i32>} : memref<38912xf32, #tpu.memory_space<vmem>>, vector<16xf32>,
      %add3A_641 = arith.constant 17024 : i32
      %add3A_642 = arith.addi %add3A_641, %add3A_584 : i32
      %swap3A_643 = arith.index_cast %add3A_642 : i32 to index
      %swap3A_644 = tpu.vector_load %arg6[%swap3A_643] {strides = array<i32>} : memref<38912xf32, #tpu.memory_space<vmem>>, vector<16xf32>,
      tpu.vector_store %arg6[%swap3A_643], %broadcast_in_dim3A_3 {strides = array<i32>} : memref<38912xf32, #tpu.memory_space<vmem>>, vector<16xf32>,
      %add3A_645 = arith.constant 18240 : i32
      %add3A_646 = arith.addi %add3A_645, %add3A_584 : i32
      %swap3A_647 = arith.index_cast %add3A_646 : i32 to index
      %swap3A_648 = tpu.vector_load %arg6[%swap3A_647] {strides = array<i32>} : memref<38912xf32, #tpu.memory_space<vmem>>, vector<16xf32>,
      tpu.vector_store %arg6[%swap3A_647], %broadcast_in_dim3A_3 {strides = array<i32>} : memref<38912xf32, #tpu.memory_space<vmem>>, vector<16xf32>,
      %add3A_649 = arith.constant 19456 : i32
      %add3A_650 = arith.addi %add3A_649, %add3A_584 : i32
      %swap3A_651 = arith.index_cast %add3A_650 : i32 to index
      %swap3A_652 = tpu.vector_load %arg6[%swap3A_651] {strides = array<i32>} : memref<38912xf32, #tpu.memory_space<vmem>>, vector<16xf32>,
      tpu.vector_store %arg6[%swap3A_651], %broadcast_in_dim3A_3 {strides = array<i32>} : memref<38912xf32, #tpu.memory_space<vmem>>, vector<16xf32>,
      %add3A_653 = arith.constant 20672 : i32
      %add3A_654 = arith.addi %add3A_653, %add3A_584 : i32
      %swap3A_655 = arith.index_cast %add3A_654 : i32 to index
      %swap3A_656 = tpu.vector_load %arg6[%swap3A_655] {strides = array<i32>} : memref<38912xf32, #tpu.memory_space<vmem>>, vector<16xf32>,
      tpu.vector_store %arg6[%swap3A_655], %broadcast_in_dim3A_3 {strides = array<i32>} : memref<38912xf32, #tpu.memory_space<vmem>>, vector<16xf32>,
      %add3A_657 = arith.constant 21888 : i32
      %add3A_658 = arith.addi %add3A_657, %add3A_584 : i32
      %swap3A_659 = arith.index_cast %add3A_658 : i32 to index
      %swap3A_660 = tpu.vector_load %arg6[%swap3A_659] {strides = array<i32>} : memref<38912xf32, #tpu.memory_space<vmem>>, vector<16xf32>,
      tpu.vector_store %arg6[%swap3A_659], %broadcast_in_dim3A_3 {strides = array<i32>} : memref<38912xf32, #tpu.memory_space<vmem>>, vector<16xf32>,
      %add3A_661 = arith.constant 23104 : i32
      %add3A_662 = arith.addi %add3A_661, %add3A_584 : i32
      %swap3A_663 = arith.index_cast %add3A_662 : i32 to index
      %swap3A_664 = tpu.vector_load %arg6[%swap3A_663] {strides = array<i32>} : memref<38912xf32, #tpu.memory_space<vmem>>, vector<16xf32>,
      tpu.vector_store %arg6[%swap3A_663], %broadcast_in_dim3A_3 {strides = array<i32>} : memref<38912xf32, #tpu.memory_space<vmem>>, vector<16xf32>,
      %add3A_665 = arith.constant 24320 : i32
      %add3A_666 = arith.addi %add3A_665, %add3A_584 : i32
      %swap3A_667 = arith.index_cast %add3A_666 : i32 to index
      %swap3A_668 = tpu.vector_load %arg6[%swap3A_667] {strides = array<i32>} : memref<38912xf32, #tpu.memory_space<vmem>>, vector<16xf32>,
      tpu.vector_store %arg6[%swap3A_667], %broadcast_in_dim3A_3 {strides = array<i32>} : memref<38912xf32, #tpu.memory_space<vmem>>, vector<16xf32>,
      %add3A_669 = arith.constant 25536 : i32
      %add3A_670 = arith.addi %add3A_669, %add3A_584 : i32
      %swap3A_671 = arith.index_cast %add3A_670 : i32 to index
      %swap3A_672 = tpu.vector_load %arg6[%swap3A_671] {strides = array<i32>} : memref<38912xf32, #tpu.memory_space<vmem>>, vector<16xf32>,
      tpu.vector_store %arg6[%swap3A_671], %broadcast_in_dim3A_3 {strides = array<i32>} : memref<38912xf32, #tpu.memory_space<vmem>>, vector<16xf32>,
      %add3A_673 = arith.constant 26752 : i32
      %add3A_674 = arith.addi %add3A_673, %add3A_584 : i32
      %swap3A_675 = arith.index_cast %add3A_674 : i32 to index
      %swap3A_676 = tpu.vector_load %arg6[%swap3A_675] {strides = array<i32>} : memref<38912xf32, #tpu.memory_space<vmem>>, vector<16xf32>,
      tpu.vector_store %arg6[%swap3A_675], %broadcast_in_dim3A_3 {strides = array<i32>} : memref<38912xf32, #tpu.memory_space<vmem>>, vector<16xf32>,
      %add3A_677 = arith.constant 27968 : i32
      %add3A_678 = arith.addi %add3A_677, %add3A_584 : i32
      %swap3A_679 = arith.index_cast %add3A_678 : i32 to index
      %swap3A_680 = tpu.vector_load %arg6[%swap3A_679] {strides = array<i32>} : memref<38912xf32, #tpu.memory_space<vmem>>, vector<16xf32>,
      tpu.vector_store %arg6[%swap3A_679], %broadcast_in_dim3A_3 {strides = array<i32>} : memref<38912xf32, #tpu.memory_space<vmem>>, vector<16xf32>,
      %add3A_681 = arith.constant 29184 : i32
      %add3A_682 = arith.addi %add3A_681, %add3A_584 : i32
      %swap3A_683 = arith.index_cast %add3A_682 : i32 to index
      %swap3A_684 = tpu.vector_load %arg6[%swap3A_683] {strides = array<i32>} : memref<38912xf32, #tpu.memory_space<vmem>>, vector<16xf32>,
      tpu.vector_store %arg6[%swap3A_683], %broadcast_in_dim3A_3 {strides = array<i32>} : memref<38912xf32, #tpu.memory_space<vmem>>, vector<16xf32>,
      %add3A_685 = arith.constant 30400 : i32
      %add3A_686 = arith.addi %add3A_685, %add3A_584 : i32
      %swap3A_687 = arith.index_cast %add3A_686 : i32 to index
      %swap3A_688 = tpu.vector_load %arg6[%swap3A_687] {strides = array<i32>} : memref<38912xf32, #tpu.memory_space<vmem>>, vector<16xf32>,
      tpu.vector_store %arg6[%swap3A_687], %broadcast_in_dim3A_3 {strides = array<i32>} : memref<38912xf32, #tpu.memory_space<vmem>>, vector<16xf32>,
      %add3A_689 = arith.constant 31616 : i32
      %add3A_690 = arith.addi %add3A_689, %add3A_584 : i32
      %swap3A_691 = arith.index_cast %add3A_690 : i32 to index
      %swap3A_692 = tpu.vector_load %arg6[%swap3A_691] {strides = array<i32>} : memref<38912xf32, #tpu.memory_space<vmem>>, vector<16xf32>,
      tpu.vector_store %arg6[%swap3A_691], %broadcast_in_dim3A_3 {strides = array<i32>} : memref<38912xf32, #tpu.memory_space<vmem>>, vector<16xf32>,
      %add3A_693 = arith.constant 32832 : i32
      %add3A_694 = arith.addi %add3A_693, %add3A_584 : i32
      %swap3A_695 = arith.index_cast %add3A_694 : i32 to index
      %swap3A_696 = tpu.vector_load %arg6[%swap3A_695] {strides = array<i32>} : memref<38912xf32, #tpu.memory_space<vmem>>, vector<16xf32>,
      tpu.vector_store %arg6[%swap3A_695], %broadcast_in_dim3A_3 {strides = array<i32>} : memref<38912xf32, #tpu.memory_space<vmem>>, vector<16xf32>,
      %add3A_697 = arith.constant 34048 : i32
      %add3A_698 = arith.addi %add3A_697, %add3A_584 : i32
      %swap3A_699 = arith.index_cast %add3A_698 : i32 to index
      %swap3A_700 = tpu.vector_load %arg6[%swap3A_699] {strides = array<i32>} : memref<38912xf32, #tpu.memory_space<vmem>>, vector<16xf32>,
      tpu.vector_store %arg6[%swap3A_699], %broadcast_in_dim3A_3 {strides = array<i32>} : memref<38912xf32, #tpu.memory_space<vmem>>, vector<16xf32>,
      %add3A_701 = arith.constant 35264 : i32
      %add3A_702 = arith.addi %add3A_701, %add3A_584 : i32
      %swap3A_703 = arith.index_cast %add3A_702 : i32 to index
      %swap3A_704 = tpu.vector_load %arg6[%swap3A_703] {strides = array<i32>} : memref<38912xf32, #tpu.memory_space<vmem>>, vector<16xf32>,
      tpu.vector_store %arg6[%swap3A_703], %broadcast_in_dim3A_3 {strides = array<i32>} : memref<38912xf32, #tpu.memory_space<vmem>>, vector<16xf32>,
      %add3A_705 = arith.constant 36480 : i32
      %add3A_706 = arith.addi %add3A_705, %add3A_584 : i32
      %swap3A_707 = arith.index_cast %add3A_706 : i32 to index
      %swap3A_708 = tpu.vector_load %arg6[%swap3A_707] {strides = array<i32>} : memref<38912xf32, #tpu.memory_space<vmem>>, vector<16xf32>,
      tpu.vector_store %arg6[%swap3A_707], %broadcast_in_dim3A_3 {strides = array<i32>} : memref<38912xf32, #tpu.memory_space<vmem>>, vector<16xf32>,
      %add3A_709 = arith.constant 37696 : i32
      %add3A_710 = arith.addi %add3A_709, %add3A_584 : i32
      %swap3A_711 = arith.index_cast %add3A_710 : i32 to index
      %swap3A_712 = tpu.vector_load %arg6[%swap3A_711] {strides = array<i32>} : memref<38912xf32, #tpu.memory_space<vmem>>, vector<16xf32>,
      tpu.vector_store %arg6[%swap3A_711], %broadcast_in_dim3A_3 {strides = array<i32>} : memref<38912xf32, #tpu.memory_space<vmem>>, vector<16xf32>,
      %while3A_713 = arith.constant 0 : i32
      scf.yield %while3A_713 : i32
    }
    %while3A_126 = arith.constant 1 : i32
    %while3A_127 = scf.for %while3A_580 = %while3A_123 to %while3A_119 step %while3A_126 iter_args(%while3A_581 = %while3A_125) -> (i32)  : i32 {
      %mul3A_582 = arith.constant 16 : i32
      %mul3A_583 = arith.muli %while3A_580, %mul3A_582 : i32
      %add3A_584 = arith.addi %shift_left3A_104, %mul3A_583 : i32
      %add3A_585 = arith.constant 0 : i32
      %add3A_586 = arith.addi %add3A_585, %add3A_584 : i32
      %swap3A_587 = arith.index_cast %add3A_586 : i32 to index
      %swap3A_588 = tpu.vector_load %arg6[%swap3A_587] {strides = array<i32>} : memref<38912xf32, #tpu.memory_space<vmem>>, vector<16xf32>,
      tpu.vector_store %arg6[%swap3A_587], %broadcast_in_dim3A_3 {strides = array<i32>} : memref<38912xf32, #tpu.memory_space<vmem>>, vector<16xf32>,
      %add3A_589 = arith.constant 1216 : i32
      %add3A_590 = arith.addi %add3A_589, %add3A_584 : i32
      %swap3A_591 = arith.index_cast %add3A_590 : i32 to index
      %swap3A_592 = tpu.vector_load %arg6[%swap3A_591] {strides = array<i32>} : memref<38912xf32, #tpu.memory_space<vmem>>, vector<16xf32>,
      tpu.vector_store %arg6[%swap3A_591], %broadcast_in_dim3A_3 {strides = array<i32>} : memref<38912xf32, #tpu.memory_space<vmem>>, vector<16xf32>,
      %add3A_593 = arith.constant 2432 : i32
      %add3A_594 = arith.addi %add3A_593, %add3A_584 : i32
      %swap3A_595 = arith.index_cast %add3A_594 : i32 to index
      %swap3A_596 = tpu.vector_load %arg6[%swap3A_595] {strides = array<i32>} : memref<38912xf32, #tpu.memory_space<vmem>>, vector<16xf32>,
      tpu.vector_store %arg6[%swap3A_595], %broadcast_in_dim3A_3 {strides = array<i32>} : memref<38912xf32, #tpu.memory_space<vmem>>, vector<16xf32>,
      %add3A_597 = arith.constant 3648 : i32
      %add3A_598 = arith.addi %add3A_597, %add3A_584 : i32
      %swap3A_599 = arith.index_cast %add3A_598 : i32 to index
      %swap3A_600 = tpu.vector_load %arg6[%swap3A_599] {strides = array<i32>} : memref<38912xf32, #tpu.memory_space<vmem>>, vector<16xf32>,
      tpu.vector_store %arg6[%swap3A_599], %broadcast_in_dim3A_3 {strides = array<i32>} : memref<38912xf32, #tpu.memory_space<vmem>>, vector<16xf32>,
      %add3A_601 = arith.constant 4864 : i32
      %add3A_602 = arith.addi %add3A_601, %add3A_584 : i32
      %swap3A_603 = arith.index_cast %add3A_602 : i32 to index
      %swap3A_604 = tpu.vector_load %arg6[%swap3A_603] {strides = array<i32>} : memref<38912xf32, #tpu.memory_space<vmem>>, vector<16xf32>,
      tpu.vector_store %arg6[%swap3A_603], %broadcast_in_dim3A_3 {strides = array<i32>} : memref<38912xf32, #tpu.memory_space<vmem>>, vector<16xf32>,
      %add3A_605 = arith.constant 6080 : i32
      %add3A_606 = arith.addi %add3A_605, %add3A_584 : i32
      %swap3A_607 = arith.index_cast %add3A_606 : i32 to index
      %swap3A_608 = tpu.vector_load %arg6[%swap3A_607] {strides = array<i32>} : memref<38912xf32, #tpu.memory_space<vmem>>, vector<16xf32>,
      tpu.vector_store %arg6[%swap3A_607], %broadcast_in_dim3A_3 {strides = array<i32>} : memref<38912xf32, #tpu.memory_space<vmem>>, vector<16xf32>,
      %add3A_609 = arith.constant 7296 : i32
      %add3A_610 = arith.addi %add3A_609, %add3A_584 : i32
      %swap3A_611 = arith.index_cast %add3A_610 : i32 to index
      %swap3A_612 = tpu.vector_load %arg6[%swap3A_611] {strides = array<i32>} : memref<38912xf32, #tpu.memory_space<vmem>>, vector<16xf32>,
      tpu.vector_store %arg6[%swap3A_611], %broadcast_in_dim3A_3 {strides = array<i32>} : memref<38912xf32, #tpu.memory_space<vmem>>, vector<16xf32>,
      %add3A_613 = arith.constant 8512 : i32
      %add3A_614 = arith.addi %add3A_613, %add3A_584 : i32
      %swap3A_615 = arith.index_cast %add3A_614 : i32 to index
      %swap3A_616 = tpu.vector_load %arg6[%swap3A_615] {strides = array<i32>} : memref<38912xf32, #tpu.memory_space<vmem>>, vector<16xf32>,
      tpu.vector_store %arg6[%swap3A_615], %broadcast_in_dim3A_3 {strides = array<i32>} : memref<38912xf32, #tpu.memory_space<vmem>>, vector<16xf32>,
      %add3A_617 = arith.constant 9728 : i32
      %add3A_618 = arith.addi %add3A_617, %add3A_584 : i32
      %swap3A_619 = arith.index_cast %add3A_618 : i32 to index
      %swap3A_620 = tpu.vector_load %arg6[%swap3A_619] {strides = array<i32>} : memref<38912xf32, #tpu.memory_space<vmem>>, vector<16xf32>,
      tpu.vector_store %arg6[%swap3A_619], %broadcast_in_dim3A_3 {strides = array<i32>} : memref<38912xf32, #tpu.memory_space<vmem>>, vector<16xf32>,
      %add3A_621 = arith.constant 10944 : i32
      %add3A_622 = arith.addi %add3A_621, %add3A_584 : i32
      %swap3A_623 = arith.index_cast %add3A_622 : i32 to index
      %swap3A_624 = tpu.vector_load %arg6[%swap3A_623] {strides = array<i32>} : memref<38912xf32, #tpu.memory_space<vmem>>, vector<16xf32>,
      tpu.vector_store %arg6[%swap3A_623], %broadcast_in_dim3A_3 {strides = array<i32>} : memref<38912xf32, #tpu.memory_space<vmem>>, vector<16xf32>,
      %add3A_625 = arith.constant 12160 : i32
      %add3A_626 = arith.addi %add3A_625, %add3A_584 : i32
      %swap3A_627 = arith.index_cast %add3A_626 : i32 to index
      %swap3A_628 = tpu.vector_load %arg6[%swap3A_627] {strides = array<i32>} : memref<38912xf32, #tpu.memory_space<vmem>>, vector<16xf32>,
      tpu.vector_store %arg6[%swap3A_627], %broadcast_in_dim3A_3 {strides = array<i32>} : memref<38912xf32, #tpu.memory_space<vmem>>, vector<16xf32>,
      %add3A_629 = arith.constant 13376 : i32
      %add3A_630 = arith.addi %add3A_629, %add3A_584 : i32
      %swap3A_631 = arith.index_cast %add3A_630 : i32 to index
      %swap3A_632 = tpu.vector_load %arg6[%swap3A_631] {strides = array<i32>} : memref<38912xf32, #tpu.memory_space<vmem>>, vector<16xf32>,
      tpu.vector_store %arg6[%swap3A_631], %broadcast_in_dim3A_3 {strides = array<i32>} : memref<38912xf32, #tpu.memory_space<vmem>>, vector<16xf32>,
      %add3A_633 = arith.constant 14592 : i32
      %add3A_634 = arith.addi %add3A_633, %add3A_584 : i32
      %swap3A_635 = arith.index_cast %add3A_634 : i32 to index
      %swap3A_636 = tpu.vector_load %arg6[%swap3A_635] {strides = array<i32>} : memref<38912xf32, #tpu.memory_space<vmem>>, vector<16xf32>,
      tpu.vector_store %arg6[%swap3A_635], %broadcast_in_dim3A_3 {strides = array<i32>} : memref<38912xf32, #tpu.memory_space<vmem>>, vector<16xf32>,
      %add3A_637 = arith.constant 15808 : i32
      %add3A_638 = arith.addi %add3A_637, %add3A_584 : i32
      %swap3A_639 = arith.index_cast %add3A_638 : i32 to index
      %swap3A_640 = tpu.vector_load %arg6[%swap3A_639] {strides = array<i32>} : memref<38912xf32, #tpu.memory_space<vmem>>, vector<16xf32>,
      tpu.vector_store %arg6[%swap3A_639], %broadcast_in_dim3A_3 {strides = array<i32>} : memref<38912xf32, #tpu.memory_space<vmem>>, vector<16xf32>,
      %add3A_641 = arith.constant 17024 : i32
      %add3A_642 = arith.addi %add3A_641, %add3A_584 : i32
      %swap3A_643 = arith.index_cast %add3A_642 : i32 to index
      %swap3A_644 = tpu.vector_load %arg6[%swap3A_643] {strides = array<i32>} : memref<38912xf32, #tpu.memory_space<vmem>>, vector<16xf32>,
      tpu.vector_store %arg6[%swap3A_643], %broadcast_in_dim3A_3 {strides = array<i32>} : memref<38912xf32, #tpu.memory_space<vmem>>, vector<16xf32>,
      %add3A_645 = arith.constant 18240 : i32
      %add3A_646 = arith.addi %add3A_645, %add3A_584 : i32
      %swap3A_647 = arith.index_cast %add3A_646 : i32 to index
      %swap3A_648 = tpu.vector_load %arg6[%swap3A_647] {strides = array<i32>} : memref<38912xf32, #tpu.memory_space<vmem>>, vector<16xf32>,
      tpu.vector_store %arg6[%swap3A_647], %broadcast_in_dim3A_3 {strides = array<i32>} : memref<38912xf32, #tpu.memory_space<vmem>>, vector<16xf32>,
      %add3A_649 = arith.constant 19456 : i32
      %add3A_650 = arith.addi %add3A_649, %add3A_584 : i32
      %swap3A_651 = arith.index_cast %add3A_650 : i32 to index
      %swap3A_652 = tpu.vector_load %arg6[%swap3A_651] {strides = array<i32>} : memref<38912xf32, #tpu.memory_space<vmem>>, vector<16xf32>,
      tpu.vector_store %arg6[%swap3A_651], %broadcast_in_dim3A_3 {strides = array<i32>} : memref<38912xf32, #tpu.memory_space<vmem>>, vector<16xf32>,
      %add3A_653 = arith.constant 20672 : i32
      %add3A_654 = arith.addi %add3A_653, %add3A_584 : i32
      %swap3A_655 = arith.index_cast %add3A_654 : i32 to index
      %swap3A_656 = tpu.vector_load %arg6[%swap3A_655] {strides = array<i32>} : memref<38912xf32, #tpu.memory_space<vmem>>, vector<16xf32>,
      tpu.vector_store %arg6[%swap3A_655], %broadcast_in_dim3A_3 {strides = array<i32>} : memref<38912xf32, #tpu.memory_space<vmem>>, vector<16xf32>,
      %add3A_657 = arith.constant 21888 : i32
      %add3A_658 = arith.addi %add3A_657, %add3A_584 : i32
      %swap3A_659 = arith.index_cast %add3A_658 : i32 to index
      %swap3A_660 = tpu.vector_load %arg6[%swap3A_659] {strides = array<i32>} : memref<38912xf32, #tpu.memory_space<vmem>>, vector<16xf32>,
      tpu.vector_store %arg6[%swap3A_659], %broadcast_in_dim3A_3 {strides = array<i32>} : memref<38912xf32, #tpu.memory_space<vmem>>, vector<16xf32>,
      %add3A_661 = arith.constant 23104 : i32
      %add3A_662 = arith.addi %add3A_661, %add3A_584 : i32
      %swap3A_663 = arith.index_cast %add3A_662 : i32 to index
      %swap3A_664 = tpu.vector_load %arg6[%swap3A_663] {strides = array<i32>} : memref<38912xf32, #tpu.memory_space<vmem>>, vector<16xf32>,
      tpu.vector_store %arg6[%swap3A_663], %broadcast_in_dim3A_3 {strides = array<i32>} : memref<38912xf32, #tpu.memory_space<vmem>>, vector<16xf32>,
      %add3A_665 = arith.constant 24320 : i32
      %add3A_666 = arith.addi %add3A_665, %add3A_584 : i32
      %swap3A_667 = arith.index_cast %add3A_666 : i32 to index
      %swap3A_668 = tpu.vector_load %arg6[%swap3A_667] {strides = array<i32>} : memref<38912xf32, #tpu.memory_space<vmem>>, vector<16xf32>,
      tpu.vector_store %arg6[%swap3A_667], %broadcast_in_dim3A_3 {strides = array<i32>} : memref<38912xf32, #tpu.memory_space<vmem>>, vector<16xf32>,
      %add3A_669 = arith.constant 25536 : i32
      %add3A_670 = arith.addi %add3A_669, %add3A_584 : i32
      %swap3A_671 = arith.index_cast %add3A_670 : i32 to index
      %swap3A_672 = tpu.vector_load %arg6[%swap3A_671] {strides = array<i32>} : memref<38912xf32, #tpu.memory_space<vmem>>, vector<16xf32>,
      tpu.vector_store %arg6[%swap3A_671], %broadcast_in_dim3A_3 {strides = array<i32>} : memref<38912xf32, #tpu.memory_space<vmem>>, vector<16xf32>,
      %add3A_673 = arith.constant 26752 : i32
      %add3A_674 = arith.addi %add3A_673, %add3A_584 : i32
      %swap3A_675 = arith.index_cast %add3A_674 : i32 to index
      %swap3A_676 = tpu.vector_load %arg6[%swap3A_675] {strides = array<i32>} : memref<38912xf32, #tpu.memory_space<vmem>>, vector<16xf32>,
      tpu.vector_store %arg6[%swap3A_675], %broadcast_in_dim3A_3 {strides = array<i32>} : memref<38912xf32, #tpu.memory_space<vmem>>, vector<16xf32>,
      %add3A_677 = arith.constant 27968 : i32
      %add3A_678 = arith.addi %add3A_677, %add3A_584 : i32
      %swap3A_679 = arith.index_cast %add3A_678 : i32 to index
      %swap3A_680 = tpu.vector_load %arg6[%swap3A_679] {strides = array<i32>} : memref<38912xf32, #tpu.memory_space<vmem>>, vector<16xf32>,
      tpu.vector_store %arg6[%swap3A_679], %broadcast_in_dim3A_3 {strides = array<i32>} : memref<38912xf32, #tpu.memory_space<vmem>>, vector<16xf32>,
      %add3A_681 = arith.constant 29184 : i32
      %add3A_682 = arith.addi %add3A_681, %add3A_584 : i32
      %swap3A_683 = arith.index_cast %add3A_682 : i32 to index
      %swap3A_684 = tpu.vector_load %arg6[%swap3A_683] {strides = array<i32>} : memref<38912xf32, #tpu.memory_space<vmem>>, vector<16xf32>,
      tpu.vector_store %arg6[%swap3A_683], %broadcast_in_dim3A_3 {strides = array<i32>} : memref<38912xf32, #tpu.memory_space<vmem>>, vector<16xf32>,
      %add3A_685 = arith.constant 30400 : i32
      %add3A_686 = arith.addi %add3A_685, %add3A_584 : i32
      %swap3A_687 = arith.index_cast %add3A_686 : i32 to index
      %swap3A_688 = tpu.vector_load %arg6[%swap3A_687] {strides = array<i32>} : memref<38912xf32, #tpu.memory_space<vmem>>, vector<16xf32>,
      tpu.vector_store %arg6[%swap3A_687], %broadcast_in_dim3A_3 {strides = array<i32>} : memref<38912xf32, #tpu.memory_space<vmem>>, vector<16xf32>,
      %add3A_689 = arith.constant 31616 : i32
      %add3A_690 = arith.addi %add3A_689, %add3A_584 : i32
      %swap3A_691 = arith.index_cast %add3A_690 : i32 to index
      %swap3A_692 = tpu.vector_load %arg6[%swap3A_691] {strides = array<i32>} : memref<38912xf32, #tpu.memory_space<vmem>>, vector<16xf32>,
      tpu.vector_store %arg6[%swap3A_691], %broadcast_in_dim3A_3 {strides = array<i32>} : memref<38912xf32, #tpu.memory_space<vmem>>, vector<16xf32>,
      %add3A_693 = arith.constant 32832 : i32
      %add3A_694 = arith.addi %add3A_693, %add3A_584 : i32
      %swap3A_695 = arith.index_cast %add3A_694 : i32 to index
      %swap3A_696 = tpu.vector_load %arg6[%swap3A_695] {strides = array<i32>} : memref<38912xf32, #tpu.memory_space<vmem>>, vector<16xf32>,
      tpu.vector_store %arg6[%swap3A_695], %broadcast_in_dim3A_3 {strides = array<i32>} : memref<38912xf32, #tpu.memory_space<vmem>>, vector<16xf32>,
      %add3A_697 = arith.constant 34048 : i32
      %add3A_698 = arith.addi %add3A_697, %add3A_584 : i32
      %swap3A_699 = arith.index_cast %add3A_698 : i32 to index
      %swap3A_700 = tpu.vector_load %arg6[%swap3A_699] {strides = array<i32>} : memref<38912xf32, #tpu.memory_space<vmem>>, vector<16xf32>,
      tpu.vector_store %arg6[%swap3A_699], %broadcast_in_dim3A_3 {strides = array<i32>} : memref<38912xf32, #tpu.memory_space<vmem>>, vector<16xf32>,
      %add3A_701 = arith.constant 35264 : i32
      %add3A_702 = arith.addi %add3A_701, %add3A_584 : i32
      %swap3A_703 = arith.index_cast %add3A_702 : i32 to index
      %swap3A_704 = tpu.vector_load %arg6[%swap3A_703] {strides = array<i32>} : memref<38912xf32, #tpu.memory_space<vmem>>, vector<16xf32>,
      tpu.vector_store %arg6[%swap3A_703], %broadcast_in_dim3A_3 {strides = array<i32>} : memref<38912xf32, #tpu.memory_space<vmem>>, vector<16xf32>,
      %add3A_705 = arith.constant 36480 : i32
      %add3A_706 = arith.addi %add3A_705, %add3A_584 : i32
      %swap3A_707 = arith.index_cast %add3A_706 : i32 to index
      %swap3A_708 = tpu.vector_load %arg6[%swap3A_707] {strides = array<i32>} : memref<38912xf32, #tpu.memory_space<vmem>>, vector<16xf32>,
      tpu.vector_store %arg6[%swap3A_707], %broadcast_in_dim3A_3 {strides = array<i32>} : memref<38912xf32, #tpu.memory_space<vmem>>, vector<16xf32>,
      %add3A_709 = arith.constant 37696 : i32
      %add3A_710 = arith.addi %add3A_709, %add3A_584 : i32
      %swap3A_711 = arith.index_cast %add3A_710 : i32 to index
      %swap3A_712 = tpu.vector_load %arg6[%swap3A_711] {strides = array<i32>} : memref<38912xf32, #tpu.memory_space<vmem>>, vector<16xf32>,
      tpu.vector_store %arg6[%swap3A_711], %broadcast_in_dim3A_3 {strides = array<i32>} : memref<38912xf32, #tpu.memory_space<vmem>>, vector<16xf32>,
      %while3A_713 = arith.constant 0 : i32
      scf.yield %while3A_713 : i32
    }
    %parallel_loop3A_128 = arith.constant 1 : i32
    %parallel_loop3A_129 = arith.constant 512 : i32
    %parallel_loop3A_130 = arith.constant 1 : i32
    %parallel_loop3A_131:3 = scf.for %parallel_loop3A_580 = %parallel_loop3A_128 to %parallel_loop3A_129 step %parallel_loop3A_130 iter_args(%parallel_loop3A_581 = %get3A_100, %parallel_loop3A_582 = %get3A_108, %parallel_loop3A_583 = %get3A_112) -> (vector<16xi32>, vector<16xf32>, vector<16xf32>)  : i32 {
      %parallel_loop3A_584 = arith.constant 16 : i32
      %parallel_loop3A_585 = arith.muli %parallel_loop3A_580, %parallel_loop3A_584 : i32
      %parallel_loop3A_586 = arith.constant 0 : i32
      %parallel_loop3A_587 = arith.index_cast %parallel_loop3A_586 : i32 to index
      %parallel_loop3A_588 = arith.index_cast %parallel_loop3A_585 : i32 to index
      %parallel_loop3A_589 = tpu.vector_load %arg8[%parallel_loop3A_587, %parallel_loop3A_588] {strides = array<i32>} : memref<2x8192xi32, #tpu.memory_space<vmem>>, vector<16xi32>,
      %parallel_loop3A_590 = arith.constant 0 : i32
      %parallel_loop3A_591 = arith.index_cast %parallel_loop3A_590 : i32 to index
      %parallel_loop3A_592 = arith.index_cast %parallel_loop3A_585 : i32 to index
      %parallel_loop3A_593 = tpu.vector_load %arg9[%parallel_loop3A_591, %parallel_loop3A_592] {strides = array<i32>} : memref<2x8192xf32, #tpu.memory_space<vmem>>, vector<16xf32>,
      %parallel_loop3A_594 = arith.constant 0 : i32
      %parallel_loop3A_595 = arith.index_cast %parallel_loop3A_594 : i32 to index
      %parallel_loop3A_596 = arith.index_cast %parallel_loop3A_585 : i32 to index
      %parallel_loop3A_597 = tpu.vector_load %arg10[%parallel_loop3A_595, %parallel_loop3A_596] {strides = array<i32>} : memref<2x8192xf32, #tpu.memory_space<vmem>>, vector<16xf32>,
      %parallel_loop3A_598 = arith.cmpi ne, %parallel_loop3A_589, %parallel_loop3A_581 : vector<16xi32>
      %parallel_loop3A_599 = arith.addi %mul3A_6, %parallel_loop3A_581 : vector<16xi32>
      tpu.vector_store_idx %arg6[%parallel_loop3A_599], %parallel_loop3A_582 masked %parallel_loop3A_598 : memref<38912xf32, #tpu.memory_space<vmem>>[vector<16xi32>], vector<16xf32>, vector<16xi1>
      %parallel_loop3A_600 = arith.constant 1216 : i32
      %parallel_loop3A_601 = vector.broadcast %parallel_loop3A_600 : i32 to vector<16xi32>
      %parallel_loop3A_602 = arith.addi %parallel_loop3A_599, %parallel_loop3A_601 : vector<16xi32>
      tpu.vector_store_idx %arg6[%parallel_loop3A_602], %parallel_loop3A_583 masked %parallel_loop3A_598 : memref<38912xf32, #tpu.memory_space<vmem>>[vector<16xi32>], vector<16xf32>, vector<16xi1>
      %parallel_loop3A_603 = arith.maximumf %parallel_loop3A_582, %parallel_loop3A_593 : vector<16xf32>
      %parallel_loop3A_604 = arith.select %parallel_loop3A_598, %parallel_loop3A_593, %parallel_loop3A_603 : vector<16xi1>, vector<16xf32>
      %parallel_loop3A_605 = arith.maximumf %parallel_loop3A_583, %parallel_loop3A_597 : vector<16xf32>
      %parallel_loop3A_606 = arith.select %parallel_loop3A_598, %parallel_loop3A_597, %parallel_loop3A_605 : vector<16xi1>, vector<16xf32>
      scf.yield %parallel_loop3A_589, %parallel_loop3A_604, %parallel_loop3A_606 : vector<16xi32>, vector<16xf32>, vector<16xf32>
    } {sc.loop_unroll_factor = 8 : i64, sc.parallel_access}
    %add3A_132 = arith.constant 16384 : i32
    %add3A_133 = arith.addi %mul3A_2, %add3A_132 : i32
    %dma_start3A_134 = arith.constant 0 : i32
    %dma_start3A_135 = arith.constant 0 : i32
    %dma_start3A_136 = tpu.memref_slice %arg8[%dma_start3A_134, %dma_start3A_135] : memref<2x8192xi32, #tpu.memory_space<vmem>> -> memref<1x8192xi32, #tpu.memory_space<vmem>>
    %dma_start3A_137 = tpu.memref_squeeze %dma_start3A_136 : memref<1x8192xi32, #tpu.memory_space<vmem>> -> memref<8192xi32, #tpu.memory_space<vmem>>
    %dma_start3A_138 = tpu.memref_slice %arg4[%add3A_133] : memref<1048576xi32, #tpu.memory_space<hbm>> -> memref<8192xi32, #tpu.memory_space<hbm>>
    %dma_start3A_139 = arith.constant 0 : i32
    %dma_start3A_140 = tpu.memref_slice %arg8[%dma_start3A_134, %dma_start3A_139] : memref<2x8192xi32, #tpu.memory_space<vmem>> -> memref<1x8192xi32, #tpu.memory_space<vmem>>
    %dma_start3A_141 = tpu.memref_squeeze %dma_start3A_140 : memref<1x8192xi32, #tpu.memory_space<vmem>> -> memref<8192xi32, #tpu.memory_space<vmem>>
    %dma_start3A_142 = tpu.memref_slice %arg4[%add3A_133] : memref<1048576xi32, #tpu.memory_space<hbm>> -> memref<8192xi32, #tpu.memory_space<hbm>>
    tpu.enqueue_dma source(%dma_start3A_142 : memref<8192xi32, #tpu.memory_space<hbm>>) target(%dma_start3A_141 : memref<8192xi32, #tpu.memory_space<vmem>>) target_semaphore(%arg11 : memref<!tpu.dma_semaphore, #tpu.memory_space<semaphore_mem>>)
    %dma_start3A_143 = arith.constant 0 : i32
    %dma_start3A_144 = arith.constant 0 : i32
    %dma_start3A_145 = tpu.memref_slice %arg9[%dma_start3A_143, %dma_start3A_144] : memref<2x8192xf32, #tpu.memory_space<vmem>> -> memref<1x8192xf32, #tpu.memory_space<vmem>>
    %dma_start3A_146 = tpu.memref_squeeze %dma_start3A_145 : memref<1x8192xf32, #tpu.memory_space<vmem>> -> memref<8192xf32, #tpu.memory_space<vmem>>
    %dma_start3A_147 = tpu.memref_slice %arg2[%add3A_133] : memref<1048576xf32, #tpu.memory_space<hbm>> -> memref<8192xf32, #tpu.memory_space<hbm>>
    %dma_start3A_148 = arith.constant 0 : i32
    %dma_start3A_149 = tpu.memref_slice %arg9[%dma_start3A_143, %dma_start3A_148] : memref<2x8192xf32, #tpu.memory_space<vmem>> -> memref<1x8192xf32, #tpu.memory_space<vmem>>
    %dma_start3A_150 = tpu.memref_squeeze %dma_start3A_149 : memref<1x8192xf32, #tpu.memory_space<vmem>> -> memref<8192xf32, #tpu.memory_space<vmem>>
    %dma_start3A_151 = tpu.memref_slice %arg2[%add3A_133] : memref<1048576xf32, #tpu.memory_space<hbm>> -> memref<8192xf32, #tpu.memory_space<hbm>>
    tpu.enqueue_dma source(%dma_start3A_151 : memref<8192xf32, #tpu.memory_space<hbm>>) target(%dma_start3A_150 : memref<8192xf32, #tpu.memory_space<vmem>>) target_semaphore(%arg11 : memref<!tpu.dma_semaphore, #tpu.memory_space<semaphore_mem>>)
    %dma_start3A_152 = arith.constant 0 : i32
    %dma_start3A_153 = arith.constant 0 : i32
    %dma_start3A_154 = tpu.memref_slice %arg10[%dma_start3A_152, %dma_start3A_153] : memref<2x8192xf32, #tpu.memory_space<vmem>> -> memref<1x8192xf32, #tpu.memory_space<vmem>>
    %dma_start3A_155 = tpu.memref_squeeze %dma_start3A_154 : memref<1x8192xf32, #tpu.memory_space<vmem>> -> memref<8192xf32, #tpu.memory_space<vmem>>
    %dma_start3A_156 = tpu.memref_slice %arg3[%add3A_133] : memref<1048576xf32, #tpu.memory_space<hbm>> -> memref<8192xf32, #tpu.memory_space<hbm>>
    %dma_start3A_157 = arith.constant 0 : i32
    %dma_start3A_158 = tpu.memref_slice %arg10[%dma_start3A_152, %dma_start3A_157] : memref<2x8192xf32, #tpu.memory_space<vmem>> -> memref<1x8192xf32, #tpu.memory_space<vmem>>
    %dma_start3A_159 = tpu.memref_squeeze %dma_start3A_158 : memref<1x8192xf32, #tpu.memory_space<vmem>> -> memref<8192xf32, #tpu.memory_space<vmem>>
    %dma_start3A_160 = tpu.memref_slice %arg3[%add3A_133] : memref<1048576xf32, #tpu.memory_space<hbm>> -> memref<8192xf32, #tpu.memory_space<hbm>>
    tpu.enqueue_dma source(%dma_start3A_160 : memref<8192xf32, #tpu.memory_space<hbm>>) target(%dma_start3A_159 : memref<8192xf32, #tpu.memory_space<vmem>>) target_semaphore(%arg11 : memref<!tpu.dma_semaphore, #tpu.memory_space<semaphore_mem>>)
    %add3A_161 = arith.constant 8192 : i32
    %add3A_162 = arith.addi %mul3A_2, %add3A_161 : i32
    %dma_wait3A_163 = arith.constant 1 : i32
    %dma_wait3A_164 = arith.constant 0 : i32
    %dma_wait3A_165 = tpu.memref_slice %arg8[%dma_wait3A_163, %dma_wait3A_164] : memref<2x8192xi32, #tpu.memory_space<vmem>> -> memref<1x8192xi32, #tpu.memory_space<vmem>>
    %dma_wait3A_166 = tpu.memref_squeeze %dma_wait3A_165 : memref<1x8192xi32, #tpu.memory_space<vmem>> -> memref<8192xi32, #tpu.memory_space<vmem>>
    %dma_wait3A_167 = tpu.memref_slice %arg4[%add3A_162] : memref<1048576xi32, #tpu.memory_space<hbm>> -> memref<8192xi32, #tpu.memory_space<hbm>>
    %dma_wait3A_168 = arith.constant 0 : i32
    %dma_wait3A_169 = tpu.memref_slice %arg8[%dma_wait3A_163, %dma_wait3A_168] : memref<2x8192xi32, #tpu.memory_space<vmem>> -> memref<1x8192xi32, #tpu.memory_space<vmem>>
    %dma_wait3A_170 = tpu.memref_squeeze %dma_wait3A_169 : memref<1x8192xi32, #tpu.memory_space<vmem>> -> memref<8192xi32, #tpu.memory_space<vmem>>
    %dma_wait3A_171 = tpu.memref_slice %arg4[%add3A_162] : memref<1048576xi32, #tpu.memory_space<hbm>> -> memref<8192xi32, #tpu.memory_space<hbm>>
    tpu.wait_dma2 semaphore(%arg12 : memref<!tpu.dma_semaphore, #tpu.memory_space<semaphore_mem>>) src(%dma_wait3A_171 : memref<8192xi32, #tpu.memory_space<hbm>>) dst(%dma_wait3A_170 : memref<8192xi32, #tpu.memory_space<vmem>>)
    %dma_wait3A_172 = arith.constant 1 : i32
    %dma_wait3A_173 = arith.constant 0 : i32
    %dma_wait3A_174 = tpu.memref_slice %arg9[%dma_wait3A_172, %dma_wait3A_173] : memref<2x8192xf32, #tpu.memory_space<vmem>> -> memref<1x8192xf32, #tpu.memory_space<vmem>>
    %dma_wait3A_175 = tpu.memref_squeeze %dma_wait3A_174 : memref<1x8192xf32, #tpu.memory_space<vmem>> -> memref<8192xf32, #tpu.memory_space<vmem>>
    %dma_wait3A_176 = tpu.memref_slice %arg2[%add3A_162] : memref<1048576xf32, #tpu.memory_space<hbm>> -> memref<8192xf32, #tpu.memory_space<hbm>>
    %dma_wait3A_177 = arith.constant 0 : i32
    %dma_wait3A_178 = tpu.memref_slice %arg9[%dma_wait3A_172, %dma_wait3A_177] : memref<2x8192xf32, #tpu.memory_space<vmem>> -> memref<1x8192xf32, #tpu.memory_space<vmem>>
    %dma_wait3A_179 = tpu.memref_squeeze %dma_wait3A_178 : memref<1x8192xf32, #tpu.memory_space<vmem>> -> memref<8192xf32, #tpu.memory_space<vmem>>
    %dma_wait3A_180 = tpu.memref_slice %arg2[%add3A_162] : memref<1048576xf32, #tpu.memory_space<hbm>> -> memref<8192xf32, #tpu.memory_space<hbm>>
    tpu.wait_dma2 semaphore(%arg12 : memref<!tpu.dma_semaphore, #tpu.memory_space<semaphore_mem>>) src(%dma_wait3A_180 : memref<8192xf32, #tpu.memory_space<hbm>>) dst(%dma_wait3A_179 : memref<8192xf32, #tpu.memory_space<vmem>>)
    %dma_wait3A_181 = arith.constant 1 : i32
    %dma_wait3A_182 = arith.constant 0 : i32
    %dma_wait3A_183 = tpu.memref_slice %arg10[%dma_wait3A_181, %dma_wait3A_182] : memref<2x8192xf32, #tpu.memory_space<vmem>> -> memref<1x8192xf32, #tpu.memory_space<vmem>>
    %dma_wait3A_184 = tpu.memref_squeeze %dma_wait3A_183 : memref<1x8192xf32, #tpu.memory_space<vmem>> -> memref<8192xf32, #tpu.memory_space<vmem>>
    %dma_wait3A_185 = tpu.memref_slice %arg3[%add3A_162] : memref<1048576xf32, #tpu.memory_space<hbm>> -> memref<8192xf32, #tpu.memory_space<hbm>>
    %dma_wait3A_186 = arith.constant 0 : i32
    %dma_wait3A_187 = tpu.memref_slice %arg10[%dma_wait3A_181, %dma_wait3A_186] : memref<2x8192xf32, #tpu.memory_space<vmem>> -> memref<1x8192xf32, #tpu.memory_space<vmem>>
    %dma_wait3A_188 = tpu.memref_squeeze %dma_wait3A_187 : memref<1x8192xf32, #tpu.memory_space<vmem>> -> memref<8192xf32, #tpu.memory_space<vmem>>
    %dma_wait3A_189 = tpu.memref_slice %arg3[%add3A_162] : memref<1048576xf32, #tpu.memory_space<hbm>> -> memref<8192xf32, #tpu.memory_space<hbm>>
    tpu.wait_dma2 semaphore(%arg12 : memref<!tpu.dma_semaphore, #tpu.memory_space<semaphore_mem>>) src(%dma_wait3A_189 : memref<8192xf32, #tpu.memory_space<hbm>>) dst(%dma_wait3A_188 : memref<8192xf32, #tpu.memory_space<vmem>>)
    %get3A_190 = arith.constant 1 : i32
    %get3A_191 = arith.index_cast %get3A_190 : i32 to index
    %get3A_192 = arith.constant 8176 : index
    %get3A_193 = tpu.vector_load %arg8[%get3A_191, %get3A_192] {strides = array<i32>} : memref<2x8192xi32, #tpu.memory_space<vmem>>, vector<16xi32>,
    %slice3A_194 = vector.extract_strided_slice %get3A_193 {offsets = [15], sizes = [1], strides = [1]} : vector<16xi32> to vector<1xi32>
    %squeeze3A_195 = vector.extract %slice3A_194[0] : i32 from vector<1xi32>
    %add3A_196 = arith.constant 1 : i32
    %add3A_197 = arith.addi %squeeze3A, %add3A_196 : i32
    %sub3A_198 = arith.subi %squeeze3A_195, %add3A_197 : i32
    %add3A_199 = arith.constant 16 : i32
    %add3A_200 = arith.addi %sub3A_198, %add3A_199 : i32
    %shift_right_arithmetic3A_201 = arith.constant 4 : i32
    %shift_right_arithmetic3A_202 = arith.shrsi %add3A_200, %shift_right_arithmetic3A_201 : i32
    %while3A_203 = arith.constant 0 : i32
    %while3A_204 = arith.constant 0 : i32
    %while3A_205 = arith.subi %shift_right_arithmetic3A_202, %while3A_203 : i32
    %while3A_206 = arith.addi %while3A_203, %while3A_205 : i32
    %while3A_207 = arith.constant 1 : i32
    %while3A_208 = arith.divsi %while3A_205, %while3A_207 : i32
    %while3A_209 = arith.muli %while3A_208, %while3A_207 : i32
    %while3A_210 = arith.addi %while3A_203, %while3A_209 : i32
    %while3A_211 = arith.constant 1 : i32
    %while3A_212 = scf.for %while3A_580 = %while3A_203 to %while3A_210 step %while3A_211 iter_args(%while3A_581 = %while3A_204) -> (i32)  : i32 {
      %mul3A_582 = arith.constant 16 : i32
      %mul3A_583 = arith.muli %while3A_580, %mul3A_582 : i32
      %add3A_584 = arith.addi %add3A_197, %mul3A_583 : i32
      %add3A_585 = arith.constant 0 : i32
      %add3A_586 = arith.addi %add3A_585, %add3A_584 : i32
      %swap3A_587 = arith.index_cast %add3A_586 : i32 to index
      %swap3A_588 = tpu.vector_load %arg6[%swap3A_587] {strides = array<i32>} : memref<38912xf32, #tpu.memory_space<vmem>>, vector<16xf32>,
      tpu.vector_store %arg6[%swap3A_587], %broadcast_in_dim3A_3 {strides = array<i32>} : memref<38912xf32, #tpu.memory_space<vmem>>, vector<16xf32>,
      %add3A_589 = arith.constant 1216 : i32
      %add3A_590 = arith.addi %add3A_589, %add3A_584 : i32
      %swap3A_591 = arith.index_cast %add3A_590 : i32 to index
      %swap3A_592 = tpu.vector_load %arg6[%swap3A_591] {strides = array<i32>} : memref<38912xf32, #tpu.memory_space<vmem>>, vector<16xf32>,
      tpu.vector_store %arg6[%swap3A_591], %broadcast_in_dim3A_3 {strides = array<i32>} : memref<38912xf32, #tpu.memory_space<vmem>>, vector<16xf32>,
      %add3A_593 = arith.constant 2432 : i32
      %add3A_594 = arith.addi %add3A_593, %add3A_584 : i32
      %swap3A_595 = arith.index_cast %add3A_594 : i32 to index
      %swap3A_596 = tpu.vector_load %arg6[%swap3A_595] {strides = array<i32>} : memref<38912xf32, #tpu.memory_space<vmem>>, vector<16xf32>,
      tpu.vector_store %arg6[%swap3A_595], %broadcast_in_dim3A_3 {strides = array<i32>} : memref<38912xf32, #tpu.memory_space<vmem>>, vector<16xf32>,
      %add3A_597 = arith.constant 3648 : i32
      %add3A_598 = arith.addi %add3A_597, %add3A_584 : i32
      %swap3A_599 = arith.index_cast %add3A_598 : i32 to index
      %swap3A_600 = tpu.vector_load %arg6[%swap3A_599] {strides = array<i32>} : memref<38912xf32, #tpu.memory_space<vmem>>, vector<16xf32>,
      tpu.vector_store %arg6[%swap3A_599], %broadcast_in_dim3A_3 {strides = array<i32>} : memref<38912xf32, #tpu.memory_space<vmem>>, vector<16xf32>,
      %add3A_601 = arith.constant 4864 : i32
      %add3A_602 = arith.addi %add3A_601, %add3A_584 : i32
      %swap3A_603 = arith.index_cast %add3A_602 : i32 to index
      %swap3A_604 = tpu.vector_load %arg6[%swap3A_603] {strides = array<i32>} : memref<38912xf32, #tpu.memory_space<vmem>>, vector<16xf32>,
      tpu.vector_store %arg6[%swap3A_603], %broadcast_in_dim3A_3 {strides = array<i32>} : memref<38912xf32, #tpu.memory_space<vmem>>, vector<16xf32>,
      %add3A_605 = arith.constant 6080 : i32
      %add3A_606 = arith.addi %add3A_605, %add3A_584 : i32
      %swap3A_607 = arith.index_cast %add3A_606 : i32 to index
      %swap3A_608 = tpu.vector_load %arg6[%swap3A_607] {strides = array<i32>} : memref<38912xf32, #tpu.memory_space<vmem>>, vector<16xf32>,
      tpu.vector_store %arg6[%swap3A_607], %broadcast_in_dim3A_3 {strides = array<i32>} : memref<38912xf32, #tpu.memory_space<vmem>>, vector<16xf32>,
      %add3A_609 = arith.constant 7296 : i32
      %add3A_610 = arith.addi %add3A_609, %add3A_584 : i32
      %swap3A_611 = arith.index_cast %add3A_610 : i32 to index
      %swap3A_612 = tpu.vector_load %arg6[%swap3A_611] {strides = array<i32>} : memref<38912xf32, #tpu.memory_space<vmem>>, vector<16xf32>,
      tpu.vector_store %arg6[%swap3A_611], %broadcast_in_dim3A_3 {strides = array<i32>} : memref<38912xf32, #tpu.memory_space<vmem>>, vector<16xf32>,
      %add3A_613 = arith.constant 8512 : i32
      %add3A_614 = arith.addi %add3A_613, %add3A_584 : i32
      %swap3A_615 = arith.index_cast %add3A_614 : i32 to index
      %swap3A_616 = tpu.vector_load %arg6[%swap3A_615] {strides = array<i32>} : memref<38912xf32, #tpu.memory_space<vmem>>, vector<16xf32>,
      tpu.vector_store %arg6[%swap3A_615], %broadcast_in_dim3A_3 {strides = array<i32>} : memref<38912xf32, #tpu.memory_space<vmem>>, vector<16xf32>,
      %add3A_617 = arith.constant 9728 : i32
      %add3A_618 = arith.addi %add3A_617, %add3A_584 : i32
      %swap3A_619 = arith.index_cast %add3A_618 : i32 to index
      %swap3A_620 = tpu.vector_load %arg6[%swap3A_619] {strides = array<i32>} : memref<38912xf32, #tpu.memory_space<vmem>>, vector<16xf32>,
      tpu.vector_store %arg6[%swap3A_619], %broadcast_in_dim3A_3 {strides = array<i32>} : memref<38912xf32, #tpu.memory_space<vmem>>, vector<16xf32>,
      %add3A_621 = arith.constant 10944 : i32
      %add3A_622 = arith.addi %add3A_621, %add3A_584 : i32
      %swap3A_623 = arith.index_cast %add3A_622 : i32 to index
      %swap3A_624 = tpu.vector_load %arg6[%swap3A_623] {strides = array<i32>} : memref<38912xf32, #tpu.memory_space<vmem>>, vector<16xf32>,
      tpu.vector_store %arg6[%swap3A_623], %broadcast_in_dim3A_3 {strides = array<i32>} : memref<38912xf32, #tpu.memory_space<vmem>>, vector<16xf32>,
      %add3A_625 = arith.constant 12160 : i32
      %add3A_626 = arith.addi %add3A_625, %add3A_584 : i32
      %swap3A_627 = arith.index_cast %add3A_626 : i32 to index
      %swap3A_628 = tpu.vector_load %arg6[%swap3A_627] {strides = array<i32>} : memref<38912xf32, #tpu.memory_space<vmem>>, vector<16xf32>,
      tpu.vector_store %arg6[%swap3A_627], %broadcast_in_dim3A_3 {strides = array<i32>} : memref<38912xf32, #tpu.memory_space<vmem>>, vector<16xf32>,
      %add3A_629 = arith.constant 13376 : i32
      %add3A_630 = arith.addi %add3A_629, %add3A_584 : i32
      %swap3A_631 = arith.index_cast %add3A_630 : i32 to index
      %swap3A_632 = tpu.vector_load %arg6[%swap3A_631] {strides = array<i32>} : memref<38912xf32, #tpu.memory_space<vmem>>, vector<16xf32>,
      tpu.vector_store %arg6[%swap3A_631], %broadcast_in_dim3A_3 {strides = array<i32>} : memref<38912xf32, #tpu.memory_space<vmem>>, vector<16xf32>,
      %add3A_633 = arith.constant 14592 : i32
      %add3A_634 = arith.addi %add3A_633, %add3A_584 : i32
      %swap3A_635 = arith.index_cast %add3A_634 : i32 to index
      %swap3A_636 = tpu.vector_load %arg6[%swap3A_635] {strides = array<i32>} : memref<38912xf32, #tpu.memory_space<vmem>>, vector<16xf32>,
      tpu.vector_store %arg6[%swap3A_635], %broadcast_in_dim3A_3 {strides = array<i32>} : memref<38912xf32, #tpu.memory_space<vmem>>, vector<16xf32>,
      %add3A_637 = arith.constant 15808 : i32
      %add3A_638 = arith.addi %add3A_637, %add3A_584 : i32
      %swap3A_639 = arith.index_cast %add3A_638 : i32 to index
      %swap3A_640 = tpu.vector_load %arg6[%swap3A_639] {strides = array<i32>} : memref<38912xf32, #tpu.memory_space<vmem>>, vector<16xf32>,
      tpu.vector_store %arg6[%swap3A_639], %broadcast_in_dim3A_3 {strides = array<i32>} : memref<38912xf32, #tpu.memory_space<vmem>>, vector<16xf32>,
      %add3A_641 = arith.constant 17024 : i32
      %add3A_642 = arith.addi %add3A_641, %add3A_584 : i32
      %swap3A_643 = arith.index_cast %add3A_642 : i32 to index
      %swap3A_644 = tpu.vector_load %arg6[%swap3A_643] {strides = array<i32>} : memref<38912xf32, #tpu.memory_space<vmem>>, vector<16xf32>,
      tpu.vector_store %arg6[%swap3A_643], %broadcast_in_dim3A_3 {strides = array<i32>} : memref<38912xf32, #tpu.memory_space<vmem>>, vector<16xf32>,
      %add3A_645 = arith.constant 18240 : i32
      %add3A_646 = arith.addi %add3A_645, %add3A_584 : i32
      %swap3A_647 = arith.index_cast %add3A_646 : i32 to index
      %swap3A_648 = tpu.vector_load %arg6[%swap3A_647] {strides = array<i32>} : memref<38912xf32, #tpu.memory_space<vmem>>, vector<16xf32>,
      tpu.vector_store %arg6[%swap3A_647], %broadcast_in_dim3A_3 {strides = array<i32>} : memref<38912xf32, #tpu.memory_space<vmem>>, vector<16xf32>,
      %add3A_649 = arith.constant 19456 : i32
      %add3A_650 = arith.addi %add3A_649, %add3A_584 : i32
      %swap3A_651 = arith.index_cast %add3A_650 : i32 to index
      %swap3A_652 = tpu.vector_load %arg6[%swap3A_651] {strides = array<i32>} : memref<38912xf32, #tpu.memory_space<vmem>>, vector<16xf32>,
      tpu.vector_store %arg6[%swap3A_651], %broadcast_in_dim3A_3 {strides = array<i32>} : memref<38912xf32, #tpu.memory_space<vmem>>, vector<16xf32>,
      %add3A_653 = arith.constant 20672 : i32
      %add3A_654 = arith.addi %add3A_653, %add3A_584 : i32
      %swap3A_655 = arith.index_cast %add3A_654 : i32 to index
      %swap3A_656 = tpu.vector_load %arg6[%swap3A_655] {strides = array<i32>} : memref<38912xf32, #tpu.memory_space<vmem>>, vector<16xf32>,
      tpu.vector_store %arg6[%swap3A_655], %broadcast_in_dim3A_3 {strides = array<i32>} : memref<38912xf32, #tpu.memory_space<vmem>>, vector<16xf32>,
      %add3A_657 = arith.constant 21888 : i32
      %add3A_658 = arith.addi %add3A_657, %add3A_584 : i32
      %swap3A_659 = arith.index_cast %add3A_658 : i32 to index
      %swap3A_660 = tpu.vector_load %arg6[%swap3A_659] {strides = array<i32>} : memref<38912xf32, #tpu.memory_space<vmem>>, vector<16xf32>,
      tpu.vector_store %arg6[%swap3A_659], %broadcast_in_dim3A_3 {strides = array<i32>} : memref<38912xf32, #tpu.memory_space<vmem>>, vector<16xf32>,
      %add3A_661 = arith.constant 23104 : i32
      %add3A_662 = arith.addi %add3A_661, %add3A_584 : i32
      %swap3A_663 = arith.index_cast %add3A_662 : i32 to index
      %swap3A_664 = tpu.vector_load %arg6[%swap3A_663] {strides = array<i32>} : memref<38912xf32, #tpu.memory_space<vmem>>, vector<16xf32>,
      tpu.vector_store %arg6[%swap3A_663], %broadcast_in_dim3A_3 {strides = array<i32>} : memref<38912xf32, #tpu.memory_space<vmem>>, vector<16xf32>,
      %add3A_665 = arith.constant 24320 : i32
      %add3A_666 = arith.addi %add3A_665, %add3A_584 : i32
      %swap3A_667 = arith.index_cast %add3A_666 : i32 to index
      %swap3A_668 = tpu.vector_load %arg6[%swap3A_667] {strides = array<i32>} : memref<38912xf32, #tpu.memory_space<vmem>>, vector<16xf32>,
      tpu.vector_store %arg6[%swap3A_667], %broadcast_in_dim3A_3 {strides = array<i32>} : memref<38912xf32, #tpu.memory_space<vmem>>, vector<16xf32>,
      %add3A_669 = arith.constant 25536 : i32
      %add3A_670 = arith.addi %add3A_669, %add3A_584 : i32
      %swap3A_671 = arith.index_cast %add3A_670 : i32 to index
      %swap3A_672 = tpu.vector_load %arg6[%swap3A_671] {strides = array<i32>} : memref<38912xf32, #tpu.memory_space<vmem>>, vector<16xf32>,
      tpu.vector_store %arg6[%swap3A_671], %broadcast_in_dim3A_3 {strides = array<i32>} : memref<38912xf32, #tpu.memory_space<vmem>>, vector<16xf32>,
      %add3A_673 = arith.constant 26752 : i32
      %add3A_674 = arith.addi %add3A_673, %add3A_584 : i32
      %swap3A_675 = arith.index_cast %add3A_674 : i32 to index
      %swap3A_676 = tpu.vector_load %arg6[%swap3A_675] {strides = array<i32>} : memref<38912xf32, #tpu.memory_space<vmem>>, vector<16xf32>,
      tpu.vector_store %arg6[%swap3A_675], %broadcast_in_dim3A_3 {strides = array<i32>} : memref<38912xf32, #tpu.memory_space<vmem>>, vector<16xf32>,
      %add3A_677 = arith.constant 27968 : i32
      %add3A_678 = arith.addi %add3A_677, %add3A_584 : i32
      %swap3A_679 = arith.index_cast %add3A_678 : i32 to index
      %swap3A_680 = tpu.vector_load %arg6[%swap3A_679] {strides = array<i32>} : memref<38912xf32, #tpu.memory_space<vmem>>, vector<16xf32>,
      tpu.vector_store %arg6[%swap3A_679], %broadcast_in_dim3A_3 {strides = array<i32>} : memref<38912xf32, #tpu.memory_space<vmem>>, vector<16xf32>,
      %add3A_681 = arith.constant 29184 : i32
      %add3A_682 = arith.addi %add3A_681, %add3A_584 : i32
      %swap3A_683 = arith.index_cast %add3A_682 : i32 to index
      %swap3A_684 = tpu.vector_load %arg6[%swap3A_683] {strides = array<i32>} : memref<38912xf32, #tpu.memory_space<vmem>>, vector<16xf32>,
      tpu.vector_store %arg6[%swap3A_683], %broadcast_in_dim3A_3 {strides = array<i32>} : memref<38912xf32, #tpu.memory_space<vmem>>, vector<16xf32>,
      %add3A_685 = arith.constant 30400 : i32
      %add3A_686 = arith.addi %add3A_685, %add3A_584 : i32
      %swap3A_687 = arith.index_cast %add3A_686 : i32 to index
      %swap3A_688 = tpu.vector_load %arg6[%swap3A_687] {strides = array<i32>} : memref<38912xf32, #tpu.memory_space<vmem>>, vector<16xf32>,
      tpu.vector_store %arg6[%swap3A_687], %broadcast_in_dim3A_3 {strides = array<i32>} : memref<38912xf32, #tpu.memory_space<vmem>>, vector<16xf32>,
      %add3A_689 = arith.constant 31616 : i32
      %add3A_690 = arith.addi %add3A_689, %add3A_584 : i32
      %swap3A_691 = arith.index_cast %add3A_690 : i32 to index
      %swap3A_692 = tpu.vector_load %arg6[%swap3A_691] {strides = array<i32>} : memref<38912xf32, #tpu.memory_space<vmem>>, vector<16xf32>,
      tpu.vector_store %arg6[%swap3A_691], %broadcast_in_dim3A_3 {strides = array<i32>} : memref<38912xf32, #tpu.memory_space<vmem>>, vector<16xf32>,
      %add3A_693 = arith.constant 32832 : i32
      %add3A_694 = arith.addi %add3A_693, %add3A_584 : i32
      %swap3A_695 = arith.index_cast %add3A_694 : i32 to index
      %swap3A_696 = tpu.vector_load %arg6[%swap3A_695] {strides = array<i32>} : memref<38912xf32, #tpu.memory_space<vmem>>, vector<16xf32>,
      tpu.vector_store %arg6[%swap3A_695], %broadcast_in_dim3A_3 {strides = array<i32>} : memref<38912xf32, #tpu.memory_space<vmem>>, vector<16xf32>,
      %add3A_697 = arith.constant 34048 : i32
      %add3A_698 = arith.addi %add3A_697, %add3A_584 : i32
      %swap3A_699 = arith.index_cast %add3A_698 : i32 to index
      %swap3A_700 = tpu.vector_load %arg6[%swap3A_699] {strides = array<i32>} : memref<38912xf32, #tpu.memory_space<vmem>>, vector<16xf32>,
      tpu.vector_store %arg6[%swap3A_699], %broadcast_in_dim3A_3 {strides = array<i32>} : memref<38912xf32, #tpu.memory_space<vmem>>, vector<16xf32>,
      %add3A_701 = arith.constant 35264 : i32
      %add3A_702 = arith.addi %add3A_701, %add3A_584 : i32
      %swap3A_703 = arith.index_cast %add3A_702 : i32 to index
      %swap3A_704 = tpu.vector_load %arg6[%swap3A_703] {strides = array<i32>} : memref<38912xf32, #tpu.memory_space<vmem>>, vector<16xf32>,
      tpu.vector_store %arg6[%swap3A_703], %broadcast_in_dim3A_3 {strides = array<i32>} : memref<38912xf32, #tpu.memory_space<vmem>>, vector<16xf32>,
      %add3A_705 = arith.constant 36480 : i32
      %add3A_706 = arith.addi %add3A_705, %add3A_584 : i32
      %swap3A_707 = arith.index_cast %add3A_706 : i32 to index
      %swap3A_708 = tpu.vector_load %arg6[%swap3A_707] {strides = array<i32>} : memref<38912xf32, #tpu.memory_space<vmem>>, vector<16xf32>,
      tpu.vector_store %arg6[%swap3A_707], %broadcast_in_dim3A_3 {strides = array<i32>} : memref<38912xf32, #tpu.memory_space<vmem>>, vector<16xf32>,
      %add3A_709 = arith.constant 37696 : i32
      %add3A_710 = arith.addi %add3A_709, %add3A_584 : i32
      %swap3A_711 = arith.index_cast %add3A_710 : i32 to index
      %swap3A_712 = tpu.vector_load %arg6[%swap3A_711] {strides = array<i32>} : memref<38912xf32, #tpu.memory_space<vmem>>, vector<16xf32>,
      tpu.vector_store %arg6[%swap3A_711], %broadcast_in_dim3A_3 {strides = array<i32>} : memref<38912xf32, #tpu.memory_space<vmem>>, vector<16xf32>,
      %while3A_713 = arith.constant 0 : i32
      scf.yield %while3A_713 : i32
    }
    %while3A_213 = arith.constant 1 : i32
    %while3A_214 = scf.for %while3A_580 = %while3A_210 to %while3A_206 step %while3A_213 iter_args(%while3A_581 = %while3A_212) -> (i32)  : i32 {
      %mul3A_582 = arith.constant 16 : i32
      %mul3A_583 = arith.muli %while3A_580, %mul3A_582 : i32
      %add3A_584 = arith.addi %add3A_197, %mul3A_583 : i32
      %add3A_585 = arith.constant 0 : i32
      %add3A_586 = arith.addi %add3A_585, %add3A_584 : i32
      %swap3A_587 = arith.index_cast %add3A_586 : i32 to index
      %swap3A_588 = tpu.vector_load %arg6[%swap3A_587] {strides = array<i32>} : memref<38912xf32, #tpu.memory_space<vmem>>, vector<16xf32>,
      tpu.vector_store %arg6[%swap3A_587], %broadcast_in_dim3A_3 {strides = array<i32>} : memref<38912xf32, #tpu.memory_space<vmem>>, vector<16xf32>,
      %add3A_589 = arith.constant 1216 : i32
      %add3A_590 = arith.addi %add3A_589, %add3A_584 : i32
      %swap3A_591 = arith.index_cast %add3A_590 : i32 to index
      %swap3A_592 = tpu.vector_load %arg6[%swap3A_591] {strides = array<i32>} : memref<38912xf32, #tpu.memory_space<vmem>>, vector<16xf32>,
      tpu.vector_store %arg6[%swap3A_591], %broadcast_in_dim3A_3 {strides = array<i32>} : memref<38912xf32, #tpu.memory_space<vmem>>, vector<16xf32>,
      %add3A_593 = arith.constant 2432 : i32
      %add3A_594 = arith.addi %add3A_593, %add3A_584 : i32
      %swap3A_595 = arith.index_cast %add3A_594 : i32 to index
      %swap3A_596 = tpu.vector_load %arg6[%swap3A_595] {strides = array<i32>} : memref<38912xf32, #tpu.memory_space<vmem>>, vector<16xf32>,
      tpu.vector_store %arg6[%swap3A_595], %broadcast_in_dim3A_3 {strides = array<i32>} : memref<38912xf32, #tpu.memory_space<vmem>>, vector<16xf32>,
      %add3A_597 = arith.constant 3648 : i32
      %add3A_598 = arith.addi %add3A_597, %add3A_584 : i32
      %swap3A_599 = arith.index_cast %add3A_598 : i32 to index
      %swap3A_600 = tpu.vector_load %arg6[%swap3A_599] {strides = array<i32>} : memref<38912xf32, #tpu.memory_space<vmem>>, vector<16xf32>,
      tpu.vector_store %arg6[%swap3A_599], %broadcast_in_dim3A_3 {strides = array<i32>} : memref<38912xf32, #tpu.memory_space<vmem>>, vector<16xf32>,
      %add3A_601 = arith.constant 4864 : i32
      %add3A_602 = arith.addi %add3A_601, %add3A_584 : i32
      %swap3A_603 = arith.index_cast %add3A_602 : i32 to index
      %swap3A_604 = tpu.vector_load %arg6[%swap3A_603] {strides = array<i32>} : memref<38912xf32, #tpu.memory_space<vmem>>, vector<16xf32>,
      tpu.vector_store %arg6[%swap3A_603], %broadcast_in_dim3A_3 {strides = array<i32>} : memref<38912xf32, #tpu.memory_space<vmem>>, vector<16xf32>,
      %add3A_605 = arith.constant 6080 : i32
      %add3A_606 = arith.addi %add3A_605, %add3A_584 : i32
      %swap3A_607 = arith.index_cast %add3A_606 : i32 to index
      %swap3A_608 = tpu.vector_load %arg6[%swap3A_607] {strides = array<i32>} : memref<38912xf32, #tpu.memory_space<vmem>>, vector<16xf32>,
      tpu.vector_store %arg6[%swap3A_607], %broadcast_in_dim3A_3 {strides = array<i32>} : memref<38912xf32, #tpu.memory_space<vmem>>, vector<16xf32>,
      %add3A_609 = arith.constant 7296 : i32
      %add3A_610 = arith.addi %add3A_609, %add3A_584 : i32
      %swap3A_611 = arith.index_cast %add3A_610 : i32 to index
      %swap3A_612 = tpu.vector_load %arg6[%swap3A_611] {strides = array<i32>} : memref<38912xf32, #tpu.memory_space<vmem>>, vector<16xf32>,
      tpu.vector_store %arg6[%swap3A_611], %broadcast_in_dim3A_3 {strides = array<i32>} : memref<38912xf32, #tpu.memory_space<vmem>>, vector<16xf32>,
      %add3A_613 = arith.constant 8512 : i32
      %add3A_614 = arith.addi %add3A_613, %add3A_584 : i32
      %swap3A_615 = arith.index_cast %add3A_614 : i32 to index
      %swap3A_616 = tpu.vector_load %arg6[%swap3A_615] {strides = array<i32>} : memref<38912xf32, #tpu.memory_space<vmem>>, vector<16xf32>,
      tpu.vector_store %arg6[%swap3A_615], %broadcast_in_dim3A_3 {strides = array<i32>} : memref<38912xf32, #tpu.memory_space<vmem>>, vector<16xf32>,
      %add3A_617 = arith.constant 9728 : i32
      %add3A_618 = arith.addi %add3A_617, %add3A_584 : i32
      %swap3A_619 = arith.index_cast %add3A_618 : i32 to index
      %swap3A_620 = tpu.vector_load %arg6[%swap3A_619] {strides = array<i32>} : memref<38912xf32, #tpu.memory_space<vmem>>, vector<16xf32>,
      tpu.vector_store %arg6[%swap3A_619], %broadcast_in_dim3A_3 {strides = array<i32>} : memref<38912xf32, #tpu.memory_space<vmem>>, vector<16xf32>,
      %add3A_621 = arith.constant 10944 : i32
      %add3A_622 = arith.addi %add3A_621, %add3A_584 : i32
      %swap3A_623 = arith.index_cast %add3A_622 : i32 to index
      %swap3A_624 = tpu.vector_load %arg6[%swap3A_623] {strides = array<i32>} : memref<38912xf32, #tpu.memory_space<vmem>>, vector<16xf32>,
      tpu.vector_store %arg6[%swap3A_623], %broadcast_in_dim3A_3 {strides = array<i32>} : memref<38912xf32, #tpu.memory_space<vmem>>, vector<16xf32>,
      %add3A_625 = arith.constant 12160 : i32
      %add3A_626 = arith.addi %add3A_625, %add3A_584 : i32
      %swap3A_627 = arith.index_cast %add3A_626 : i32 to index
      %swap3A_628 = tpu.vector_load %arg6[%swap3A_627] {strides = array<i32>} : memref<38912xf32, #tpu.memory_space<vmem>>, vector<16xf32>,
      tpu.vector_store %arg6[%swap3A_627], %broadcast_in_dim3A_3 {strides = array<i32>} : memref<38912xf32, #tpu.memory_space<vmem>>, vector<16xf32>,
      %add3A_629 = arith.constant 13376 : i32
      %add3A_630 = arith.addi %add3A_629, %add3A_584 : i32
      %swap3A_631 = arith.index_cast %add3A_630 : i32 to index
      %swap3A_632 = tpu.vector_load %arg6[%swap3A_631] {strides = array<i32>} : memref<38912xf32, #tpu.memory_space<vmem>>, vector<16xf32>,
      tpu.vector_store %arg6[%swap3A_631], %broadcast_in_dim3A_3 {strides = array<i32>} : memref<38912xf32, #tpu.memory_space<vmem>>, vector<16xf32>,
      %add3A_633 = arith.constant 14592 : i32
      %add3A_634 = arith.addi %add3A_633, %add3A_584 : i32
      %swap3A_635 = arith.index_cast %add3A_634 : i32 to index
      %swap3A_636 = tpu.vector_load %arg6[%swap3A_635] {strides = array<i32>} : memref<38912xf32, #tpu.memory_space<vmem>>, vector<16xf32>,
      tpu.vector_store %arg6[%swap3A_635], %broadcast_in_dim3A_3 {strides = array<i32>} : memref<38912xf32, #tpu.memory_space<vmem>>, vector<16xf32>,
      %add3A_637 = arith.constant 15808 : i32
      %add3A_638 = arith.addi %add3A_637, %add3A_584 : i32
      %swap3A_639 = arith.index_cast %add3A_638 : i32 to index
      %swap3A_640 = tpu.vector_load %arg6[%swap3A_639] {strides = array<i32>} : memref<38912xf32, #tpu.memory_space<vmem>>, vector<16xf32>,
      tpu.vector_store %arg6[%swap3A_639], %broadcast_in_dim3A_3 {strides = array<i32>} : memref<38912xf32, #tpu.memory_space<vmem>>, vector<16xf32>,
      %add3A_641 = arith.constant 17024 : i32
      %add3A_642 = arith.addi %add3A_641, %add3A_584 : i32
      %swap3A_643 = arith.index_cast %add3A_642 : i32 to index
      %swap3A_644 = tpu.vector_load %arg6[%swap3A_643] {strides = array<i32>} : memref<38912xf32, #tpu.memory_space<vmem>>, vector<16xf32>,
      tpu.vector_store %arg6[%swap3A_643], %broadcast_in_dim3A_3 {strides = array<i32>} : memref<38912xf32, #tpu.memory_space<vmem>>, vector<16xf32>,
      %add3A_645 = arith.constant 18240 : i32
      %add3A_646 = arith.addi %add3A_645, %add3A_584 : i32
      %swap3A_647 = arith.index_cast %add3A_646 : i32 to index
      %swap3A_648 = tpu.vector_load %arg6[%swap3A_647] {strides = array<i32>} : memref<38912xf32, #tpu.memory_space<vmem>>, vector<16xf32>,
      tpu.vector_store %arg6[%swap3A_647], %broadcast_in_dim3A_3 {strides = array<i32>} : memref<38912xf32, #tpu.memory_space<vmem>>, vector<16xf32>,
      %add3A_649 = arith.constant 19456 : i32
      %add3A_650 = arith.addi %add3A_649, %add3A_584 : i32
      %swap3A_651 = arith.index_cast %add3A_650 : i32 to index
      %swap3A_652 = tpu.vector_load %arg6[%swap3A_651] {strides = array<i32>} : memref<38912xf32, #tpu.memory_space<vmem>>, vector<16xf32>,
      tpu.vector_store %arg6[%swap3A_651], %broadcast_in_dim3A_3 {strides = array<i32>} : memref<38912xf32, #tpu.memory_space<vmem>>, vector<16xf32>,
      %add3A_653 = arith.constant 20672 : i32
      %add3A_654 = arith.addi %add3A_653, %add3A_584 : i32
      %swap3A_655 = arith.index_cast %add3A_654 : i32 to index
      %swap3A_656 = tpu.vector_load %arg6[%swap3A_655] {strides = array<i32>} : memref<38912xf32, #tpu.memory_space<vmem>>, vector<16xf32>,
      tpu.vector_store %arg6[%swap3A_655], %broadcast_in_dim3A_3 {strides = array<i32>} : memref<38912xf32, #tpu.memory_space<vmem>>, vector<16xf32>,
      %add3A_657 = arith.constant 21888 : i32
      %add3A_658 = arith.addi %add3A_657, %add3A_584 : i32
      %swap3A_659 = arith.index_cast %add3A_658 : i32 to index
      %swap3A_660 = tpu.vector_load %arg6[%swap3A_659] {strides = array<i32>} : memref<38912xf32, #tpu.memory_space<vmem>>, vector<16xf32>,
      tpu.vector_store %arg6[%swap3A_659], %broadcast_in_dim3A_3 {strides = array<i32>} : memref<38912xf32, #tpu.memory_space<vmem>>, vector<16xf32>,
      %add3A_661 = arith.constant 23104 : i32
      %add3A_662 = arith.addi %add3A_661, %add3A_584 : i32
      %swap3A_663 = arith.index_cast %add3A_662 : i32 to index
      %swap3A_664 = tpu.vector_load %arg6[%swap3A_663] {strides = array<i32>} : memref<38912xf32, #tpu.memory_space<vmem>>, vector<16xf32>,
      tpu.vector_store %arg6[%swap3A_663], %broadcast_in_dim3A_3 {strides = array<i32>} : memref<38912xf32, #tpu.memory_space<vmem>>, vector<16xf32>,
      %add3A_665 = arith.constant 24320 : i32
      %add3A_666 = arith.addi %add3A_665, %add3A_584 : i32
      %swap3A_667 = arith.index_cast %add3A_666 : i32 to index
      %swap3A_668 = tpu.vector_load %arg6[%swap3A_667] {strides = array<i32>} : memref<38912xf32, #tpu.memory_space<vmem>>, vector<16xf32>,
      tpu.vector_store %arg6[%swap3A_667], %broadcast_in_dim3A_3 {strides = array<i32>} : memref<38912xf32, #tpu.memory_space<vmem>>, vector<16xf32>,
      %add3A_669 = arith.constant 25536 : i32
      %add3A_670 = arith.addi %add3A_669, %add3A_584 : i32
      %swap3A_671 = arith.index_cast %add3A_670 : i32 to index
      %swap3A_672 = tpu.vector_load %arg6[%swap3A_671] {strides = array<i32>} : memref<38912xf32, #tpu.memory_space<vmem>>, vector<16xf32>,
      tpu.vector_store %arg6[%swap3A_671], %broadcast_in_dim3A_3 {strides = array<i32>} : memref<38912xf32, #tpu.memory_space<vmem>>, vector<16xf32>,
      %add3A_673 = arith.constant 26752 : i32
      %add3A_674 = arith.addi %add3A_673, %add3A_584 : i32
      %swap3A_675 = arith.index_cast %add3A_674 : i32 to index
      %swap3A_676 = tpu.vector_load %arg6[%swap3A_675] {strides = array<i32>} : memref<38912xf32, #tpu.memory_space<vmem>>, vector<16xf32>,
      tpu.vector_store %arg6[%swap3A_675], %broadcast_in_dim3A_3 {strides = array<i32>} : memref<38912xf32, #tpu.memory_space<vmem>>, vector<16xf32>,
      %add3A_677 = arith.constant 27968 : i32
      %add3A_678 = arith.addi %add3A_677, %add3A_584 : i32
      %swap3A_679 = arith.index_cast %add3A_678 : i32 to index
      %swap3A_680 = tpu.vector_load %arg6[%swap3A_679] {strides = array<i32>} : memref<38912xf32, #tpu.memory_space<vmem>>, vector<16xf32>,
      tpu.vector_store %arg6[%swap3A_679], %broadcast_in_dim3A_3 {strides = array<i32>} : memref<38912xf32, #tpu.memory_space<vmem>>, vector<16xf32>,
      %add3A_681 = arith.constant 29184 : i32
      %add3A_682 = arith.addi %add3A_681, %add3A_584 : i32
      %swap3A_683 = arith.index_cast %add3A_682 : i32 to index
      %swap3A_684 = tpu.vector_load %arg6[%swap3A_683] {strides = array<i32>} : memref<38912xf32, #tpu.memory_space<vmem>>, vector<16xf32>,
      tpu.vector_store %arg6[%swap3A_683], %broadcast_in_dim3A_3 {strides = array<i32>} : memref<38912xf32, #tpu.memory_space<vmem>>, vector<16xf32>,
      %add3A_685 = arith.constant 30400 : i32
      %add3A_686 = arith.addi %add3A_685, %add3A_584 : i32
      %swap3A_687 = arith.index_cast %add3A_686 : i32 to index
      %swap3A_688 = tpu.vector_load %arg6[%swap3A_687] {strides = array<i32>} : memref<38912xf32, #tpu.memory_space<vmem>>, vector<16xf32>,
      tpu.vector_store %arg6[%swap3A_687], %broadcast_in_dim3A_3 {strides = array<i32>} : memref<38912xf32, #tpu.memory_space<vmem>>, vector<16xf32>,
      %add3A_689 = arith.constant 31616 : i32
      %add3A_690 = arith.addi %add3A_689, %add3A_584 : i32
      %swap3A_691 = arith.index_cast %add3A_690 : i32 to index
      %swap3A_692 = tpu.vector_load %arg6[%swap3A_691] {strides = array<i32>} : memref<38912xf32, #tpu.memory_space<vmem>>, vector<16xf32>,
      tpu.vector_store %arg6[%swap3A_691], %broadcast_in_dim3A_3 {strides = array<i32>} : memref<38912xf32, #tpu.memory_space<vmem>>, vector<16xf32>,
      %add3A_693 = arith.constant 32832 : i32
      %add3A_694 = arith.addi %add3A_693, %add3A_584 : i32
      %swap3A_695 = arith.index_cast %add3A_694 : i32 to index
      %swap3A_696 = tpu.vector_load %arg6[%swap3A_695] {strides = array<i32>} : memref<38912xf32, #tpu.memory_space<vmem>>, vector<16xf32>,
      tpu.vector_store %arg6[%swap3A_695], %broadcast_in_dim3A_3 {strides = array<i32>} : memref<38912xf32, #tpu.memory_space<vmem>>, vector<16xf32>,
      %add3A_697 = arith.constant 34048 : i32
      %add3A_698 = arith.addi %add3A_697, %add3A_584 : i32
      %swap3A_699 = arith.index_cast %add3A_698 : i32 to index
      %swap3A_700 = tpu.vector_load %arg6[%swap3A_699] {strides = array<i32>} : memref<38912xf32, #tpu.memory_space<vmem>>, vector<16xf32>,
      tpu.vector_store %arg6[%swap3A_699], %broadcast_in_dim3A_3 {strides = array<i32>} : memref<38912xf32, #tpu.memory_space<vmem>>, vector<16xf32>,
      %add3A_701 = arith.constant 35264 : i32
      %add3A_702 = arith.addi %add3A_701, %add3A_584 : i32
      %swap3A_703 = arith.index_cast %add3A_702 : i32 to index
      %swap3A_704 = tpu.vector_load %arg6[%swap3A_703] {strides = array<i32>} : memref<38912xf32, #tpu.memory_space<vmem>>, vector<16xf32>,
      tpu.vector_store %arg6[%swap3A_703], %broadcast_in_dim3A_3 {strides = array<i32>} : memref<38912xf32, #tpu.memory_space<vmem>>, vector<16xf32>,
      %add3A_705 = arith.constant 36480 : i32
      %add3A_706 = arith.addi %add3A_705, %add3A_584 : i32
      %swap3A_707 = arith.index_cast %add3A_706 : i32 to index
      %swap3A_708 = tpu.vector_load %arg6[%swap3A_707] {strides = array<i32>} : memref<38912xf32, #tpu.memory_space<vmem>>, vector<16xf32>,
      tpu.vector_store %arg6[%swap3A_707], %broadcast_in_dim3A_3 {strides = array<i32>} : memref<38912xf32, #tpu.memory_space<vmem>>, vector<16xf32>,
      %add3A_709 = arith.constant 37696 : i32
      %add3A_710 = arith.addi %add3A_709, %add3A_584 : i32
      %swap3A_711 = arith.index_cast %add3A_710 : i32 to index
      %swap3A_712 = tpu.vector_load %arg6[%swap3A_711] {strides = array<i32>} : memref<38912xf32, #tpu.memory_space<vmem>>, vector<16xf32>,
      tpu.vector_store %arg6[%swap3A_711], %broadcast_in_dim3A_3 {strides = array<i32>} : memref<38912xf32, #tpu.memory_space<vmem>>, vector<16xf32>,
      %while3A_713 = arith.constant 0 : i32
      scf.yield %while3A_713 : i32
    }
    %parallel_loop3A_215 = arith.constant 0 : i32
    %parallel_loop3A_216 = arith.constant 512 : i32
    %parallel_loop3A_217 = arith.constant 1 : i32
    %parallel_loop3A_218:3 = scf.for %parallel_loop3A_580 = %parallel_loop3A_215 to %parallel_loop3A_216 step %parallel_loop3A_217 iter_args(%parallel_loop3A_581 = %parallel_loop3A_131#0, %parallel_loop3A_582 = %parallel_loop3A_131#1, %parallel_loop3A_583 = %parallel_loop3A_131#2) -> (vector<16xi32>, vector<16xf32>, vector<16xf32>)  : i32 {
      %parallel_loop3A_584 = arith.constant 16 : i32
      %parallel_loop3A_585 = arith.muli %parallel_loop3A_580, %parallel_loop3A_584 : i32
      %parallel_loop3A_586 = arith.constant 1 : i32
      %parallel_loop3A_587 = arith.index_cast %parallel_loop3A_586 : i32 to index
      %parallel_loop3A_588 = arith.index_cast %parallel_loop3A_585 : i32 to index
      %parallel_loop3A_589 = tpu.vector_load %arg8[%parallel_loop3A_587, %parallel_loop3A_588] {strides = array<i32>} : memref<2x8192xi32, #tpu.memory_space<vmem>>, vector<16xi32>,
      %parallel_loop3A_590 = arith.constant 1 : i32
      %parallel_loop3A_591 = arith.index_cast %parallel_loop3A_590 : i32 to index
      %parallel_loop3A_592 = arith.index_cast %parallel_loop3A_585 : i32 to index
      %parallel_loop3A_593 = tpu.vector_load %arg9[%parallel_loop3A_591, %parallel_loop3A_592] {strides = array<i32>} : memref<2x8192xf32, #tpu.memory_space<vmem>>, vector<16xf32>,
      %parallel_loop3A_594 = arith.constant 1 : i32
      %parallel_loop3A_595 = arith.index_cast %parallel_loop3A_594 : i32 to index
      %parallel_loop3A_596 = arith.index_cast %parallel_loop3A_585 : i32 to index
      %parallel_loop3A_597 = tpu.vector_load %arg10[%parallel_loop3A_595, %parallel_loop3A_596] {strides = array<i32>} : memref<2x8192xf32, #tpu.memory_space<vmem>>, vector<16xf32>,
      %parallel_loop3A_598 = arith.cmpi ne, %parallel_loop3A_589, %parallel_loop3A_581 : vector<16xi32>
      %parallel_loop3A_599 = arith.addi %mul3A_6, %parallel_loop3A_581 : vector<16xi32>
      tpu.vector_store_idx %arg6[%parallel_loop3A_599], %parallel_loop3A_582 masked %parallel_loop3A_598 : memref<38912xf32, #tpu.memory_space<vmem>>[vector<16xi32>], vector<16xf32>, vector<16xi1>
      %parallel_loop3A_600 = arith.constant 1216 : i32
      %parallel_loop3A_601 = vector.broadcast %parallel_loop3A_600 : i32 to vector<16xi32>
      %parallel_loop3A_602 = arith.addi %parallel_loop3A_599, %parallel_loop3A_601 : vector<16xi32>
      tpu.vector_store_idx %arg6[%parallel_loop3A_602], %parallel_loop3A_583 masked %parallel_loop3A_598 : memref<38912xf32, #tpu.memory_space<vmem>>[vector<16xi32>], vector<16xf32>, vector<16xi1>
      %parallel_loop3A_603 = arith.maximumf %parallel_loop3A_582, %parallel_loop3A_593 : vector<16xf32>
      %parallel_loop3A_604 = arith.select %parallel_loop3A_598, %parallel_loop3A_593, %parallel_loop3A_603 : vector<16xi1>, vector<16xf32>
      %parallel_loop3A_605 = arith.maximumf %parallel_loop3A_583, %parallel_loop3A_597 : vector<16xf32>
      %parallel_loop3A_606 = arith.select %parallel_loop3A_598, %parallel_loop3A_597, %parallel_loop3A_605 : vector<16xi1>, vector<16xf32>
      scf.yield %parallel_loop3A_589, %parallel_loop3A_604, %parallel_loop3A_606 : vector<16xi32>, vector<16xf32>, vector<16xf32>
    } {sc.loop_unroll_factor = 8 : i64, sc.parallel_access}
    %add3A_219 = arith.constant 24576 : i32
    %add3A_220 = arith.addi %mul3A_2, %add3A_219 : i32
    %dma_start3A_221 = arith.constant 1 : i32
    %dma_start3A_222 = arith.constant 0 : i32
    %dma_start3A_223 = tpu.memref_slice %arg8[%dma_start3A_221, %dma_start3A_222] : memref<2x8192xi32, #tpu.memory_space<vmem>> -> memref<1x8192xi32, #tpu.memory_space<vmem>>
    %dma_start3A_224 = tpu.memref_squeeze %dma_start3A_223 : memref<1x8192xi32, #tpu.memory_space<vmem>> -> memref<8192xi32, #tpu.memory_space<vmem>>
    %dma_start3A_225 = tpu.memref_slice %arg4[%add3A_220] : memref<1048576xi32, #tpu.memory_space<hbm>> -> memref<8192xi32, #tpu.memory_space<hbm>>
    %dma_start3A_226 = arith.constant 0 : i32
    %dma_start3A_227 = tpu.memref_slice %arg8[%dma_start3A_221, %dma_start3A_226] : memref<2x8192xi32, #tpu.memory_space<vmem>> -> memref<1x8192xi32, #tpu.memory_space<vmem>>
    %dma_start3A_228 = tpu.memref_squeeze %dma_start3A_227 : memref<1x8192xi32, #tpu.memory_space<vmem>> -> memref<8192xi32, #tpu.memory_space<vmem>>
    %dma_start3A_229 = tpu.memref_slice %arg4[%add3A_220] : memref<1048576xi32, #tpu.memory_space<hbm>> -> memref<8192xi32, #tpu.memory_space<hbm>>
    tpu.enqueue_dma source(%dma_start3A_229 : memref<8192xi32, #tpu.memory_space<hbm>>) target(%dma_start3A_228 : memref<8192xi32, #tpu.memory_space<vmem>>) target_semaphore(%arg12 : memref<!tpu.dma_semaphore, #tpu.memory_space<semaphore_mem>>)
    %dma_start3A_230 = arith.constant 1 : i32
    %dma_start3A_231 = arith.constant 0 : i32
    %dma_start3A_232 = tpu.memref_slice %arg9[%dma_start3A_230, %dma_start3A_231] : memref<2x8192xf32, #tpu.memory_space<vmem>> -> memref<1x8192xf32, #tpu.memory_space<vmem>>
    %dma_start3A_233 = tpu.memref_squeeze %dma_start3A_232 : memref<1x8192xf32, #tpu.memory_space<vmem>> -> memref<8192xf32, #tpu.memory_space<vmem>>
    %dma_start3A_234 = tpu.memref_slice %arg2[%add3A_220] : memref<1048576xf32, #tpu.memory_space<hbm>> -> memref<8192xf32, #tpu.memory_space<hbm>>
    %dma_start3A_235 = arith.constant 0 : i32
    %dma_start3A_236 = tpu.memref_slice %arg9[%dma_start3A_230, %dma_start3A_235] : memref<2x8192xf32, #tpu.memory_space<vmem>> -> memref<1x8192xf32, #tpu.memory_space<vmem>>
    %dma_start3A_237 = tpu.memref_squeeze %dma_start3A_236 : memref<1x8192xf32, #tpu.memory_space<vmem>> -> memref<8192xf32, #tpu.memory_space<vmem>>
    %dma_start3A_238 = tpu.memref_slice %arg2[%add3A_220] : memref<1048576xf32, #tpu.memory_space<hbm>> -> memref<8192xf32, #tpu.memory_space<hbm>>
    tpu.enqueue_dma source(%dma_start3A_238 : memref<8192xf32, #tpu.memory_space<hbm>>) target(%dma_start3A_237 : memref<8192xf32, #tpu.memory_space<vmem>>) target_semaphore(%arg12 : memref<!tpu.dma_semaphore, #tpu.memory_space<semaphore_mem>>)
    %dma_start3A_239 = arith.constant 1 : i32
    %dma_start3A_240 = arith.constant 0 : i32
    %dma_start3A_241 = tpu.memref_slice %arg10[%dma_start3A_239, %dma_start3A_240] : memref<2x8192xf32, #tpu.memory_space<vmem>> -> memref<1x8192xf32, #tpu.memory_space<vmem>>
    %dma_start3A_242 = tpu.memref_squeeze %dma_start3A_241 : memref<1x8192xf32, #tpu.memory_space<vmem>> -> memref<8192xf32, #tpu.memory_space<vmem>>
    %dma_start3A_243 = tpu.memref_slice %arg3[%add3A_220] : memref<1048576xf32, #tpu.memory_space<hbm>> -> memref<8192xf32, #tpu.memory_space<hbm>>
    %dma_start3A_244 = arith.constant 0 : i32
    %dma_start3A_245 = tpu.memref_slice %arg10[%dma_start3A_239, %dma_start3A_244] : memref<2x8192xf32, #tpu.memory_space<vmem>> -> memref<1x8192xf32, #tpu.memory_space<vmem>>
    %dma_start3A_246 = tpu.memref_squeeze %dma_start3A_245 : memref<1x8192xf32, #tpu.memory_space<vmem>> -> memref<8192xf32, #tpu.memory_space<vmem>>
    %dma_start3A_247 = tpu.memref_slice %arg3[%add3A_220] : memref<1048576xf32, #tpu.memory_space<hbm>> -> memref<8192xf32, #tpu.memory_space<hbm>>
    tpu.enqueue_dma source(%dma_start3A_247 : memref<8192xf32, #tpu.memory_space<hbm>>) target(%dma_start3A_246 : memref<8192xf32, #tpu.memory_space<vmem>>) target_semaphore(%arg12 : memref<!tpu.dma_semaphore, #tpu.memory_space<semaphore_mem>>)
    %add3A_248 = arith.constant 16384 : i32
    %add3A_249 = arith.addi %mul3A_2, %add3A_248 : i32
    %dma_wait3A_250 = arith.constant 0 : i32
    %dma_wait3A_251 = arith.constant 0 : i32
    %dma_wait3A_252 = tpu.memref_slice %arg8[%dma_wait3A_250, %dma_wait3A_251] : memref<2x8192xi32, #tpu.memory_space<vmem>> -> memref<1x8192xi32, #tpu.memory_space<vmem>>
    %dma_wait3A_253 = tpu.memref_squeeze %dma_wait3A_252 : memref<1x8192xi32, #tpu.memory_space<vmem>> -> memref<8192xi32, #tpu.memory_space<vmem>>
    %dma_wait3A_254 = tpu.memref_slice %arg4[%add3A_249] : memref<1048576xi32, #tpu.memory_space<hbm>> -> memref<8192xi32, #tpu.memory_space<hbm>>
    %dma_wait3A_255 = arith.constant 0 : i32
    %dma_wait3A_256 = tpu.memref_slice %arg8[%dma_wait3A_250, %dma_wait3A_255] : memref<2x8192xi32, #tpu.memory_space<vmem>> -> memref<1x8192xi32, #tpu.memory_space<vmem>>
    %dma_wait3A_257 = tpu.memref_squeeze %dma_wait3A_256 : memref<1x8192xi32, #tpu.memory_space<vmem>> -> memref<8192xi32, #tpu.memory_space<vmem>>
    %dma_wait3A_258 = tpu.memref_slice %arg4[%add3A_249] : memref<1048576xi32, #tpu.memory_space<hbm>> -> memref<8192xi32, #tpu.memory_space<hbm>>
    tpu.wait_dma2 semaphore(%arg11 : memref<!tpu.dma_semaphore, #tpu.memory_space<semaphore_mem>>) src(%dma_wait3A_258 : memref<8192xi32, #tpu.memory_space<hbm>>) dst(%dma_wait3A_257 : memref<8192xi32, #tpu.memory_space<vmem>>)
    %dma_wait3A_259 = arith.constant 0 : i32
    %dma_wait3A_260 = arith.constant 0 : i32
    %dma_wait3A_261 = tpu.memref_slice %arg9[%dma_wait3A_259, %dma_wait3A_260] : memref<2x8192xf32, #tpu.memory_space<vmem>> -> memref<1x8192xf32, #tpu.memory_space<vmem>>
    %dma_wait3A_262 = tpu.memref_squeeze %dma_wait3A_261 : memref<1x8192xf32, #tpu.memory_space<vmem>> -> memref<8192xf32, #tpu.memory_space<vmem>>
    %dma_wait3A_263 = tpu.memref_slice %arg2[%add3A_249] : memref<1048576xf32, #tpu.memory_space<hbm>> -> memref<8192xf32, #tpu.memory_space<hbm>>
    %dma_wait3A_264 = arith.constant 0 : i32
    %dma_wait3A_265 = tpu.memref_slice %arg9[%dma_wait3A_259, %dma_wait3A_264] : memref<2x8192xf32, #tpu.memory_space<vmem>> -> memref<1x8192xf32, #tpu.memory_space<vmem>>
    %dma_wait3A_266 = tpu.memref_squeeze %dma_wait3A_265 : memref<1x8192xf32, #tpu.memory_space<vmem>> -> memref<8192xf32, #tpu.memory_space<vmem>>
    %dma_wait3A_267 = tpu.memref_slice %arg2[%add3A_249] : memref<1048576xf32, #tpu.memory_space<hbm>> -> memref<8192xf32, #tpu.memory_space<hbm>>
    tpu.wait_dma2 semaphore(%arg11 : memref<!tpu.dma_semaphore, #tpu.memory_space<semaphore_mem>>) src(%dma_wait3A_267 : memref<8192xf32, #tpu.memory_space<hbm>>) dst(%dma_wait3A_266 : memref<8192xf32, #tpu.memory_space<vmem>>)
    %dma_wait3A_268 = arith.constant 0 : i32
    %dma_wait3A_269 = arith.constant 0 : i32
    %dma_wait3A_270 = tpu.memref_slice %arg10[%dma_wait3A_268, %dma_wait3A_269] : memref<2x8192xf32, #tpu.memory_space<vmem>> -> memref<1x8192xf32, #tpu.memory_space<vmem>>
    %dma_wait3A_271 = tpu.memref_squeeze %dma_wait3A_270 : memref<1x8192xf32, #tpu.memory_space<vmem>> -> memref<8192xf32, #tpu.memory_space<vmem>>
    %dma_wait3A_272 = tpu.memref_slice %arg3[%add3A_249] : memref<1048576xf32, #tpu.memory_space<hbm>> -> memref<8192xf32, #tpu.memory_space<hbm>>
    %dma_wait3A_273 = arith.constant 0 : i32
    %dma_wait3A_274 = tpu.memref_slice %arg10[%dma_wait3A_268, %dma_wait3A_273] : memref<2x8192xf32, #tpu.memory_space<vmem>> -> memref<1x8192xf32, #tpu.memory_space<vmem>>
    %dma_wait3A_275 = tpu.memref_squeeze %dma_wait3A_274 : memref<1x8192xf32, #tpu.memory_space<vmem>> -> memref<8192xf32, #tpu.memory_space<vmem>>
    %dma_wait3A_276 = tpu.memref_slice %arg3[%add3A_249] : memref<1048576xf32, #tpu.memory_space<hbm>> -> memref<8192xf32, #tpu.memory_space<hbm>>
    tpu.wait_dma2 semaphore(%arg11 : memref<!tpu.dma_semaphore, #tpu.memory_space<semaphore_mem>>) src(%dma_wait3A_276 : memref<8192xf32, #tpu.memory_space<hbm>>) dst(%dma_wait3A_275 : memref<8192xf32, #tpu.memory_space<vmem>>)
    %get3A_277 = arith.constant 0 : i32
    %get3A_278 = arith.index_cast %get3A_277 : i32 to index
    %get3A_279 = arith.constant 8176 : index
    %get3A_280 = tpu.vector_load %arg8[%get3A_278, %get3A_279] {strides = array<i32>} : memref<2x8192xi32, #tpu.memory_space<vmem>>, vector<16xi32>,
    %slice3A_281 = vector.extract_strided_slice %get3A_280 {offsets = [15], sizes = [1], strides = [1]} : vector<16xi32> to vector<1xi32>
    %squeeze3A_282 = vector.extract %slice3A_281[0] : i32 from vector<1xi32>
    %add3A_283 = arith.constant 1 : i32
    %add3A_284 = arith.addi %squeeze3A_195, %add3A_283 : i32
    %sub3A_285 = arith.subi %squeeze3A_282, %add3A_284 : i32
    %add3A_286 = arith.constant 16 : i32
    %add3A_287 = arith.addi %sub3A_285, %add3A_286 : i32
    %shift_right_arithmetic3A_288 = arith.constant 4 : i32
    %shift_right_arithmetic3A_289 = arith.shrsi %add3A_287, %shift_right_arithmetic3A_288 : i32
    %while3A_290 = arith.constant 0 : i32
    %while3A_291 = arith.constant 0 : i32
    %while3A_292 = arith.subi %shift_right_arithmetic3A_289, %while3A_290 : i32
    %while3A_293 = arith.addi %while3A_290, %while3A_292 : i32
    %while3A_294 = arith.constant 1 : i32
    %while3A_295 = arith.divsi %while3A_292, %while3A_294 : i32
    %while3A_296 = arith.muli %while3A_295, %while3A_294 : i32
    %while3A_297 = arith.addi %while3A_290, %while3A_296 : i32
    %while3A_298 = arith.constant 1 : i32
    %while3A_299 = scf.for %while3A_580 = %while3A_290 to %while3A_297 step %while3A_298 iter_args(%while3A_581 = %while3A_291) -> (i32)  : i32 {
      %mul3A_582 = arith.constant 16 : i32
      %mul3A_583 = arith.muli %while3A_580, %mul3A_582 : i32
      %add3A_584 = arith.addi %add3A_284, %mul3A_583 : i32
      %add3A_585 = arith.constant 0 : i32
      %add3A_586 = arith.addi %add3A_585, %add3A_584 : i32
      %swap3A_587 = arith.index_cast %add3A_586 : i32 to index
      %swap3A_588 = tpu.vector_load %arg6[%swap3A_587] {strides = array<i32>} : memref<38912xf32, #tpu.memory_space<vmem>>, vector<16xf32>,
      tpu.vector_store %arg6[%swap3A_587], %broadcast_in_dim3A_3 {strides = array<i32>} : memref<38912xf32, #tpu.memory_space<vmem>>, vector<16xf32>,
      %add3A_589 = arith.constant 1216 : i32
      %add3A_590 = arith.addi %add3A_589, %add3A_584 : i32
      %swap3A_591 = arith.index_cast %add3A_590 : i32 to index
      %swap3A_592 = tpu.vector_load %arg6[%swap3A_591] {strides = array<i32>} : memref<38912xf32, #tpu.memory_space<vmem>>, vector<16xf32>,
      tpu.vector_store %arg6[%swap3A_591], %broadcast_in_dim3A_3 {strides = array<i32>} : memref<38912xf32, #tpu.memory_space<vmem>>, vector<16xf32>,
      %add3A_593 = arith.constant 2432 : i32
      %add3A_594 = arith.addi %add3A_593, %add3A_584 : i32
      %swap3A_595 = arith.index_cast %add3A_594 : i32 to index
      %swap3A_596 = tpu.vector_load %arg6[%swap3A_595] {strides = array<i32>} : memref<38912xf32, #tpu.memory_space<vmem>>, vector<16xf32>,
      tpu.vector_store %arg6[%swap3A_595], %broadcast_in_dim3A_3 {strides = array<i32>} : memref<38912xf32, #tpu.memory_space<vmem>>, vector<16xf32>,
      %add3A_597 = arith.constant 3648 : i32
      %add3A_598 = arith.addi %add3A_597, %add3A_584 : i32
      %swap3A_599 = arith.index_cast %add3A_598 : i32 to index
      %swap3A_600 = tpu.vector_load %arg6[%swap3A_599] {strides = array<i32>} : memref<38912xf32, #tpu.memory_space<vmem>>, vector<16xf32>,
      tpu.vector_store %arg6[%swap3A_599], %broadcast_in_dim3A_3 {strides = array<i32>} : memref<38912xf32, #tpu.memory_space<vmem>>, vector<16xf32>,
      %add3A_601 = arith.constant 4864 : i32
      %add3A_602 = arith.addi %add3A_601, %add3A_584 : i32
      %swap3A_603 = arith.index_cast %add3A_602 : i32 to index
      %swap3A_604 = tpu.vector_load %arg6[%swap3A_603] {strides = array<i32>} : memref<38912xf32, #tpu.memory_space<vmem>>, vector<16xf32>,
      tpu.vector_store %arg6[%swap3A_603], %broadcast_in_dim3A_3 {strides = array<i32>} : memref<38912xf32, #tpu.memory_space<vmem>>, vector<16xf32>,
      %add3A_605 = arith.constant 6080 : i32
      %add3A_606 = arith.addi %add3A_605, %add3A_584 : i32
      %swap3A_607 = arith.index_cast %add3A_606 : i32 to index
      %swap3A_608 = tpu.vector_load %arg6[%swap3A_607] {strides = array<i32>} : memref<38912xf32, #tpu.memory_space<vmem>>, vector<16xf32>,
      tpu.vector_store %arg6[%swap3A_607], %broadcast_in_dim3A_3 {strides = array<i32>} : memref<38912xf32, #tpu.memory_space<vmem>>, vector<16xf32>,
      %add3A_609 = arith.constant 7296 : i32
      %add3A_610 = arith.addi %add3A_609, %add3A_584 : i32
      %swap3A_611 = arith.index_cast %add3A_610 : i32 to index
      %swap3A_612 = tpu.vector_load %arg6[%swap3A_611] {strides = array<i32>} : memref<38912xf32, #tpu.memory_space<vmem>>, vector<16xf32>,
      tpu.vector_store %arg6[%swap3A_611], %broadcast_in_dim3A_3 {strides = array<i32>} : memref<38912xf32, #tpu.memory_space<vmem>>, vector<16xf32>,
      %add3A_613 = arith.constant 8512 : i32
      %add3A_614 = arith.addi %add3A_613, %add3A_584 : i32
      %swap3A_615 = arith.index_cast %add3A_614 : i32 to index
      %swap3A_616 = tpu.vector_load %arg6[%swap3A_615] {strides = array<i32>} : memref<38912xf32, #tpu.memory_space<vmem>>, vector<16xf32>,
      tpu.vector_store %arg6[%swap3A_615], %broadcast_in_dim3A_3 {strides = array<i32>} : memref<38912xf32, #tpu.memory_space<vmem>>, vector<16xf32>,
      %add3A_617 = arith.constant 9728 : i32
      %add3A_618 = arith.addi %add3A_617, %add3A_584 : i32
      %swap3A_619 = arith.index_cast %add3A_618 : i32 to index
      %swap3A_620 = tpu.vector_load %arg6[%swap3A_619] {strides = array<i32>} : memref<38912xf32, #tpu.memory_space<vmem>>, vector<16xf32>,
      tpu.vector_store %arg6[%swap3A_619], %broadcast_in_dim3A_3 {strides = array<i32>} : memref<38912xf32, #tpu.memory_space<vmem>>, vector<16xf32>,
      %add3A_621 = arith.constant 10944 : i32
      %add3A_622 = arith.addi %add3A_621, %add3A_584 : i32
      %swap3A_623 = arith.index_cast %add3A_622 : i32 to index
      %swap3A_624 = tpu.vector_load %arg6[%swap3A_623] {strides = array<i32>} : memref<38912xf32, #tpu.memory_space<vmem>>, vector<16xf32>,
      tpu.vector_store %arg6[%swap3A_623], %broadcast_in_dim3A_3 {strides = array<i32>} : memref<38912xf32, #tpu.memory_space<vmem>>, vector<16xf32>,
      %add3A_625 = arith.constant 12160 : i32
      %add3A_626 = arith.addi %add3A_625, %add3A_584 : i32
      %swap3A_627 = arith.index_cast %add3A_626 : i32 to index
      %swap3A_628 = tpu.vector_load %arg6[%swap3A_627] {strides = array<i32>} : memref<38912xf32, #tpu.memory_space<vmem>>, vector<16xf32>,
      tpu.vector_store %arg6[%swap3A_627], %broadcast_in_dim3A_3 {strides = array<i32>} : memref<38912xf32, #tpu.memory_space<vmem>>, vector<16xf32>,
      %add3A_629 = arith.constant 13376 : i32
      %add3A_630 = arith.addi %add3A_629, %add3A_584 : i32
      %swap3A_631 = arith.index_cast %add3A_630 : i32 to index
      %swap3A_632 = tpu.vector_load %arg6[%swap3A_631] {strides = array<i32>} : memref<38912xf32, #tpu.memory_space<vmem>>, vector<16xf32>,
      tpu.vector_store %arg6[%swap3A_631], %broadcast_in_dim3A_3 {strides = array<i32>} : memref<38912xf32, #tpu.memory_space<vmem>>, vector<16xf32>,
      %add3A_633 = arith.constant 14592 : i32
      %add3A_634 = arith.addi %add3A_633, %add3A_584 : i32
      %swap3A_635 = arith.index_cast %add3A_634 : i32 to index
      %swap3A_636 = tpu.vector_load %arg6[%swap3A_635] {strides = array<i32>} : memref<38912xf32, #tpu.memory_space<vmem>>, vector<16xf32>,
      tpu.vector_store %arg6[%swap3A_635], %broadcast_in_dim3A_3 {strides = array<i32>} : memref<38912xf32, #tpu.memory_space<vmem>>, vector<16xf32>,
      %add3A_637 = arith.constant 15808 : i32
      %add3A_638 = arith.addi %add3A_637, %add3A_584 : i32
      %swap3A_639 = arith.index_cast %add3A_638 : i32 to index
      %swap3A_640 = tpu.vector_load %arg6[%swap3A_639] {strides = array<i32>} : memref<38912xf32, #tpu.memory_space<vmem>>, vector<16xf32>,
      tpu.vector_store %arg6[%swap3A_639], %broadcast_in_dim3A_3 {strides = array<i32>} : memref<38912xf32, #tpu.memory_space<vmem>>, vector<16xf32>,
      %add3A_641 = arith.constant 17024 : i32
      %add3A_642 = arith.addi %add3A_641, %add3A_584 : i32
      %swap3A_643 = arith.index_cast %add3A_642 : i32 to index
      %swap3A_644 = tpu.vector_load %arg6[%swap3A_643] {strides = array<i32>} : memref<38912xf32, #tpu.memory_space<vmem>>, vector<16xf32>,
      tpu.vector_store %arg6[%swap3A_643], %broadcast_in_dim3A_3 {strides = array<i32>} : memref<38912xf32, #tpu.memory_space<vmem>>, vector<16xf32>,
      %add3A_645 = arith.constant 18240 : i32
      %add3A_646 = arith.addi %add3A_645, %add3A_584 : i32
      %swap3A_647 = arith.index_cast %add3A_646 : i32 to index
      %swap3A_648 = tpu.vector_load %arg6[%swap3A_647] {strides = array<i32>} : memref<38912xf32, #tpu.memory_space<vmem>>, vector<16xf32>,
      tpu.vector_store %arg6[%swap3A_647], %broadcast_in_dim3A_3 {strides = array<i32>} : memref<38912xf32, #tpu.memory_space<vmem>>, vector<16xf32>,
      %add3A_649 = arith.constant 19456 : i32
      %add3A_650 = arith.addi %add3A_649, %add3A_584 : i32
      %swap3A_651 = arith.index_cast %add3A_650 : i32 to index
      %swap3A_652 = tpu.vector_load %arg6[%swap3A_651] {strides = array<i32>} : memref<38912xf32, #tpu.memory_space<vmem>>, vector<16xf32>,
      tpu.vector_store %arg6[%swap3A_651], %broadcast_in_dim3A_3 {strides = array<i32>} : memref<38912xf32, #tpu.memory_space<vmem>>, vector<16xf32>,
      %add3A_653 = arith.constant 20672 : i32
      %add3A_654 = arith.addi %add3A_653, %add3A_584 : i32
      %swap3A_655 = arith.index_cast %add3A_654 : i32 to index
      %swap3A_656 = tpu.vector_load %arg6[%swap3A_655] {strides = array<i32>} : memref<38912xf32, #tpu.memory_space<vmem>>, vector<16xf32>,
      tpu.vector_store %arg6[%swap3A_655], %broadcast_in_dim3A_3 {strides = array<i32>} : memref<38912xf32, #tpu.memory_space<vmem>>, vector<16xf32>,
      %add3A_657 = arith.constant 21888 : i32
      %add3A_658 = arith.addi %add3A_657, %add3A_584 : i32
      %swap3A_659 = arith.index_cast %add3A_658 : i32 to index
      %swap3A_660 = tpu.vector_load %arg6[%swap3A_659] {strides = array<i32>} : memref<38912xf32, #tpu.memory_space<vmem>>, vector<16xf32>,
      tpu.vector_store %arg6[%swap3A_659], %broadcast_in_dim3A_3 {strides = array<i32>} : memref<38912xf32, #tpu.memory_space<vmem>>, vector<16xf32>,
      %add3A_661 = arith.constant 23104 : i32
      %add3A_662 = arith.addi %add3A_661, %add3A_584 : i32
      %swap3A_663 = arith.index_cast %add3A_662 : i32 to index
      %swap3A_664 = tpu.vector_load %arg6[%swap3A_663] {strides = array<i32>} : memref<38912xf32, #tpu.memory_space<vmem>>, vector<16xf32>,
      tpu.vector_store %arg6[%swap3A_663], %broadcast_in_dim3A_3 {strides = array<i32>} : memref<38912xf32, #tpu.memory_space<vmem>>, vector<16xf32>,
      %add3A_665 = arith.constant 24320 : i32
      %add3A_666 = arith.addi %add3A_665, %add3A_584 : i32
      %swap3A_667 = arith.index_cast %add3A_666 : i32 to index
      %swap3A_668 = tpu.vector_load %arg6[%swap3A_667] {strides = array<i32>} : memref<38912xf32, #tpu.memory_space<vmem>>, vector<16xf32>,
      tpu.vector_store %arg6[%swap3A_667], %broadcast_in_dim3A_3 {strides = array<i32>} : memref<38912xf32, #tpu.memory_space<vmem>>, vector<16xf32>,
      %add3A_669 = arith.constant 25536 : i32
      %add3A_670 = arith.addi %add3A_669, %add3A_584 : i32
      %swap3A_671 = arith.index_cast %add3A_670 : i32 to index
      %swap3A_672 = tpu.vector_load %arg6[%swap3A_671] {strides = array<i32>} : memref<38912xf32, #tpu.memory_space<vmem>>, vector<16xf32>,
      tpu.vector_store %arg6[%swap3A_671], %broadcast_in_dim3A_3 {strides = array<i32>} : memref<38912xf32, #tpu.memory_space<vmem>>, vector<16xf32>,
      %add3A_673 = arith.constant 26752 : i32
      %add3A_674 = arith.addi %add3A_673, %add3A_584 : i32
      %swap3A_675 = arith.index_cast %add3A_674 : i32 to index
      %swap3A_676 = tpu.vector_load %arg6[%swap3A_675] {strides = array<i32>} : memref<38912xf32, #tpu.memory_space<vmem>>, vector<16xf32>,
      tpu.vector_store %arg6[%swap3A_675], %broadcast_in_dim3A_3 {strides = array<i32>} : memref<38912xf32, #tpu.memory_space<vmem>>, vector<16xf32>,
      %add3A_677 = arith.constant 27968 : i32
      %add3A_678 = arith.addi %add3A_677, %add3A_584 : i32
      %swap3A_679 = arith.index_cast %add3A_678 : i32 to index
      %swap3A_680 = tpu.vector_load %arg6[%swap3A_679] {strides = array<i32>} : memref<38912xf32, #tpu.memory_space<vmem>>, vector<16xf32>,
      tpu.vector_store %arg6[%swap3A_679], %broadcast_in_dim3A_3 {strides = array<i32>} : memref<38912xf32, #tpu.memory_space<vmem>>, vector<16xf32>,
      %add3A_681 = arith.constant 29184 : i32
      %add3A_682 = arith.addi %add3A_681, %add3A_584 : i32
      %swap3A_683 = arith.index_cast %add3A_682 : i32 to index
      %swap3A_684 = tpu.vector_load %arg6[%swap3A_683] {strides = array<i32>} : memref<38912xf32, #tpu.memory_space<vmem>>, vector<16xf32>,
      tpu.vector_store %arg6[%swap3A_683], %broadcast_in_dim3A_3 {strides = array<i32>} : memref<38912xf32, #tpu.memory_space<vmem>>, vector<16xf32>,
      %add3A_685 = arith.constant 30400 : i32
      %add3A_686 = arith.addi %add3A_685, %add3A_584 : i32
      %swap3A_687 = arith.index_cast %add3A_686 : i32 to index
      %swap3A_688 = tpu.vector_load %arg6[%swap3A_687] {strides = array<i32>} : memref<38912xf32, #tpu.memory_space<vmem>>, vector<16xf32>,
      tpu.vector_store %arg6[%swap3A_687], %broadcast_in_dim3A_3 {strides = array<i32>} : memref<38912xf32, #tpu.memory_space<vmem>>, vector<16xf32>,
      %add3A_689 = arith.constant 31616 : i32
      %add3A_690 = arith.addi %add3A_689, %add3A_584 : i32
      %swap3A_691 = arith.index_cast %add3A_690 : i32 to index
      %swap3A_692 = tpu.vector_load %arg6[%swap3A_691] {strides = array<i32>} : memref<38912xf32, #tpu.memory_space<vmem>>, vector<16xf32>,
      tpu.vector_store %arg6[%swap3A_691], %broadcast_in_dim3A_3 {strides = array<i32>} : memref<38912xf32, #tpu.memory_space<vmem>>, vector<16xf32>,
      %add3A_693 = arith.constant 32832 : i32
      %add3A_694 = arith.addi %add3A_693, %add3A_584 : i32
      %swap3A_695 = arith.index_cast %add3A_694 : i32 to index
      %swap3A_696 = tpu.vector_load %arg6[%swap3A_695] {strides = array<i32>} : memref<38912xf32, #tpu.memory_space<vmem>>, vector<16xf32>,
      tpu.vector_store %arg6[%swap3A_695], %broadcast_in_dim3A_3 {strides = array<i32>} : memref<38912xf32, #tpu.memory_space<vmem>>, vector<16xf32>,
      %add3A_697 = arith.constant 34048 : i32
      %add3A_698 = arith.addi %add3A_697, %add3A_584 : i32
      %swap3A_699 = arith.index_cast %add3A_698 : i32 to index
      %swap3A_700 = tpu.vector_load %arg6[%swap3A_699] {strides = array<i32>} : memref<38912xf32, #tpu.memory_space<vmem>>, vector<16xf32>,
      tpu.vector_store %arg6[%swap3A_699], %broadcast_in_dim3A_3 {strides = array<i32>} : memref<38912xf32, #tpu.memory_space<vmem>>, vector<16xf32>,
      %add3A_701 = arith.constant 35264 : i32
      %add3A_702 = arith.addi %add3A_701, %add3A_584 : i32
      %swap3A_703 = arith.index_cast %add3A_702 : i32 to index
      %swap3A_704 = tpu.vector_load %arg6[%swap3A_703] {strides = array<i32>} : memref<38912xf32, #tpu.memory_space<vmem>>, vector<16xf32>,
      tpu.vector_store %arg6[%swap3A_703], %broadcast_in_dim3A_3 {strides = array<i32>} : memref<38912xf32, #tpu.memory_space<vmem>>, vector<16xf32>,
      %add3A_705 = arith.constant 36480 : i32
      %add3A_706 = arith.addi %add3A_705, %add3A_584 : i32
      %swap3A_707 = arith.index_cast %add3A_706 : i32 to index
      %swap3A_708 = tpu.vector_load %arg6[%swap3A_707] {strides = array<i32>} : memref<38912xf32, #tpu.memory_space<vmem>>, vector<16xf32>,
      tpu.vector_store %arg6[%swap3A_707], %broadcast_in_dim3A_3 {strides = array<i32>} : memref<38912xf32, #tpu.memory_space<vmem>>, vector<16xf32>,
      %add3A_709 = arith.constant 37696 : i32
      %add3A_710 = arith.addi %add3A_709, %add3A_584 : i32
      %swap3A_711 = arith.index_cast %add3A_710 : i32 to index
      %swap3A_712 = tpu.vector_load %arg6[%swap3A_711] {strides = array<i32>} : memref<38912xf32, #tpu.memory_space<vmem>>, vector<16xf32>,
      tpu.vector_store %arg6[%swap3A_711], %broadcast_in_dim3A_3 {strides = array<i32>} : memref<38912xf32, #tpu.memory_space<vmem>>, vector<16xf32>,
      %while3A_713 = arith.constant 0 : i32
      scf.yield %while3A_713 : i32
    }
    %while3A_300 = arith.constant 1 : i32
    %while3A_301 = scf.for %while3A_580 = %while3A_297 to %while3A_293 step %while3A_300 iter_args(%while3A_581 = %while3A_299) -> (i32)  : i32 {
      %mul3A_582 = arith.constant 16 : i32
      %mul3A_583 = arith.muli %while3A_580, %mul3A_582 : i32
      %add3A_584 = arith.addi %add3A_284, %mul3A_583 : i32
      %add3A_585 = arith.constant 0 : i32
      %add3A_586 = arith.addi %add3A_585, %add3A_584 : i32
      %swap3A_587 = arith.index_cast %add3A_586 : i32 to index
      %swap3A_588 = tpu.vector_load %arg6[%swap3A_587] {strides = array<i32>} : memref<38912xf32, #tpu.memory_space<vmem>>, vector<16xf32>,
      tpu.vector_store %arg6[%swap3A_587], %broadcast_in_dim3A_3 {strides = array<i32>} : memref<38912xf32, #tpu.memory_space<vmem>>, vector<16xf32>,
      %add3A_589 = arith.constant 1216 : i32
      %add3A_590 = arith.addi %add3A_589, %add3A_584 : i32
      %swap3A_591 = arith.index_cast %add3A_590 : i32 to index
      %swap3A_592 = tpu.vector_load %arg6[%swap3A_591] {strides = array<i32>} : memref<38912xf32, #tpu.memory_space<vmem>>, vector<16xf32>,
      tpu.vector_store %arg6[%swap3A_591], %broadcast_in_dim3A_3 {strides = array<i32>} : memref<38912xf32, #tpu.memory_space<vmem>>, vector<16xf32>,
      %add3A_593 = arith.constant 2432 : i32
      %add3A_594 = arith.addi %add3A_593, %add3A_584 : i32
      %swap3A_595 = arith.index_cast %add3A_594 : i32 to index
      %swap3A_596 = tpu.vector_load %arg6[%swap3A_595] {strides = array<i32>} : memref<38912xf32, #tpu.memory_space<vmem>>, vector<16xf32>,
      tpu.vector_store %arg6[%swap3A_595], %broadcast_in_dim3A_3 {strides = array<i32>} : memref<38912xf32, #tpu.memory_space<vmem>>, vector<16xf32>,
      %add3A_597 = arith.constant 3648 : i32
      %add3A_598 = arith.addi %add3A_597, %add3A_584 : i32
      %swap3A_599 = arith.index_cast %add3A_598 : i32 to index
      %swap3A_600 = tpu.vector_load %arg6[%swap3A_599] {strides = array<i32>} : memref<38912xf32, #tpu.memory_space<vmem>>, vector<16xf32>,
      tpu.vector_store %arg6[%swap3A_599], %broadcast_in_dim3A_3 {strides = array<i32>} : memref<38912xf32, #tpu.memory_space<vmem>>, vector<16xf32>,
      %add3A_601 = arith.constant 4864 : i32
      %add3A_602 = arith.addi %add3A_601, %add3A_584 : i32
      %swap3A_603 = arith.index_cast %add3A_602 : i32 to index
      %swap3A_604 = tpu.vector_load %arg6[%swap3A_603] {strides = array<i32>} : memref<38912xf32, #tpu.memory_space<vmem>>, vector<16xf32>,
      tpu.vector_store %arg6[%swap3A_603], %broadcast_in_dim3A_3 {strides = array<i32>} : memref<38912xf32, #tpu.memory_space<vmem>>, vector<16xf32>,
      %add3A_605 = arith.constant 6080 : i32
      %add3A_606 = arith.addi %add3A_605, %add3A_584 : i32
      %swap3A_607 = arith.index_cast %add3A_606 : i32 to index
      %swap3A_608 = tpu.vector_load %arg6[%swap3A_607] {strides = array<i32>} : memref<38912xf32, #tpu.memory_space<vmem>>, vector<16xf32>,
      tpu.vector_store %arg6[%swap3A_607], %broadcast_in_dim3A_3 {strides = array<i32>} : memref<38912xf32, #tpu.memory_space<vmem>>, vector<16xf32>,
      %add3A_609 = arith.constant 7296 : i32
      %add3A_610 = arith.addi %add3A_609, %add3A_584 : i32
      %swap3A_611 = arith.index_cast %add3A_610 : i32 to index
      %swap3A_612 = tpu.vector_load %arg6[%swap3A_611] {strides = array<i32>} : memref<38912xf32, #tpu.memory_space<vmem>>, vector<16xf32>,
      tpu.vector_store %arg6[%swap3A_611], %broadcast_in_dim3A_3 {strides = array<i32>} : memref<38912xf32, #tpu.memory_space<vmem>>, vector<16xf32>,
      %add3A_613 = arith.constant 8512 : i32
      %add3A_614 = arith.addi %add3A_613, %add3A_584 : i32
      %swap3A_615 = arith.index_cast %add3A_614 : i32 to index
      %swap3A_616 = tpu.vector_load %arg6[%swap3A_615] {strides = array<i32>} : memref<38912xf32, #tpu.memory_space<vmem>>, vector<16xf32>,
      tpu.vector_store %arg6[%swap3A_615], %broadcast_in_dim3A_3 {strides = array<i32>} : memref<38912xf32, #tpu.memory_space<vmem>>, vector<16xf32>,
      %add3A_617 = arith.constant 9728 : i32
      %add3A_618 = arith.addi %add3A_617, %add3A_584 : i32
      %swap3A_619 = arith.index_cast %add3A_618 : i32 to index
      %swap3A_620 = tpu.vector_load %arg6[%swap3A_619] {strides = array<i32>} : memref<38912xf32, #tpu.memory_space<vmem>>, vector<16xf32>,
      tpu.vector_store %arg6[%swap3A_619], %broadcast_in_dim3A_3 {strides = array<i32>} : memref<38912xf32, #tpu.memory_space<vmem>>, vector<16xf32>,
      %add3A_621 = arith.constant 10944 : i32
      %add3A_622 = arith.addi %add3A_621, %add3A_584 : i32
      %swap3A_623 = arith.index_cast %add3A_622 : i32 to index
      %swap3A_624 = tpu.vector_load %arg6[%swap3A_623] {strides = array<i32>} : memref<38912xf32, #tpu.memory_space<vmem>>, vector<16xf32>,
      tpu.vector_store %arg6[%swap3A_623], %broadcast_in_dim3A_3 {strides = array<i32>} : memref<38912xf32, #tpu.memory_space<vmem>>, vector<16xf32>,
      %add3A_625 = arith.constant 12160 : i32
      %add3A_626 = arith.addi %add3A_625, %add3A_584 : i32
      %swap3A_627 = arith.index_cast %add3A_626 : i32 to index
      %swap3A_628 = tpu.vector_load %arg6[%swap3A_627] {strides = array<i32>} : memref<38912xf32, #tpu.memory_space<vmem>>, vector<16xf32>,
      tpu.vector_store %arg6[%swap3A_627], %broadcast_in_dim3A_3 {strides = array<i32>} : memref<38912xf32, #tpu.memory_space<vmem>>, vector<16xf32>,
      %add3A_629 = arith.constant 13376 : i32
      %add3A_630 = arith.addi %add3A_629, %add3A_584 : i32
      %swap3A_631 = arith.index_cast %add3A_630 : i32 to index
      %swap3A_632 = tpu.vector_load %arg6[%swap3A_631] {strides = array<i32>} : memref<38912xf32, #tpu.memory_space<vmem>>, vector<16xf32>,
      tpu.vector_store %arg6[%swap3A_631], %broadcast_in_dim3A_3 {strides = array<i32>} : memref<38912xf32, #tpu.memory_space<vmem>>, vector<16xf32>,
      %add3A_633 = arith.constant 14592 : i32
      %add3A_634 = arith.addi %add3A_633, %add3A_584 : i32
      %swap3A_635 = arith.index_cast %add3A_634 : i32 to index
      %swap3A_636 = tpu.vector_load %arg6[%swap3A_635] {strides = array<i32>} : memref<38912xf32, #tpu.memory_space<vmem>>, vector<16xf32>,
      tpu.vector_store %arg6[%swap3A_635], %broadcast_in_dim3A_3 {strides = array<i32>} : memref<38912xf32, #tpu.memory_space<vmem>>, vector<16xf32>,
      %add3A_637 = arith.constant 15808 : i32
      %add3A_638 = arith.addi %add3A_637, %add3A_584 : i32
      %swap3A_639 = arith.index_cast %add3A_638 : i32 to index
      %swap3A_640 = tpu.vector_load %arg6[%swap3A_639] {strides = array<i32>} : memref<38912xf32, #tpu.memory_space<vmem>>, vector<16xf32>,
      tpu.vector_store %arg6[%swap3A_639], %broadcast_in_dim3A_3 {strides = array<i32>} : memref<38912xf32, #tpu.memory_space<vmem>>, vector<16xf32>,
      %add3A_641 = arith.constant 17024 : i32
      %add3A_642 = arith.addi %add3A_641, %add3A_584 : i32
      %swap3A_643 = arith.index_cast %add3A_642 : i32 to index
      %swap3A_644 = tpu.vector_load %arg6[%swap3A_643] {strides = array<i32>} : memref<38912xf32, #tpu.memory_space<vmem>>, vector<16xf32>,
      tpu.vector_store %arg6[%swap3A_643], %broadcast_in_dim3A_3 {strides = array<i32>} : memref<38912xf32, #tpu.memory_space<vmem>>, vector<16xf32>,
      %add3A_645 = arith.constant 18240 : i32
      %add3A_646 = arith.addi %add3A_645, %add3A_584 : i32
      %swap3A_647 = arith.index_cast %add3A_646 : i32 to index
      %swap3A_648 = tpu.vector_load %arg6[%swap3A_647] {strides = array<i32>} : memref<38912xf32, #tpu.memory_space<vmem>>, vector<16xf32>,
      tpu.vector_store %arg6[%swap3A_647], %broadcast_in_dim3A_3 {strides = array<i32>} : memref<38912xf32, #tpu.memory_space<vmem>>, vector<16xf32>,
      %add3A_649 = arith.constant 19456 : i32
      %add3A_650 = arith.addi %add3A_649, %add3A_584 : i32
      %swap3A_651 = arith.index_cast %add3A_650 : i32 to index
      %swap3A_652 = tpu.vector_load %arg6[%swap3A_651] {strides = array<i32>} : memref<38912xf32, #tpu.memory_space<vmem>>, vector<16xf32>,
      tpu.vector_store %arg6[%swap3A_651], %broadcast_in_dim3A_3 {strides = array<i32>} : memref<38912xf32, #tpu.memory_space<vmem>>, vector<16xf32>,
      %add3A_653 = arith.constant 20672 : i32
      %add3A_654 = arith.addi %add3A_653, %add3A_584 : i32
      %swap3A_655 = arith.index_cast %add3A_654 : i32 to index
      %swap3A_656 = tpu.vector_load %arg6[%swap3A_655] {strides = array<i32>} : memref<38912xf32, #tpu.memory_space<vmem>>, vector<16xf32>,
      tpu.vector_store %arg6[%swap3A_655], %broadcast_in_dim3A_3 {strides = array<i32>} : memref<38912xf32, #tpu.memory_space<vmem>>, vector<16xf32>,
      %add3A_657 = arith.constant 21888 : i32
      %add3A_658 = arith.addi %add3A_657, %add3A_584 : i32
      %swap3A_659 = arith.index_cast %add3A_658 : i32 to index
      %swap3A_660 = tpu.vector_load %arg6[%swap3A_659] {strides = array<i32>} : memref<38912xf32, #tpu.memory_space<vmem>>, vector<16xf32>,
      tpu.vector_store %arg6[%swap3A_659], %broadcast_in_dim3A_3 {strides = array<i32>} : memref<38912xf32, #tpu.memory_space<vmem>>, vector<16xf32>,
      %add3A_661 = arith.constant 23104 : i32
      %add3A_662 = arith.addi %add3A_661, %add3A_584 : i32
      %swap3A_663 = arith.index_cast %add3A_662 : i32 to index
      %swap3A_664 = tpu.vector_load %arg6[%swap3A_663] {strides = array<i32>} : memref<38912xf32, #tpu.memory_space<vmem>>, vector<16xf32>,
      tpu.vector_store %arg6[%swap3A_663], %broadcast_in_dim3A_3 {strides = array<i32>} : memref<38912xf32, #tpu.memory_space<vmem>>, vector<16xf32>,
      %add3A_665 = arith.constant 24320 : i32
      %add3A_666 = arith.addi %add3A_665, %add3A_584 : i32
      %swap3A_667 = arith.index_cast %add3A_666 : i32 to index
      %swap3A_668 = tpu.vector_load %arg6[%swap3A_667] {strides = array<i32>} : memref<38912xf32, #tpu.memory_space<vmem>>, vector<16xf32>,
      tpu.vector_store %arg6[%swap3A_667], %broadcast_in_dim3A_3 {strides = array<i32>} : memref<38912xf32, #tpu.memory_space<vmem>>, vector<16xf32>,
      %add3A_669 = arith.constant 25536 : i32
      %add3A_670 = arith.addi %add3A_669, %add3A_584 : i32
      %swap3A_671 = arith.index_cast %add3A_670 : i32 to index
      %swap3A_672 = tpu.vector_load %arg6[%swap3A_671] {strides = array<i32>} : memref<38912xf32, #tpu.memory_space<vmem>>, vector<16xf32>,
      tpu.vector_store %arg6[%swap3A_671], %broadcast_in_dim3A_3 {strides = array<i32>} : memref<38912xf32, #tpu.memory_space<vmem>>, vector<16xf32>,
      %add3A_673 = arith.constant 26752 : i32
      %add3A_674 = arith.addi %add3A_673, %add3A_584 : i32
      %swap3A_675 = arith.index_cast %add3A_674 : i32 to index
      %swap3A_676 = tpu.vector_load %arg6[%swap3A_675] {strides = array<i32>} : memref<38912xf32, #tpu.memory_space<vmem>>, vector<16xf32>,
      tpu.vector_store %arg6[%swap3A_675], %broadcast_in_dim3A_3 {strides = array<i32>} : memref<38912xf32, #tpu.memory_space<vmem>>, vector<16xf32>,
      %add3A_677 = arith.constant 27968 : i32
      %add3A_678 = arith.addi %add3A_677, %add3A_584 : i32
      %swap3A_679 = arith.index_cast %add3A_678 : i32 to index
      %swap3A_680 = tpu.vector_load %arg6[%swap3A_679] {strides = array<i32>} : memref<38912xf32, #tpu.memory_space<vmem>>, vector<16xf32>,
      tpu.vector_store %arg6[%swap3A_679], %broadcast_in_dim3A_3 {strides = array<i32>} : memref<38912xf32, #tpu.memory_space<vmem>>, vector<16xf32>,
      %add3A_681 = arith.constant 29184 : i32
      %add3A_682 = arith.addi %add3A_681, %add3A_584 : i32
      %swap3A_683 = arith.index_cast %add3A_682 : i32 to index
      %swap3A_684 = tpu.vector_load %arg6[%swap3A_683] {strides = array<i32>} : memref<38912xf32, #tpu.memory_space<vmem>>, vector<16xf32>,
      tpu.vector_store %arg6[%swap3A_683], %broadcast_in_dim3A_3 {strides = array<i32>} : memref<38912xf32, #tpu.memory_space<vmem>>, vector<16xf32>,
      %add3A_685 = arith.constant 30400 : i32
      %add3A_686 = arith.addi %add3A_685, %add3A_584 : i32
      %swap3A_687 = arith.index_cast %add3A_686 : i32 to index
      %swap3A_688 = tpu.vector_load %arg6[%swap3A_687] {strides = array<i32>} : memref<38912xf32, #tpu.memory_space<vmem>>, vector<16xf32>,
      tpu.vector_store %arg6[%swap3A_687], %broadcast_in_dim3A_3 {strides = array<i32>} : memref<38912xf32, #tpu.memory_space<vmem>>, vector<16xf32>,
      %add3A_689 = arith.constant 31616 : i32
      %add3A_690 = arith.addi %add3A_689, %add3A_584 : i32
      %swap3A_691 = arith.index_cast %add3A_690 : i32 to index
      %swap3A_692 = tpu.vector_load %arg6[%swap3A_691] {strides = array<i32>} : memref<38912xf32, #tpu.memory_space<vmem>>, vector<16xf32>,
      tpu.vector_store %arg6[%swap3A_691], %broadcast_in_dim3A_3 {strides = array<i32>} : memref<38912xf32, #tpu.memory_space<vmem>>, vector<16xf32>,
      %add3A_693 = arith.constant 32832 : i32
      %add3A_694 = arith.addi %add3A_693, %add3A_584 : i32
      %swap3A_695 = arith.index_cast %add3A_694 : i32 to index
      %swap3A_696 = tpu.vector_load %arg6[%swap3A_695] {strides = array<i32>} : memref<38912xf32, #tpu.memory_space<vmem>>, vector<16xf32>,
      tpu.vector_store %arg6[%swap3A_695], %broadcast_in_dim3A_3 {strides = array<i32>} : memref<38912xf32, #tpu.memory_space<vmem>>, vector<16xf32>,
      %add3A_697 = arith.constant 34048 : i32
      %add3A_698 = arith.addi %add3A_697, %add3A_584 : i32
      %swap3A_699 = arith.index_cast %add3A_698 : i32 to index
      %swap3A_700 = tpu.vector_load %arg6[%swap3A_699] {strides = array<i32>} : memref<38912xf32, #tpu.memory_space<vmem>>, vector<16xf32>,
      tpu.vector_store %arg6[%swap3A_699], %broadcast_in_dim3A_3 {strides = array<i32>} : memref<38912xf32, #tpu.memory_space<vmem>>, vector<16xf32>,
      %add3A_701 = arith.constant 35264 : i32
      %add3A_702 = arith.addi %add3A_701, %add3A_584 : i32
      %swap3A_703 = arith.index_cast %add3A_702 : i32 to index
      %swap3A_704 = tpu.vector_load %arg6[%swap3A_703] {strides = array<i32>} : memref<38912xf32, #tpu.memory_space<vmem>>, vector<16xf32>,
      tpu.vector_store %arg6[%swap3A_703], %broadcast_in_dim3A_3 {strides = array<i32>} : memref<38912xf32, #tpu.memory_space<vmem>>, vector<16xf32>,
      %add3A_705 = arith.constant 36480 : i32
      %add3A_706 = arith.addi %add3A_705, %add3A_584 : i32
      %swap3A_707 = arith.index_cast %add3A_706 : i32 to index
      %swap3A_708 = tpu.vector_load %arg6[%swap3A_707] {strides = array<i32>} : memref<38912xf32, #tpu.memory_space<vmem>>, vector<16xf32>,
      tpu.vector_store %arg6[%swap3A_707], %broadcast_in_dim3A_3 {strides = array<i32>} : memref<38912xf32, #tpu.memory_space<vmem>>, vector<16xf32>,
      %add3A_709 = arith.constant 37696 : i32
      %add3A_710 = arith.addi %add3A_709, %add3A_584 : i32
      %swap3A_711 = arith.index_cast %add3A_710 : i32 to index
      %swap3A_712 = tpu.vector_load %arg6[%swap3A_711] {strides = array<i32>} : memref<38912xf32, #tpu.memory_space<vmem>>, vector<16xf32>,
      tpu.vector_store %arg6[%swap3A_711], %broadcast_in_dim3A_3 {strides = array<i32>} : memref<38912xf32, #tpu.memory_space<vmem>>, vector<16xf32>,
      %while3A_713 = arith.constant 0 : i32
      scf.yield %while3A_713 : i32
    }
    %parallel_loop3A_302 = arith.constant 0 : i32
    %parallel_loop3A_303 = arith.constant 512 : i32
    %parallel_loop3A_304 = arith.constant 1 : i32
    %parallel_loop3A_305:3 = scf.for %parallel_loop3A_580 = %parallel_loop3A_302 to %parallel_loop3A_303 step %parallel_loop3A_304 iter_args(%parallel_loop3A_581 = %parallel_loop3A_218#0, %parallel_loop3A_582 = %parallel_loop3A_218#1, %parallel_loop3A_583 = %parallel_loop3A_218#2) -> (vector<16xi32>, vector<16xf32>, vector<16xf32>)  : i32 {
      %parallel_loop3A_584 = arith.constant 16 : i32
      %parallel_loop3A_585 = arith.muli %parallel_loop3A_580, %parallel_loop3A_584 : i32
      %parallel_loop3A_586 = arith.constant 0 : i32
      %parallel_loop3A_587 = arith.index_cast %parallel_loop3A_586 : i32 to index
      %parallel_loop3A_588 = arith.index_cast %parallel_loop3A_585 : i32 to index
      %parallel_loop3A_589 = tpu.vector_load %arg8[%parallel_loop3A_587, %parallel_loop3A_588] {strides = array<i32>} : memref<2x8192xi32, #tpu.memory_space<vmem>>, vector<16xi32>,
      %parallel_loop3A_590 = arith.constant 0 : i32
      %parallel_loop3A_591 = arith.index_cast %parallel_loop3A_590 : i32 to index
      %parallel_loop3A_592 = arith.index_cast %parallel_loop3A_585 : i32 to index
      %parallel_loop3A_593 = tpu.vector_load %arg9[%parallel_loop3A_591, %parallel_loop3A_592] {strides = array<i32>} : memref<2x8192xf32, #tpu.memory_space<vmem>>, vector<16xf32>,
      %parallel_loop3A_594 = arith.constant 0 : i32
      %parallel_loop3A_595 = arith.index_cast %parallel_loop3A_594 : i32 to index
      %parallel_loop3A_596 = arith.index_cast %parallel_loop3A_585 : i32 to index
      %parallel_loop3A_597 = tpu.vector_load %arg10[%parallel_loop3A_595, %parallel_loop3A_596] {strides = array<i32>} : memref<2x8192xf32, #tpu.memory_space<vmem>>, vector<16xf32>,
      %parallel_loop3A_598 = arith.cmpi ne, %parallel_loop3A_589, %parallel_loop3A_581 : vector<16xi32>
      %parallel_loop3A_599 = arith.addi %mul3A_6, %parallel_loop3A_581 : vector<16xi32>
      tpu.vector_store_idx %arg6[%parallel_loop3A_599], %parallel_loop3A_582 masked %parallel_loop3A_598 : memref<38912xf32, #tpu.memory_space<vmem>>[vector<16xi32>], vector<16xf32>, vector<16xi1>
      %parallel_loop3A_600 = arith.constant 1216 : i32
      %parallel_loop3A_601 = vector.broadcast %parallel_loop3A_600 : i32 to vector<16xi32>
      %parallel_loop3A_602 = arith.addi %parallel_loop3A_599, %parallel_loop3A_601 : vector<16xi32>
      tpu.vector_store_idx %arg6[%parallel_loop3A_602], %parallel_loop3A_583 masked %parallel_loop3A_598 : memref<38912xf32, #tpu.memory_space<vmem>>[vector<16xi32>], vector<16xf32>, vector<16xi1>
      %parallel_loop3A_603 = arith.maximumf %parallel_loop3A_582, %parallel_loop3A_593 : vector<16xf32>
      %parallel_loop3A_604 = arith.select %parallel_loop3A_598, %parallel_loop3A_593, %parallel_loop3A_603 : vector<16xi1>, vector<16xf32>
      %parallel_loop3A_605 = arith.maximumf %parallel_loop3A_583, %parallel_loop3A_597 : vector<16xf32>
      %parallel_loop3A_606 = arith.select %parallel_loop3A_598, %parallel_loop3A_597, %parallel_loop3A_605 : vector<16xi1>, vector<16xf32>
      scf.yield %parallel_loop3A_589, %parallel_loop3A_604, %parallel_loop3A_606 : vector<16xi32>, vector<16xf32>, vector<16xf32>
    } {sc.loop_unroll_factor = 8 : i64, sc.parallel_access}
    %add3A_306 = arith.constant 24576 : i32
    %add3A_307 = arith.addi %mul3A_2, %add3A_306 : i32
    %dma_wait3A_308 = arith.constant 1 : i32
    %dma_wait3A_309 = arith.constant 0 : i32
    %dma_wait3A_310 = tpu.memref_slice %arg8[%dma_wait3A_308, %dma_wait3A_309] : memref<2x8192xi32, #tpu.memory_space<vmem>> -> memref<1x8192xi32, #tpu.memory_space<vmem>>
    %dma_wait3A_311 = tpu.memref_squeeze %dma_wait3A_310 : memref<1x8192xi32, #tpu.memory_space<vmem>> -> memref<8192xi32, #tpu.memory_space<vmem>>
    %dma_wait3A_312 = tpu.memref_slice %arg4[%add3A_307] : memref<1048576xi32, #tpu.memory_space<hbm>> -> memref<8192xi32, #tpu.memory_space<hbm>>
    %dma_wait3A_313 = arith.constant 0 : i32
    %dma_wait3A_314 = tpu.memref_slice %arg8[%dma_wait3A_308, %dma_wait3A_313] : memref<2x8192xi32, #tpu.memory_space<vmem>> -> memref<1x8192xi32, #tpu.memory_space<vmem>>
    %dma_wait3A_315 = tpu.memref_squeeze %dma_wait3A_314 : memref<1x8192xi32, #tpu.memory_space<vmem>> -> memref<8192xi32, #tpu.memory_space<vmem>>
    %dma_wait3A_316 = tpu.memref_slice %arg4[%add3A_307] : memref<1048576xi32, #tpu.memory_space<hbm>> -> memref<8192xi32, #tpu.memory_space<hbm>>
    tpu.wait_dma2 semaphore(%arg12 : memref<!tpu.dma_semaphore, #tpu.memory_space<semaphore_mem>>) src(%dma_wait3A_316 : memref<8192xi32, #tpu.memory_space<hbm>>) dst(%dma_wait3A_315 : memref<8192xi32, #tpu.memory_space<vmem>>)
    %dma_wait3A_317 = arith.constant 1 : i32
    %dma_wait3A_318 = arith.constant 0 : i32
    %dma_wait3A_319 = tpu.memref_slice %arg9[%dma_wait3A_317, %dma_wait3A_318] : memref<2x8192xf32, #tpu.memory_space<vmem>> -> memref<1x8192xf32, #tpu.memory_space<vmem>>
    %dma_wait3A_320 = tpu.memref_squeeze %dma_wait3A_319 : memref<1x8192xf32, #tpu.memory_space<vmem>> -> memref<8192xf32, #tpu.memory_space<vmem>>
    %dma_wait3A_321 = tpu.memref_slice %arg2[%add3A_307] : memref<1048576xf32, #tpu.memory_space<hbm>> -> memref<8192xf32, #tpu.memory_space<hbm>>
    %dma_wait3A_322 = arith.constant 0 : i32
    %dma_wait3A_323 = tpu.memref_slice %arg9[%dma_wait3A_317, %dma_wait3A_322] : memref<2x8192xf32, #tpu.memory_space<vmem>> -> memref<1x8192xf32, #tpu.memory_space<vmem>>
    %dma_wait3A_324 = tpu.memref_squeeze %dma_wait3A_323 : memref<1x8192xf32, #tpu.memory_space<vmem>> -> memref<8192xf32, #tpu.memory_space<vmem>>
    %dma_wait3A_325 = tpu.memref_slice %arg2[%add3A_307] : memref<1048576xf32, #tpu.memory_space<hbm>> -> memref<8192xf32, #tpu.memory_space<hbm>>
    tpu.wait_dma2 semaphore(%arg12 : memref<!tpu.dma_semaphore, #tpu.memory_space<semaphore_mem>>) src(%dma_wait3A_325 : memref<8192xf32, #tpu.memory_space<hbm>>) dst(%dma_wait3A_324 : memref<8192xf32, #tpu.memory_space<vmem>>)
    %dma_wait3A_326 = arith.constant 1 : i32
    %dma_wait3A_327 = arith.constant 0 : i32
    %dma_wait3A_328 = tpu.memref_slice %arg10[%dma_wait3A_326, %dma_wait3A_327] : memref<2x8192xf32, #tpu.memory_space<vmem>> -> memref<1x8192xf32, #tpu.memory_space<vmem>>
    %dma_wait3A_329 = tpu.memref_squeeze %dma_wait3A_328 : memref<1x8192xf32, #tpu.memory_space<vmem>> -> memref<8192xf32, #tpu.memory_space<vmem>>
    %dma_wait3A_330 = tpu.memref_slice %arg3[%add3A_307] : memref<1048576xf32, #tpu.memory_space<hbm>> -> memref<8192xf32, #tpu.memory_space<hbm>>
    %dma_wait3A_331 = arith.constant 0 : i32
    %dma_wait3A_332 = tpu.memref_slice %arg10[%dma_wait3A_326, %dma_wait3A_331] : memref<2x8192xf32, #tpu.memory_space<vmem>> -> memref<1x8192xf32, #tpu.memory_space<vmem>>
    %dma_wait3A_333 = tpu.memref_squeeze %dma_wait3A_332 : memref<1x8192xf32, #tpu.memory_space<vmem>> -> memref<8192xf32, #tpu.memory_space<vmem>>
    %dma_wait3A_334 = tpu.memref_slice %arg3[%add3A_307] : memref<1048576xf32, #tpu.memory_space<hbm>> -> memref<8192xf32, #tpu.memory_space<hbm>>
    tpu.wait_dma2 semaphore(%arg12 : memref<!tpu.dma_semaphore, #tpu.memory_space<semaphore_mem>>) src(%dma_wait3A_334 : memref<8192xf32, #tpu.memory_space<hbm>>) dst(%dma_wait3A_333 : memref<8192xf32, #tpu.memory_space<vmem>>)
    %get3A_335 = arith.constant 1 : i32
    %get3A_336 = arith.index_cast %get3A_335 : i32 to index
    %get3A_337 = arith.constant 8176 : index
    %get3A_338 = tpu.vector_load %arg8[%get3A_336, %get3A_337] {strides = array<i32>} : memref<2x8192xi32, #tpu.memory_space<vmem>>, vector<16xi32>,
    %slice3A_339 = vector.extract_strided_slice %get3A_338 {offsets = [15], sizes = [1], strides = [1]} : vector<16xi32> to vector<1xi32>
    %squeeze3A_340 = vector.extract %slice3A_339[0] : i32 from vector<1xi32>
    %add3A_341 = arith.constant 1 : i32
    %add3A_342 = arith.addi %squeeze3A_282, %add3A_341 : i32
    %sub3A_343 = arith.subi %squeeze3A_340, %add3A_342 : i32
    %add3A_344 = arith.constant 16 : i32
    %add3A_345 = arith.addi %sub3A_343, %add3A_344 : i32
    %shift_right_arithmetic3A_346 = arith.constant 4 : i32
    %shift_right_arithmetic3A_347 = arith.shrsi %add3A_345, %shift_right_arithmetic3A_346 : i32
    %while3A_348 = arith.constant 0 : i32
    %while3A_349 = arith.constant 0 : i32
    %while3A_350 = arith.subi %shift_right_arithmetic3A_347, %while3A_348 : i32
    %while3A_351 = arith.addi %while3A_348, %while3A_350 : i32
    %while3A_352 = arith.constant 1 : i32
    %while3A_353 = arith.divsi %while3A_350, %while3A_352 : i32
    %while3A_354 = arith.muli %while3A_353, %while3A_352 : i32
    %while3A_355 = arith.addi %while3A_348, %while3A_354 : i32
    %while3A_356 = arith.constant 1 : i32
    %while3A_357 = scf.for %while3A_580 = %while3A_348 to %while3A_355 step %while3A_356 iter_args(%while3A_581 = %while3A_349) -> (i32)  : i32 {
      %mul3A_582 = arith.constant 16 : i32
      %mul3A_583 = arith.muli %while3A_580, %mul3A_582 : i32
      %add3A_584 = arith.addi %add3A_342, %mul3A_583 : i32
      %add3A_585 = arith.constant 0 : i32
      %add3A_586 = arith.addi %add3A_585, %add3A_584 : i32
      %swap3A_587 = arith.index_cast %add3A_586 : i32 to index
      %swap3A_588 = tpu.vector_load %arg6[%swap3A_587] {strides = array<i32>} : memref<38912xf32, #tpu.memory_space<vmem>>, vector<16xf32>,
      tpu.vector_store %arg6[%swap3A_587], %broadcast_in_dim3A_3 {strides = array<i32>} : memref<38912xf32, #tpu.memory_space<vmem>>, vector<16xf32>,
      %add3A_589 = arith.constant 1216 : i32
      %add3A_590 = arith.addi %add3A_589, %add3A_584 : i32
      %swap3A_591 = arith.index_cast %add3A_590 : i32 to index
      %swap3A_592 = tpu.vector_load %arg6[%swap3A_591] {strides = array<i32>} : memref<38912xf32, #tpu.memory_space<vmem>>, vector<16xf32>,
      tpu.vector_store %arg6[%swap3A_591], %broadcast_in_dim3A_3 {strides = array<i32>} : memref<38912xf32, #tpu.memory_space<vmem>>, vector<16xf32>,
      %add3A_593 = arith.constant 2432 : i32
      %add3A_594 = arith.addi %add3A_593, %add3A_584 : i32
      %swap3A_595 = arith.index_cast %add3A_594 : i32 to index
      %swap3A_596 = tpu.vector_load %arg6[%swap3A_595] {strides = array<i32>} : memref<38912xf32, #tpu.memory_space<vmem>>, vector<16xf32>,
      tpu.vector_store %arg6[%swap3A_595], %broadcast_in_dim3A_3 {strides = array<i32>} : memref<38912xf32, #tpu.memory_space<vmem>>, vector<16xf32>,
      %add3A_597 = arith.constant 3648 : i32
      %add3A_598 = arith.addi %add3A_597, %add3A_584 : i32
      %swap3A_599 = arith.index_cast %add3A_598 : i32 to index
      %swap3A_600 = tpu.vector_load %arg6[%swap3A_599] {strides = array<i32>} : memref<38912xf32, #tpu.memory_space<vmem>>, vector<16xf32>,
      tpu.vector_store %arg6[%swap3A_599], %broadcast_in_dim3A_3 {strides = array<i32>} : memref<38912xf32, #tpu.memory_space<vmem>>, vector<16xf32>,
      %add3A_601 = arith.constant 4864 : i32
      %add3A_602 = arith.addi %add3A_601, %add3A_584 : i32
      %swap3A_603 = arith.index_cast %add3A_602 : i32 to index
      %swap3A_604 = tpu.vector_load %arg6[%swap3A_603] {strides = array<i32>} : memref<38912xf32, #tpu.memory_space<vmem>>, vector<16xf32>,
      tpu.vector_store %arg6[%swap3A_603], %broadcast_in_dim3A_3 {strides = array<i32>} : memref<38912xf32, #tpu.memory_space<vmem>>, vector<16xf32>,
      %add3A_605 = arith.constant 6080 : i32
      %add3A_606 = arith.addi %add3A_605, %add3A_584 : i32
      %swap3A_607 = arith.index_cast %add3A_606 : i32 to index
      %swap3A_608 = tpu.vector_load %arg6[%swap3A_607] {strides = array<i32>} : memref<38912xf32, #tpu.memory_space<vmem>>, vector<16xf32>,
      tpu.vector_store %arg6[%swap3A_607], %broadcast_in_dim3A_3 {strides = array<i32>} : memref<38912xf32, #tpu.memory_space<vmem>>, vector<16xf32>,
      %add3A_609 = arith.constant 7296 : i32
      %add3A_610 = arith.addi %add3A_609, %add3A_584 : i32
      %swap3A_611 = arith.index_cast %add3A_610 : i32 to index
      %swap3A_612 = tpu.vector_load %arg6[%swap3A_611] {strides = array<i32>} : memref<38912xf32, #tpu.memory_space<vmem>>, vector<16xf32>,
      tpu.vector_store %arg6[%swap3A_611], %broadcast_in_dim3A_3 {strides = array<i32>} : memref<38912xf32, #tpu.memory_space<vmem>>, vector<16xf32>,
      %add3A_613 = arith.constant 8512 : i32
      %add3A_614 = arith.addi %add3A_613, %add3A_584 : i32
      %swap3A_615 = arith.index_cast %add3A_614 : i32 to index
      %swap3A_616 = tpu.vector_load %arg6[%swap3A_615] {strides = array<i32>} : memref<38912xf32, #tpu.memory_space<vmem>>, vector<16xf32>,
      tpu.vector_store %arg6[%swap3A_615], %broadcast_in_dim3A_3 {strides = array<i32>} : memref<38912xf32, #tpu.memory_space<vmem>>, vector<16xf32>,
      %add3A_617 = arith.constant 9728 : i32
      %add3A_618 = arith.addi %add3A_617, %add3A_584 : i32
      %swap3A_619 = arith.index_cast %add3A_618 : i32 to index
      %swap3A_620 = tpu.vector_load %arg6[%swap3A_619] {strides = array<i32>} : memref<38912xf32, #tpu.memory_space<vmem>>, vector<16xf32>,
      tpu.vector_store %arg6[%swap3A_619], %broadcast_in_dim3A_3 {strides = array<i32>} : memref<38912xf32, #tpu.memory_space<vmem>>, vector<16xf32>,
      %add3A_621 = arith.constant 10944 : i32
      %add3A_622 = arith.addi %add3A_621, %add3A_584 : i32
      %swap3A_623 = arith.index_cast %add3A_622 : i32 to index
      %swap3A_624 = tpu.vector_load %arg6[%swap3A_623] {strides = array<i32>} : memref<38912xf32, #tpu.memory_space<vmem>>, vector<16xf32>,
      tpu.vector_store %arg6[%swap3A_623], %broadcast_in_dim3A_3 {strides = array<i32>} : memref<38912xf32, #tpu.memory_space<vmem>>, vector<16xf32>,
      %add3A_625 = arith.constant 12160 : i32
      %add3A_626 = arith.addi %add3A_625, %add3A_584 : i32
      %swap3A_627 = arith.index_cast %add3A_626 : i32 to index
      %swap3A_628 = tpu.vector_load %arg6[%swap3A_627] {strides = array<i32>} : memref<38912xf32, #tpu.memory_space<vmem>>, vector<16xf32>,
      tpu.vector_store %arg6[%swap3A_627], %broadcast_in_dim3A_3 {strides = array<i32>} : memref<38912xf32, #tpu.memory_space<vmem>>, vector<16xf32>,
      %add3A_629 = arith.constant 13376 : i32
      %add3A_630 = arith.addi %add3A_629, %add3A_584 : i32
      %swap3A_631 = arith.index_cast %add3A_630 : i32 to index
      %swap3A_632 = tpu.vector_load %arg6[%swap3A_631] {strides = array<i32>} : memref<38912xf32, #tpu.memory_space<vmem>>, vector<16xf32>,
      tpu.vector_store %arg6[%swap3A_631], %broadcast_in_dim3A_3 {strides = array<i32>} : memref<38912xf32, #tpu.memory_space<vmem>>, vector<16xf32>,
      %add3A_633 = arith.constant 14592 : i32
      %add3A_634 = arith.addi %add3A_633, %add3A_584 : i32
      %swap3A_635 = arith.index_cast %add3A_634 : i32 to index
      %swap3A_636 = tpu.vector_load %arg6[%swap3A_635] {strides = array<i32>} : memref<38912xf32, #tpu.memory_space<vmem>>, vector<16xf32>,
      tpu.vector_store %arg6[%swap3A_635], %broadcast_in_dim3A_3 {strides = array<i32>} : memref<38912xf32, #tpu.memory_space<vmem>>, vector<16xf32>,
      %add3A_637 = arith.constant 15808 : i32
      %add3A_638 = arith.addi %add3A_637, %add3A_584 : i32
      %swap3A_639 = arith.index_cast %add3A_638 : i32 to index
      %swap3A_640 = tpu.vector_load %arg6[%swap3A_639] {strides = array<i32>} : memref<38912xf32, #tpu.memory_space<vmem>>, vector<16xf32>,
      tpu.vector_store %arg6[%swap3A_639], %broadcast_in_dim3A_3 {strides = array<i32>} : memref<38912xf32, #tpu.memory_space<vmem>>, vector<16xf32>,
      %add3A_641 = arith.constant 17024 : i32
      %add3A_642 = arith.addi %add3A_641, %add3A_584 : i32
      %swap3A_643 = arith.index_cast %add3A_642 : i32 to index
      %swap3A_644 = tpu.vector_load %arg6[%swap3A_643] {strides = array<i32>} : memref<38912xf32, #tpu.memory_space<vmem>>, vector<16xf32>,
      tpu.vector_store %arg6[%swap3A_643], %broadcast_in_dim3A_3 {strides = array<i32>} : memref<38912xf32, #tpu.memory_space<vmem>>, vector<16xf32>,
      %add3A_645 = arith.constant 18240 : i32
      %add3A_646 = arith.addi %add3A_645, %add3A_584 : i32
      %swap3A_647 = arith.index_cast %add3A_646 : i32 to index
      %swap3A_648 = tpu.vector_load %arg6[%swap3A_647] {strides = array<i32>} : memref<38912xf32, #tpu.memory_space<vmem>>, vector<16xf32>,
      tpu.vector_store %arg6[%swap3A_647], %broadcast_in_dim3A_3 {strides = array<i32>} : memref<38912xf32, #tpu.memory_space<vmem>>, vector<16xf32>,
      %add3A_649 = arith.constant 19456 : i32
      %add3A_650 = arith.addi %add3A_649, %add3A_584 : i32
      %swap3A_651 = arith.index_cast %add3A_650 : i32 to index
      %swap3A_652 = tpu.vector_load %arg6[%swap3A_651] {strides = array<i32>} : memref<38912xf32, #tpu.memory_space<vmem>>, vector<16xf32>,
      tpu.vector_store %arg6[%swap3A_651], %broadcast_in_dim3A_3 {strides = array<i32>} : memref<38912xf32, #tpu.memory_space<vmem>>, vector<16xf32>,
      %add3A_653 = arith.constant 20672 : i32
      %add3A_654 = arith.addi %add3A_653, %add3A_584 : i32
      %swap3A_655 = arith.index_cast %add3A_654 : i32 to index
      %swap3A_656 = tpu.vector_load %arg6[%swap3A_655] {strides = array<i32>} : memref<38912xf32, #tpu.memory_space<vmem>>, vector<16xf32>,
      tpu.vector_store %arg6[%swap3A_655], %broadcast_in_dim3A_3 {strides = array<i32>} : memref<38912xf32, #tpu.memory_space<vmem>>, vector<16xf32>,
      %add3A_657 = arith.constant 21888 : i32
      %add3A_658 = arith.addi %add3A_657, %add3A_584 : i32
      %swap3A_659 = arith.index_cast %add3A_658 : i32 to index
      %swap3A_660 = tpu.vector_load %arg6[%swap3A_659] {strides = array<i32>} : memref<38912xf32, #tpu.memory_space<vmem>>, vector<16xf32>,
      tpu.vector_store %arg6[%swap3A_659], %broadcast_in_dim3A_3 {strides = array<i32>} : memref<38912xf32, #tpu.memory_space<vmem>>, vector<16xf32>,
      %add3A_661 = arith.constant 23104 : i32
      %add3A_662 = arith.addi %add3A_661, %add3A_584 : i32
      %swap3A_663 = arith.index_cast %add3A_662 : i32 to index
      %swap3A_664 = tpu.vector_load %arg6[%swap3A_663] {strides = array<i32>} : memref<38912xf32, #tpu.memory_space<vmem>>, vector<16xf32>,
      tpu.vector_store %arg6[%swap3A_663], %broadcast_in_dim3A_3 {strides = array<i32>} : memref<38912xf32, #tpu.memory_space<vmem>>, vector<16xf32>,
      %add3A_665 = arith.constant 24320 : i32
      %add3A_666 = arith.addi %add3A_665, %add3A_584 : i32
      %swap3A_667 = arith.index_cast %add3A_666 : i32 to index
      %swap3A_668 = tpu.vector_load %arg6[%swap3A_667] {strides = array<i32>} : memref<38912xf32, #tpu.memory_space<vmem>>, vector<16xf32>,
      tpu.vector_store %arg6[%swap3A_667], %broadcast_in_dim3A_3 {strides = array<i32>} : memref<38912xf32, #tpu.memory_space<vmem>>, vector<16xf32>,
      %add3A_669 = arith.constant 25536 : i32
      %add3A_670 = arith.addi %add3A_669, %add3A_584 : i32
      %swap3A_671 = arith.index_cast %add3A_670 : i32 to index
      %swap3A_672 = tpu.vector_load %arg6[%swap3A_671] {strides = array<i32>} : memref<38912xf32, #tpu.memory_space<vmem>>, vector<16xf32>,
      tpu.vector_store %arg6[%swap3A_671], %broadcast_in_dim3A_3 {strides = array<i32>} : memref<38912xf32, #tpu.memory_space<vmem>>, vector<16xf32>,
      %add3A_673 = arith.constant 26752 : i32
      %add3A_674 = arith.addi %add3A_673, %add3A_584 : i32
      %swap3A_675 = arith.index_cast %add3A_674 : i32 to index
      %swap3A_676 = tpu.vector_load %arg6[%swap3A_675] {strides = array<i32>} : memref<38912xf32, #tpu.memory_space<vmem>>, vector<16xf32>,
      tpu.vector_store %arg6[%swap3A_675], %broadcast_in_dim3A_3 {strides = array<i32>} : memref<38912xf32, #tpu.memory_space<vmem>>, vector<16xf32>,
      %add3A_677 = arith.constant 27968 : i32
      %add3A_678 = arith.addi %add3A_677, %add3A_584 : i32
      %swap3A_679 = arith.index_cast %add3A_678 : i32 to index
      %swap3A_680 = tpu.vector_load %arg6[%swap3A_679] {strides = array<i32>} : memref<38912xf32, #tpu.memory_space<vmem>>, vector<16xf32>,
      tpu.vector_store %arg6[%swap3A_679], %broadcast_in_dim3A_3 {strides = array<i32>} : memref<38912xf32, #tpu.memory_space<vmem>>, vector<16xf32>,
      %add3A_681 = arith.constant 29184 : i32
      %add3A_682 = arith.addi %add3A_681, %add3A_584 : i32
      %swap3A_683 = arith.index_cast %add3A_682 : i32 to index
      %swap3A_684 = tpu.vector_load %arg6[%swap3A_683] {strides = array<i32>} : memref<38912xf32, #tpu.memory_space<vmem>>, vector<16xf32>,
      tpu.vector_store %arg6[%swap3A_683], %broadcast_in_dim3A_3 {strides = array<i32>} : memref<38912xf32, #tpu.memory_space<vmem>>, vector<16xf32>,
      %add3A_685 = arith.constant 30400 : i32
      %add3A_686 = arith.addi %add3A_685, %add3A_584 : i32
      %swap3A_687 = arith.index_cast %add3A_686 : i32 to index
      %swap3A_688 = tpu.vector_load %arg6[%swap3A_687] {strides = array<i32>} : memref<38912xf32, #tpu.memory_space<vmem>>, vector<16xf32>,
      tpu.vector_store %arg6[%swap3A_687], %broadcast_in_dim3A_3 {strides = array<i32>} : memref<38912xf32, #tpu.memory_space<vmem>>, vector<16xf32>,
      %add3A_689 = arith.constant 31616 : i32
      %add3A_690 = arith.addi %add3A_689, %add3A_584 : i32
      %swap3A_691 = arith.index_cast %add3A_690 : i32 to index
      %swap3A_692 = tpu.vector_load %arg6[%swap3A_691] {strides = array<i32>} : memref<38912xf32, #tpu.memory_space<vmem>>, vector<16xf32>,
      tpu.vector_store %arg6[%swap3A_691], %broadcast_in_dim3A_3 {strides = array<i32>} : memref<38912xf32, #tpu.memory_space<vmem>>, vector<16xf32>,
      %add3A_693 = arith.constant 32832 : i32
      %add3A_694 = arith.addi %add3A_693, %add3A_584 : i32
      %swap3A_695 = arith.index_cast %add3A_694 : i32 to index
      %swap3A_696 = tpu.vector_load %arg6[%swap3A_695] {strides = array<i32>} : memref<38912xf32, #tpu.memory_space<vmem>>, vector<16xf32>,
      tpu.vector_store %arg6[%swap3A_695], %broadcast_in_dim3A_3 {strides = array<i32>} : memref<38912xf32, #tpu.memory_space<vmem>>, vector<16xf32>,
      %add3A_697 = arith.constant 34048 : i32
      %add3A_698 = arith.addi %add3A_697, %add3A_584 : i32
      %swap3A_699 = arith.index_cast %add3A_698 : i32 to index
      %swap3A_700 = tpu.vector_load %arg6[%swap3A_699] {strides = array<i32>} : memref<38912xf32, #tpu.memory_space<vmem>>, vector<16xf32>,
      tpu.vector_store %arg6[%swap3A_699], %broadcast_in_dim3A_3 {strides = array<i32>} : memref<38912xf32, #tpu.memory_space<vmem>>, vector<16xf32>,
      %add3A_701 = arith.constant 35264 : i32
      %add3A_702 = arith.addi %add3A_701, %add3A_584 : i32
      %swap3A_703 = arith.index_cast %add3A_702 : i32 to index
      %swap3A_704 = tpu.vector_load %arg6[%swap3A_703] {strides = array<i32>} : memref<38912xf32, #tpu.memory_space<vmem>>, vector<16xf32>,
      tpu.vector_store %arg6[%swap3A_703], %broadcast_in_dim3A_3 {strides = array<i32>} : memref<38912xf32, #tpu.memory_space<vmem>>, vector<16xf32>,
      %add3A_705 = arith.constant 36480 : i32
      %add3A_706 = arith.addi %add3A_705, %add3A_584 : i32
      %swap3A_707 = arith.index_cast %add3A_706 : i32 to index
      %swap3A_708 = tpu.vector_load %arg6[%swap3A_707] {strides = array<i32>} : memref<38912xf32, #tpu.memory_space<vmem>>, vector<16xf32>,
      tpu.vector_store %arg6[%swap3A_707], %broadcast_in_dim3A_3 {strides = array<i32>} : memref<38912xf32, #tpu.memory_space<vmem>>, vector<16xf32>,
      %add3A_709 = arith.constant 37696 : i32
      %add3A_710 = arith.addi %add3A_709, %add3A_584 : i32
      %swap3A_711 = arith.index_cast %add3A_710 : i32 to index
      %swap3A_712 = tpu.vector_load %arg6[%swap3A_711] {strides = array<i32>} : memref<38912xf32, #tpu.memory_space<vmem>>, vector<16xf32>,
      tpu.vector_store %arg6[%swap3A_711], %broadcast_in_dim3A_3 {strides = array<i32>} : memref<38912xf32, #tpu.memory_space<vmem>>, vector<16xf32>,
      %while3A_713 = arith.constant 0 : i32
      scf.yield %while3A_713 : i32
    }
    %while3A_358 = arith.constant 1 : i32
    %while3A_359 = scf.for %while3A_580 = %while3A_355 to %while3A_351 step %while3A_358 iter_args(%while3A_581 = %while3A_357) -> (i32)  : i32 {
      %mul3A_582 = arith.constant 16 : i32
      %mul3A_583 = arith.muli %while3A_580, %mul3A_582 : i32
      %add3A_584 = arith.addi %add3A_342, %mul3A_583 : i32
      %add3A_585 = arith.constant 0 : i32
      %add3A_586 = arith.addi %add3A_585, %add3A_584 : i32
      %swap3A_587 = arith.index_cast %add3A_586 : i32 to index
      %swap3A_588 = tpu.vector_load %arg6[%swap3A_587] {strides = array<i32>} : memref<38912xf32, #tpu.memory_space<vmem>>, vector<16xf32>,
      tpu.vector_store %arg6[%swap3A_587], %broadcast_in_dim3A_3 {strides = array<i32>} : memref<38912xf32, #tpu.memory_space<vmem>>, vector<16xf32>,
      %add3A_589 = arith.constant 1216 : i32
      %add3A_590 = arith.addi %add3A_589, %add3A_584 : i32
      %swap3A_591 = arith.index_cast %add3A_590 : i32 to index
      %swap3A_592 = tpu.vector_load %arg6[%swap3A_591] {strides = array<i32>} : memref<38912xf32, #tpu.memory_space<vmem>>, vector<16xf32>,
      tpu.vector_store %arg6[%swap3A_591], %broadcast_in_dim3A_3 {strides = array<i32>} : memref<38912xf32, #tpu.memory_space<vmem>>, vector<16xf32>,
      %add3A_593 = arith.constant 2432 : i32
      %add3A_594 = arith.addi %add3A_593, %add3A_584 : i32
      %swap3A_595 = arith.index_cast %add3A_594 : i32 to index
      %swap3A_596 = tpu.vector_load %arg6[%swap3A_595] {strides = array<i32>} : memref<38912xf32, #tpu.memory_space<vmem>>, vector<16xf32>,
      tpu.vector_store %arg6[%swap3A_595], %broadcast_in_dim3A_3 {strides = array<i32>} : memref<38912xf32, #tpu.memory_space<vmem>>, vector<16xf32>,
      %add3A_597 = arith.constant 3648 : i32
      %add3A_598 = arith.addi %add3A_597, %add3A_584 : i32
      %swap3A_599 = arith.index_cast %add3A_598 : i32 to index
      %swap3A_600 = tpu.vector_load %arg6[%swap3A_599] {strides = array<i32>} : memref<38912xf32, #tpu.memory_space<vmem>>, vector<16xf32>,
      tpu.vector_store %arg6[%swap3A_599], %broadcast_in_dim3A_3 {strides = array<i32>} : memref<38912xf32, #tpu.memory_space<vmem>>, vector<16xf32>,
      %add3A_601 = arith.constant 4864 : i32
      %add3A_602 = arith.addi %add3A_601, %add3A_584 : i32
      %swap3A_603 = arith.index_cast %add3A_602 : i32 to index
      %swap3A_604 = tpu.vector_load %arg6[%swap3A_603] {strides = array<i32>} : memref<38912xf32, #tpu.memory_space<vmem>>, vector<16xf32>,
      tpu.vector_store %arg6[%swap3A_603], %broadcast_in_dim3A_3 {strides = array<i32>} : memref<38912xf32, #tpu.memory_space<vmem>>, vector<16xf32>,
      %add3A_605 = arith.constant 6080 : i32
      %add3A_606 = arith.addi %add3A_605, %add3A_584 : i32
      %swap3A_607 = arith.index_cast %add3A_606 : i32 to index
      %swap3A_608 = tpu.vector_load %arg6[%swap3A_607] {strides = array<i32>} : memref<38912xf32, #tpu.memory_space<vmem>>, vector<16xf32>,
      tpu.vector_store %arg6[%swap3A_607], %broadcast_in_dim3A_3 {strides = array<i32>} : memref<38912xf32, #tpu.memory_space<vmem>>, vector<16xf32>,
      %add3A_609 = arith.constant 7296 : i32
      %add3A_610 = arith.addi %add3A_609, %add3A_584 : i32
      %swap3A_611 = arith.index_cast %add3A_610 : i32 to index
      %swap3A_612 = tpu.vector_load %arg6[%swap3A_611] {strides = array<i32>} : memref<38912xf32, #tpu.memory_space<vmem>>, vector<16xf32>,
      tpu.vector_store %arg6[%swap3A_611], %broadcast_in_dim3A_3 {strides = array<i32>} : memref<38912xf32, #tpu.memory_space<vmem>>, vector<16xf32>,
      %add3A_613 = arith.constant 8512 : i32
      %add3A_614 = arith.addi %add3A_613, %add3A_584 : i32
      %swap3A_615 = arith.index_cast %add3A_614 : i32 to index
      %swap3A_616 = tpu.vector_load %arg6[%swap3A_615] {strides = array<i32>} : memref<38912xf32, #tpu.memory_space<vmem>>, vector<16xf32>,
      tpu.vector_store %arg6[%swap3A_615], %broadcast_in_dim3A_3 {strides = array<i32>} : memref<38912xf32, #tpu.memory_space<vmem>>, vector<16xf32>,
      %add3A_617 = arith.constant 9728 : i32
      %add3A_618 = arith.addi %add3A_617, %add3A_584 : i32
      %swap3A_619 = arith.index_cast %add3A_618 : i32 to index
      %swap3A_620 = tpu.vector_load %arg6[%swap3A_619] {strides = array<i32>} : memref<38912xf32, #tpu.memory_space<vmem>>, vector<16xf32>,
      tpu.vector_store %arg6[%swap3A_619], %broadcast_in_dim3A_3 {strides = array<i32>} : memref<38912xf32, #tpu.memory_space<vmem>>, vector<16xf32>,
      %add3A_621 = arith.constant 10944 : i32
      %add3A_622 = arith.addi %add3A_621, %add3A_584 : i32
      %swap3A_623 = arith.index_cast %add3A_622 : i32 to index
      %swap3A_624 = tpu.vector_load %arg6[%swap3A_623] {strides = array<i32>} : memref<38912xf32, #tpu.memory_space<vmem>>, vector<16xf32>,
      tpu.vector_store %arg6[%swap3A_623], %broadcast_in_dim3A_3 {strides = array<i32>} : memref<38912xf32, #tpu.memory_space<vmem>>, vector<16xf32>,
      %add3A_625 = arith.constant 12160 : i32
      %add3A_626 = arith.addi %add3A_625, %add3A_584 : i32
      %swap3A_627 = arith.index_cast %add3A_626 : i32 to index
      %swap3A_628 = tpu.vector_load %arg6[%swap3A_627] {strides = array<i32>} : memref<38912xf32, #tpu.memory_space<vmem>>, vector<16xf32>,
      tpu.vector_store %arg6[%swap3A_627], %broadcast_in_dim3A_3 {strides = array<i32>} : memref<38912xf32, #tpu.memory_space<vmem>>, vector<16xf32>,
      %add3A_629 = arith.constant 13376 : i32
      %add3A_630 = arith.addi %add3A_629, %add3A_584 : i32
      %swap3A_631 = arith.index_cast %add3A_630 : i32 to index
      %swap3A_632 = tpu.vector_load %arg6[%swap3A_631] {strides = array<i32>} : memref<38912xf32, #tpu.memory_space<vmem>>, vector<16xf32>,
      tpu.vector_store %arg6[%swap3A_631], %broadcast_in_dim3A_3 {strides = array<i32>} : memref<38912xf32, #tpu.memory_space<vmem>>, vector<16xf32>,
      %add3A_633 = arith.constant 14592 : i32
      %add3A_634 = arith.addi %add3A_633, %add3A_584 : i32
      %swap3A_635 = arith.index_cast %add3A_634 : i32 to index
      %swap3A_636 = tpu.vector_load %arg6[%swap3A_635] {strides = array<i32>} : memref<38912xf32, #tpu.memory_space<vmem>>, vector<16xf32>,
      tpu.vector_store %arg6[%swap3A_635], %broadcast_in_dim3A_3 {strides = array<i32>} : memref<38912xf32, #tpu.memory_space<vmem>>, vector<16xf32>,
      %add3A_637 = arith.constant 15808 : i32
      %add3A_638 = arith.addi %add3A_637, %add3A_584 : i32
      %swap3A_639 = arith.index_cast %add3A_638 : i32 to index
      %swap3A_640 = tpu.vector_load %arg6[%swap3A_639] {strides = array<i32>} : memref<38912xf32, #tpu.memory_space<vmem>>, vector<16xf32>,
      tpu.vector_store %arg6[%swap3A_639], %broadcast_in_dim3A_3 {strides = array<i32>} : memref<38912xf32, #tpu.memory_space<vmem>>, vector<16xf32>,
      %add3A_641 = arith.constant 17024 : i32
      %add3A_642 = arith.addi %add3A_641, %add3A_584 : i32
      %swap3A_643 = arith.index_cast %add3A_642 : i32 to index
      %swap3A_644 = tpu.vector_load %arg6[%swap3A_643] {strides = array<i32>} : memref<38912xf32, #tpu.memory_space<vmem>>, vector<16xf32>,
      tpu.vector_store %arg6[%swap3A_643], %broadcast_in_dim3A_3 {strides = array<i32>} : memref<38912xf32, #tpu.memory_space<vmem>>, vector<16xf32>,
      %add3A_645 = arith.constant 18240 : i32
      %add3A_646 = arith.addi %add3A_645, %add3A_584 : i32
      %swap3A_647 = arith.index_cast %add3A_646 : i32 to index
      %swap3A_648 = tpu.vector_load %arg6[%swap3A_647] {strides = array<i32>} : memref<38912xf32, #tpu.memory_space<vmem>>, vector<16xf32>,
      tpu.vector_store %arg6[%swap3A_647], %broadcast_in_dim3A_3 {strides = array<i32>} : memref<38912xf32, #tpu.memory_space<vmem>>, vector<16xf32>,
      %add3A_649 = arith.constant 19456 : i32
      %add3A_650 = arith.addi %add3A_649, %add3A_584 : i32
      %swap3A_651 = arith.index_cast %add3A_650 : i32 to index
      %swap3A_652 = tpu.vector_load %arg6[%swap3A_651] {strides = array<i32>} : memref<38912xf32, #tpu.memory_space<vmem>>, vector<16xf32>,
      tpu.vector_store %arg6[%swap3A_651], %broadcast_in_dim3A_3 {strides = array<i32>} : memref<38912xf32, #tpu.memory_space<vmem>>, vector<16xf32>,
      %add3A_653 = arith.constant 20672 : i32
      %add3A_654 = arith.addi %add3A_653, %add3A_584 : i32
      %swap3A_655 = arith.index_cast %add3A_654 : i32 to index
      %swap3A_656 = tpu.vector_load %arg6[%swap3A_655] {strides = array<i32>} : memref<38912xf32, #tpu.memory_space<vmem>>, vector<16xf32>,
      tpu.vector_store %arg6[%swap3A_655], %broadcast_in_dim3A_3 {strides = array<i32>} : memref<38912xf32, #tpu.memory_space<vmem>>, vector<16xf32>,
      %add3A_657 = arith.constant 21888 : i32
      %add3A_658 = arith.addi %add3A_657, %add3A_584 : i32
      %swap3A_659 = arith.index_cast %add3A_658 : i32 to index
      %swap3A_660 = tpu.vector_load %arg6[%swap3A_659] {strides = array<i32>} : memref<38912xf32, #tpu.memory_space<vmem>>, vector<16xf32>,
      tpu.vector_store %arg6[%swap3A_659], %broadcast_in_dim3A_3 {strides = array<i32>} : memref<38912xf32, #tpu.memory_space<vmem>>, vector<16xf32>,
      %add3A_661 = arith.constant 23104 : i32
      %add3A_662 = arith.addi %add3A_661, %add3A_584 : i32
      %swap3A_663 = arith.index_cast %add3A_662 : i32 to index
      %swap3A_664 = tpu.vector_load %arg6[%swap3A_663] {strides = array<i32>} : memref<38912xf32, #tpu.memory_space<vmem>>, vector<16xf32>,
      tpu.vector_store %arg6[%swap3A_663], %broadcast_in_dim3A_3 {strides = array<i32>} : memref<38912xf32, #tpu.memory_space<vmem>>, vector<16xf32>,
      %add3A_665 = arith.constant 24320 : i32
      %add3A_666 = arith.addi %add3A_665, %add3A_584 : i32
      %swap3A_667 = arith.index_cast %add3A_666 : i32 to index
      %swap3A_668 = tpu.vector_load %arg6[%swap3A_667] {strides = array<i32>} : memref<38912xf32, #tpu.memory_space<vmem>>, vector<16xf32>,
      tpu.vector_store %arg6[%swap3A_667], %broadcast_in_dim3A_3 {strides = array<i32>} : memref<38912xf32, #tpu.memory_space<vmem>>, vector<16xf32>,
      %add3A_669 = arith.constant 25536 : i32
      %add3A_670 = arith.addi %add3A_669, %add3A_584 : i32
      %swap3A_671 = arith.index_cast %add3A_670 : i32 to index
      %swap3A_672 = tpu.vector_load %arg6[%swap3A_671] {strides = array<i32>} : memref<38912xf32, #tpu.memory_space<vmem>>, vector<16xf32>,
      tpu.vector_store %arg6[%swap3A_671], %broadcast_in_dim3A_3 {strides = array<i32>} : memref<38912xf32, #tpu.memory_space<vmem>>, vector<16xf32>,
      %add3A_673 = arith.constant 26752 : i32
      %add3A_674 = arith.addi %add3A_673, %add3A_584 : i32
      %swap3A_675 = arith.index_cast %add3A_674 : i32 to index
      %swap3A_676 = tpu.vector_load %arg6[%swap3A_675] {strides = array<i32>} : memref<38912xf32, #tpu.memory_space<vmem>>, vector<16xf32>,
      tpu.vector_store %arg6[%swap3A_675], %broadcast_in_dim3A_3 {strides = array<i32>} : memref<38912xf32, #tpu.memory_space<vmem>>, vector<16xf32>,
      %add3A_677 = arith.constant 27968 : i32
      %add3A_678 = arith.addi %add3A_677, %add3A_584 : i32
      %swap3A_679 = arith.index_cast %add3A_678 : i32 to index
      %swap3A_680 = tpu.vector_load %arg6[%swap3A_679] {strides = array<i32>} : memref<38912xf32, #tpu.memory_space<vmem>>, vector<16xf32>,
      tpu.vector_store %arg6[%swap3A_679], %broadcast_in_dim3A_3 {strides = array<i32>} : memref<38912xf32, #tpu.memory_space<vmem>>, vector<16xf32>,
      %add3A_681 = arith.constant 29184 : i32
      %add3A_682 = arith.addi %add3A_681, %add3A_584 : i32
      %swap3A_683 = arith.index_cast %add3A_682 : i32 to index
      %swap3A_684 = tpu.vector_load %arg6[%swap3A_683] {strides = array<i32>} : memref<38912xf32, #tpu.memory_space<vmem>>, vector<16xf32>,
      tpu.vector_store %arg6[%swap3A_683], %broadcast_in_dim3A_3 {strides = array<i32>} : memref<38912xf32, #tpu.memory_space<vmem>>, vector<16xf32>,
      %add3A_685 = arith.constant 30400 : i32
      %add3A_686 = arith.addi %add3A_685, %add3A_584 : i32
      %swap3A_687 = arith.index_cast %add3A_686 : i32 to index
      %swap3A_688 = tpu.vector_load %arg6[%swap3A_687] {strides = array<i32>} : memref<38912xf32, #tpu.memory_space<vmem>>, vector<16xf32>,
      tpu.vector_store %arg6[%swap3A_687], %broadcast_in_dim3A_3 {strides = array<i32>} : memref<38912xf32, #tpu.memory_space<vmem>>, vector<16xf32>,
      %add3A_689 = arith.constant 31616 : i32
      %add3A_690 = arith.addi %add3A_689, %add3A_584 : i32
      %swap3A_691 = arith.index_cast %add3A_690 : i32 to index
      %swap3A_692 = tpu.vector_load %arg6[%swap3A_691] {strides = array<i32>} : memref<38912xf32, #tpu.memory_space<vmem>>, vector<16xf32>,
      tpu.vector_store %arg6[%swap3A_691], %broadcast_in_dim3A_3 {strides = array<i32>} : memref<38912xf32, #tpu.memory_space<vmem>>, vector<16xf32>,
      %add3A_693 = arith.constant 32832 : i32
      %add3A_694 = arith.addi %add3A_693, %add3A_584 : i32
      %swap3A_695 = arith.index_cast %add3A_694 : i32 to index
      %swap3A_696 = tpu.vector_load %arg6[%swap3A_695] {strides = array<i32>} : memref<38912xf32, #tpu.memory_space<vmem>>, vector<16xf32>,
      tpu.vector_store %arg6[%swap3A_695], %broadcast_in_dim3A_3 {strides = array<i32>} : memref<38912xf32, #tpu.memory_space<vmem>>, vector<16xf32>,
      %add3A_697 = arith.constant 34048 : i32
      %add3A_698 = arith.addi %add3A_697, %add3A_584 : i32
      %swap3A_699 = arith.index_cast %add3A_698 : i32 to index
      %swap3A_700 = tpu.vector_load %arg6[%swap3A_699] {strides = array<i32>} : memref<38912xf32, #tpu.memory_space<vmem>>, vector<16xf32>,
      tpu.vector_store %arg6[%swap3A_699], %broadcast_in_dim3A_3 {strides = array<i32>} : memref<38912xf32, #tpu.memory_space<vmem>>, vector<16xf32>,
      %add3A_701 = arith.constant 35264 : i32
      %add3A_702 = arith.addi %add3A_701, %add3A_584 : i32
      %swap3A_703 = arith.index_cast %add3A_702 : i32 to index
      %swap3A_704 = tpu.vector_load %arg6[%swap3A_703] {strides = array<i32>} : memref<38912xf32, #tpu.memory_space<vmem>>, vector<16xf32>,
      tpu.vector_store %arg6[%swap3A_703], %broadcast_in_dim3A_3 {strides = array<i32>} : memref<38912xf32, #tpu.memory_space<vmem>>, vector<16xf32>,
      %add3A_705 = arith.constant 36480 : i32
      %add3A_706 = arith.addi %add3A_705, %add3A_584 : i32
      %swap3A_707 = arith.index_cast %add3A_706 : i32 to index
      %swap3A_708 = tpu.vector_load %arg6[%swap3A_707] {strides = array<i32>} : memref<38912xf32, #tpu.memory_space<vmem>>, vector<16xf32>,
      tpu.vector_store %arg6[%swap3A_707], %broadcast_in_dim3A_3 {strides = array<i32>} : memref<38912xf32, #tpu.memory_space<vmem>>, vector<16xf32>,
      %add3A_709 = arith.constant 37696 : i32
      %add3A_710 = arith.addi %add3A_709, %add3A_584 : i32
      %swap3A_711 = arith.index_cast %add3A_710 : i32 to index
      %swap3A_712 = tpu.vector_load %arg6[%swap3A_711] {strides = array<i32>} : memref<38912xf32, #tpu.memory_space<vmem>>, vector<16xf32>,
      tpu.vector_store %arg6[%swap3A_711], %broadcast_in_dim3A_3 {strides = array<i32>} : memref<38912xf32, #tpu.memory_space<vmem>>, vector<16xf32>,
      %while3A_713 = arith.constant 0 : i32
      scf.yield %while3A_713 : i32
    }
    %parallel_loop3A_360 = arith.constant 0 : i32
    %parallel_loop3A_361 = arith.constant 512 : i32
    %parallel_loop3A_362 = arith.constant 1 : i32
    %parallel_loop3A_363:3 = scf.for %parallel_loop3A_580 = %parallel_loop3A_360 to %parallel_loop3A_361 step %parallel_loop3A_362 iter_args(%parallel_loop3A_581 = %parallel_loop3A_305#0, %parallel_loop3A_582 = %parallel_loop3A_305#1, %parallel_loop3A_583 = %parallel_loop3A_305#2) -> (vector<16xi32>, vector<16xf32>, vector<16xf32>)  : i32 {
      %parallel_loop3A_584 = arith.constant 16 : i32
      %parallel_loop3A_585 = arith.muli %parallel_loop3A_580, %parallel_loop3A_584 : i32
      %parallel_loop3A_586 = arith.constant 1 : i32
      %parallel_loop3A_587 = arith.index_cast %parallel_loop3A_586 : i32 to index
      %parallel_loop3A_588 = arith.index_cast %parallel_loop3A_585 : i32 to index
      %parallel_loop3A_589 = tpu.vector_load %arg8[%parallel_loop3A_587, %parallel_loop3A_588] {strides = array<i32>} : memref<2x8192xi32, #tpu.memory_space<vmem>>, vector<16xi32>,
      %parallel_loop3A_590 = arith.constant 1 : i32
      %parallel_loop3A_591 = arith.index_cast %parallel_loop3A_590 : i32 to index
      %parallel_loop3A_592 = arith.index_cast %parallel_loop3A_585 : i32 to index
      %parallel_loop3A_593 = tpu.vector_load %arg9[%parallel_loop3A_591, %parallel_loop3A_592] {strides = array<i32>} : memref<2x8192xf32, #tpu.memory_space<vmem>>, vector<16xf32>,
      %parallel_loop3A_594 = arith.constant 1 : i32
      %parallel_loop3A_595 = arith.index_cast %parallel_loop3A_594 : i32 to index
      %parallel_loop3A_596 = arith.index_cast %parallel_loop3A_585 : i32 to index
      %parallel_loop3A_597 = tpu.vector_load %arg10[%parallel_loop3A_595, %parallel_loop3A_596] {strides = array<i32>} : memref<2x8192xf32, #tpu.memory_space<vmem>>, vector<16xf32>,
      %parallel_loop3A_598 = arith.cmpi ne, %parallel_loop3A_589, %parallel_loop3A_581 : vector<16xi32>
      %parallel_loop3A_599 = arith.addi %mul3A_6, %parallel_loop3A_581 : vector<16xi32>
      tpu.vector_store_idx %arg6[%parallel_loop3A_599], %parallel_loop3A_582 masked %parallel_loop3A_598 : memref<38912xf32, #tpu.memory_space<vmem>>[vector<16xi32>], vector<16xf32>, vector<16xi1>
      %parallel_loop3A_600 = arith.constant 1216 : i32
      %parallel_loop3A_601 = vector.broadcast %parallel_loop3A_600 : i32 to vector<16xi32>
      %parallel_loop3A_602 = arith.addi %parallel_loop3A_599, %parallel_loop3A_601 : vector<16xi32>
      tpu.vector_store_idx %arg6[%parallel_loop3A_602], %parallel_loop3A_583 masked %parallel_loop3A_598 : memref<38912xf32, #tpu.memory_space<vmem>>[vector<16xi32>], vector<16xf32>, vector<16xi1>
      %parallel_loop3A_603 = arith.maximumf %parallel_loop3A_582, %parallel_loop3A_593 : vector<16xf32>
      %parallel_loop3A_604 = arith.select %parallel_loop3A_598, %parallel_loop3A_593, %parallel_loop3A_603 : vector<16xi1>, vector<16xf32>
      %parallel_loop3A_605 = arith.maximumf %parallel_loop3A_583, %parallel_loop3A_597 : vector<16xf32>
      %parallel_loop3A_606 = arith.select %parallel_loop3A_598, %parallel_loop3A_597, %parallel_loop3A_605 : vector<16xi1>, vector<16xf32>
      scf.yield %parallel_loop3A_589, %parallel_loop3A_604, %parallel_loop3A_606 : vector<16xi32>, vector<16xf32>, vector<16xf32>
    } {sc.loop_unroll_factor = 8 : i64, sc.parallel_access}
    %add3A_364 = arith.addi %mul3A_6, %parallel_loop3A_363#0 : vector<16xi32>
    tpu.vector_store_idx %arg6[%add3A_364], %parallel_loop3A_363#1 : memref<38912xf32, #tpu.memory_space<vmem>>[vector<16xi32>], vector<16xf32>,
    %add3A_365 = arith.constant 1216 : i32
    %add3A_366 = vector.broadcast %add3A_365 : i32 to vector<16xi32>
    %add3A_367 = arith.addi %add3A_364, %add3A_366 : vector<16xi32>
    tpu.vector_store_idx %arg6[%add3A_367], %parallel_loop3A_363#2 : memref<38912xf32, #tpu.memory_space<vmem>>[vector<16xi32>], vector<16xf32>,
    %add3A_368 = arith.constant 0 : i32
    %add3A_369 = arith.addi %add3A_368, %squeeze3A_340 : i32
    %add3A_370 = arith.constant 1 : i32
    %add3A_371 = arith.addi %add3A_369, %add3A_370 : i32
    %swap3A = arith.index_cast %add3A_371 : i32 to index
    %swap3A_372 = tpu.vector_load %arg6[%swap3A] {strides = array<i32>} : memref<38912xf32, #tpu.memory_space<vmem>>, vector<16xf32>,
    tpu.vector_store %arg6[%swap3A], %broadcast_in_dim3A_3 {strides = array<i32>} : memref<38912xf32, #tpu.memory_space<vmem>>, vector<16xf32>,
    %add3A_373 = arith.constant 1216 : i32
    %add3A_374 = arith.addi %add3A_373, %squeeze3A_340 : i32
    %add3A_375 = arith.constant 1 : i32
    %add3A_376 = arith.addi %add3A_374, %add3A_375 : i32
    %swap3A_377 = arith.index_cast %add3A_376 : i32 to index
    %swap3A_378 = tpu.vector_load %arg6[%swap3A_377] {strides = array<i32>} : memref<38912xf32, #tpu.memory_space<vmem>>, vector<16xf32>,
    tpu.vector_store %arg6[%swap3A_377], %broadcast_in_dim3A_3 {strides = array<i32>} : memref<38912xf32, #tpu.memory_space<vmem>>, vector<16xf32>,
    %add3A_379 = arith.constant 2432 : i32
    %add3A_380 = arith.addi %add3A_379, %squeeze3A_340 : i32
    %add3A_381 = arith.constant 1 : i32
    %add3A_382 = arith.addi %add3A_380, %add3A_381 : i32
    %swap3A_383 = arith.index_cast %add3A_382 : i32 to index
    %swap3A_384 = tpu.vector_load %arg6[%swap3A_383] {strides = array<i32>} : memref<38912xf32, #tpu.memory_space<vmem>>, vector<16xf32>,
    tpu.vector_store %arg6[%swap3A_383], %broadcast_in_dim3A_3 {strides = array<i32>} : memref<38912xf32, #tpu.memory_space<vmem>>, vector<16xf32>,
    %add3A_385 = arith.constant 3648 : i32
    %add3A_386 = arith.addi %add3A_385, %squeeze3A_340 : i32
    %add3A_387 = arith.constant 1 : i32
    %add3A_388 = arith.addi %add3A_386, %add3A_387 : i32
    %swap3A_389 = arith.index_cast %add3A_388 : i32 to index
    %swap3A_390 = tpu.vector_load %arg6[%swap3A_389] {strides = array<i32>} : memref<38912xf32, #tpu.memory_space<vmem>>, vector<16xf32>,
    tpu.vector_store %arg6[%swap3A_389], %broadcast_in_dim3A_3 {strides = array<i32>} : memref<38912xf32, #tpu.memory_space<vmem>>, vector<16xf32>,
    %add3A_391 = arith.constant 4864 : i32
    %add3A_392 = arith.addi %add3A_391, %squeeze3A_340 : i32
    %add3A_393 = arith.constant 1 : i32
    %add3A_394 = arith.addi %add3A_392, %add3A_393 : i32
    %swap3A_395 = arith.index_cast %add3A_394 : i32 to index
    %swap3A_396 = tpu.vector_load %arg6[%swap3A_395] {strides = array<i32>} : memref<38912xf32, #tpu.memory_space<vmem>>, vector<16xf32>,
    tpu.vector_store %arg6[%swap3A_395], %broadcast_in_dim3A_3 {strides = array<i32>} : memref<38912xf32, #tpu.memory_space<vmem>>, vector<16xf32>,
    %add3A_397 = arith.constant 6080 : i32
    %add3A_398 = arith.addi %add3A_397, %squeeze3A_340 : i32
    %add3A_399 = arith.constant 1 : i32
    %add3A_400 = arith.addi %add3A_398, %add3A_399 : i32
    %swap3A_401 = arith.index_cast %add3A_400 : i32 to index
    %swap3A_402 = tpu.vector_load %arg6[%swap3A_401] {strides = array<i32>} : memref<38912xf32, #tpu.memory_space<vmem>>, vector<16xf32>,
    tpu.vector_store %arg6[%swap3A_401], %broadcast_in_dim3A_3 {strides = array<i32>} : memref<38912xf32, #tpu.memory_space<vmem>>, vector<16xf32>,
    %add3A_403 = arith.constant 7296 : i32
    %add3A_404 = arith.addi %add3A_403, %squeeze3A_340 : i32
    %add3A_405 = arith.constant 1 : i32
    %add3A_406 = arith.addi %add3A_404, %add3A_405 : i32
    %swap3A_407 = arith.index_cast %add3A_406 : i32 to index
    %swap3A_408 = tpu.vector_load %arg6[%swap3A_407] {strides = array<i32>} : memref<38912xf32, #tpu.memory_space<vmem>>, vector<16xf32>,
    tpu.vector_store %arg6[%swap3A_407], %broadcast_in_dim3A_3 {strides = array<i32>} : memref<38912xf32, #tpu.memory_space<vmem>>, vector<16xf32>,
    %add3A_409 = arith.constant 8512 : i32
    %add3A_410 = arith.addi %add3A_409, %squeeze3A_340 : i32
    %add3A_411 = arith.constant 1 : i32
    %add3A_412 = arith.addi %add3A_410, %add3A_411 : i32
    %swap3A_413 = arith.index_cast %add3A_412 : i32 to index
    %swap3A_414 = tpu.vector_load %arg6[%swap3A_413] {strides = array<i32>} : memref<38912xf32, #tpu.memory_space<vmem>>, vector<16xf32>,
    tpu.vector_store %arg6[%swap3A_413], %broadcast_in_dim3A_3 {strides = array<i32>} : memref<38912xf32, #tpu.memory_space<vmem>>, vector<16xf32>,
    %add3A_415 = arith.constant 9728 : i32
    %add3A_416 = arith.addi %add3A_415, %squeeze3A_340 : i32
    %add3A_417 = arith.constant 1 : i32
    %add3A_418 = arith.addi %add3A_416, %add3A_417 : i32
    %swap3A_419 = arith.index_cast %add3A_418 : i32 to index
    %swap3A_420 = tpu.vector_load %arg6[%swap3A_419] {strides = array<i32>} : memref<38912xf32, #tpu.memory_space<vmem>>, vector<16xf32>,
    tpu.vector_store %arg6[%swap3A_419], %broadcast_in_dim3A_3 {strides = array<i32>} : memref<38912xf32, #tpu.memory_space<vmem>>, vector<16xf32>,
    %add3A_421 = arith.constant 10944 : i32
    %add3A_422 = arith.addi %add3A_421, %squeeze3A_340 : i32
    %add3A_423 = arith.constant 1 : i32
    %add3A_424 = arith.addi %add3A_422, %add3A_423 : i32
    %swap3A_425 = arith.index_cast %add3A_424 : i32 to index
    %swap3A_426 = tpu.vector_load %arg6[%swap3A_425] {strides = array<i32>} : memref<38912xf32, #tpu.memory_space<vmem>>, vector<16xf32>,
    tpu.vector_store %arg6[%swap3A_425], %broadcast_in_dim3A_3 {strides = array<i32>} : memref<38912xf32, #tpu.memory_space<vmem>>, vector<16xf32>,
    %add3A_427 = arith.constant 12160 : i32
    %add3A_428 = arith.addi %add3A_427, %squeeze3A_340 : i32
    %add3A_429 = arith.constant 1 : i32
    %add3A_430 = arith.addi %add3A_428, %add3A_429 : i32
    %swap3A_431 = arith.index_cast %add3A_430 : i32 to index
    %swap3A_432 = tpu.vector_load %arg6[%swap3A_431] {strides = array<i32>} : memref<38912xf32, #tpu.memory_space<vmem>>, vector<16xf32>,
    tpu.vector_store %arg6[%swap3A_431], %broadcast_in_dim3A_3 {strides = array<i32>} : memref<38912xf32, #tpu.memory_space<vmem>>, vector<16xf32>,
    %add3A_433 = arith.constant 13376 : i32
    %add3A_434 = arith.addi %add3A_433, %squeeze3A_340 : i32
    %add3A_435 = arith.constant 1 : i32
    %add3A_436 = arith.addi %add3A_434, %add3A_435 : i32
    %swap3A_437 = arith.index_cast %add3A_436 : i32 to index
    %swap3A_438 = tpu.vector_load %arg6[%swap3A_437] {strides = array<i32>} : memref<38912xf32, #tpu.memory_space<vmem>>, vector<16xf32>,
    tpu.vector_store %arg6[%swap3A_437], %broadcast_in_dim3A_3 {strides = array<i32>} : memref<38912xf32, #tpu.memory_space<vmem>>, vector<16xf32>,
    %add3A_439 = arith.constant 14592 : i32
    %add3A_440 = arith.addi %add3A_439, %squeeze3A_340 : i32
    %add3A_441 = arith.constant 1 : i32
    %add3A_442 = arith.addi %add3A_440, %add3A_441 : i32
    %swap3A_443 = arith.index_cast %add3A_442 : i32 to index
    %swap3A_444 = tpu.vector_load %arg6[%swap3A_443] {strides = array<i32>} : memref<38912xf32, #tpu.memory_space<vmem>>, vector<16xf32>,
    tpu.vector_store %arg6[%swap3A_443], %broadcast_in_dim3A_3 {strides = array<i32>} : memref<38912xf32, #tpu.memory_space<vmem>>, vector<16xf32>,
    %add3A_445 = arith.constant 15808 : i32
    %add3A_446 = arith.addi %add3A_445, %squeeze3A_340 : i32
    %add3A_447 = arith.constant 1 : i32
    %add3A_448 = arith.addi %add3A_446, %add3A_447 : i32
    %swap3A_449 = arith.index_cast %add3A_448 : i32 to index
    %swap3A_450 = tpu.vector_load %arg6[%swap3A_449] {strides = array<i32>} : memref<38912xf32, #tpu.memory_space<vmem>>, vector<16xf32>,
    tpu.vector_store %arg6[%swap3A_449], %broadcast_in_dim3A_3 {strides = array<i32>} : memref<38912xf32, #tpu.memory_space<vmem>>, vector<16xf32>,
    %add3A_451 = arith.constant 17024 : i32
    %add3A_452 = arith.addi %add3A_451, %squeeze3A_340 : i32
    %add3A_453 = arith.constant 1 : i32
    %add3A_454 = arith.addi %add3A_452, %add3A_453 : i32
    %swap3A_455 = arith.index_cast %add3A_454 : i32 to index
    %swap3A_456 = tpu.vector_load %arg6[%swap3A_455] {strides = array<i32>} : memref<38912xf32, #tpu.memory_space<vmem>>, vector<16xf32>,
    tpu.vector_store %arg6[%swap3A_455], %broadcast_in_dim3A_3 {strides = array<i32>} : memref<38912xf32, #tpu.memory_space<vmem>>, vector<16xf32>,
    %add3A_457 = arith.constant 18240 : i32
    %add3A_458 = arith.addi %add3A_457, %squeeze3A_340 : i32
    %add3A_459 = arith.constant 1 : i32
    %add3A_460 = arith.addi %add3A_458, %add3A_459 : i32
    %swap3A_461 = arith.index_cast %add3A_460 : i32 to index
    %swap3A_462 = tpu.vector_load %arg6[%swap3A_461] {strides = array<i32>} : memref<38912xf32, #tpu.memory_space<vmem>>, vector<16xf32>,
    tpu.vector_store %arg6[%swap3A_461], %broadcast_in_dim3A_3 {strides = array<i32>} : memref<38912xf32, #tpu.memory_space<vmem>>, vector<16xf32>,
    %add3A_463 = arith.constant 19456 : i32
    %add3A_464 = arith.addi %add3A_463, %squeeze3A_340 : i32
    %add3A_465 = arith.constant 1 : i32
    %add3A_466 = arith.addi %add3A_464, %add3A_465 : i32
    %swap3A_467 = arith.index_cast %add3A_466 : i32 to index
    %swap3A_468 = tpu.vector_load %arg6[%swap3A_467] {strides = array<i32>} : memref<38912xf32, #tpu.memory_space<vmem>>, vector<16xf32>,
    tpu.vector_store %arg6[%swap3A_467], %broadcast_in_dim3A_3 {strides = array<i32>} : memref<38912xf32, #tpu.memory_space<vmem>>, vector<16xf32>,
    %add3A_469 = arith.constant 20672 : i32
    %add3A_470 = arith.addi %add3A_469, %squeeze3A_340 : i32
    %add3A_471 = arith.constant 1 : i32
    %add3A_472 = arith.addi %add3A_470, %add3A_471 : i32
    %swap3A_473 = arith.index_cast %add3A_472 : i32 to index
    %swap3A_474 = tpu.vector_load %arg6[%swap3A_473] {strides = array<i32>} : memref<38912xf32, #tpu.memory_space<vmem>>, vector<16xf32>,
    tpu.vector_store %arg6[%swap3A_473], %broadcast_in_dim3A_3 {strides = array<i32>} : memref<38912xf32, #tpu.memory_space<vmem>>, vector<16xf32>,
    %add3A_475 = arith.constant 21888 : i32
    %add3A_476 = arith.addi %add3A_475, %squeeze3A_340 : i32
    %add3A_477 = arith.constant 1 : i32
    %add3A_478 = arith.addi %add3A_476, %add3A_477 : i32
    %swap3A_479 = arith.index_cast %add3A_478 : i32 to index
    %swap3A_480 = tpu.vector_load %arg6[%swap3A_479] {strides = array<i32>} : memref<38912xf32, #tpu.memory_space<vmem>>, vector<16xf32>,
    tpu.vector_store %arg6[%swap3A_479], %broadcast_in_dim3A_3 {strides = array<i32>} : memref<38912xf32, #tpu.memory_space<vmem>>, vector<16xf32>,
    %add3A_481 = arith.constant 23104 : i32
    %add3A_482 = arith.addi %add3A_481, %squeeze3A_340 : i32
    %add3A_483 = arith.constant 1 : i32
    %add3A_484 = arith.addi %add3A_482, %add3A_483 : i32
    %swap3A_485 = arith.index_cast %add3A_484 : i32 to index
    %swap3A_486 = tpu.vector_load %arg6[%swap3A_485] {strides = array<i32>} : memref<38912xf32, #tpu.memory_space<vmem>>, vector<16xf32>,
    tpu.vector_store %arg6[%swap3A_485], %broadcast_in_dim3A_3 {strides = array<i32>} : memref<38912xf32, #tpu.memory_space<vmem>>, vector<16xf32>,
    %add3A_487 = arith.constant 24320 : i32
    %add3A_488 = arith.addi %add3A_487, %squeeze3A_340 : i32
    %add3A_489 = arith.constant 1 : i32
    %add3A_490 = arith.addi %add3A_488, %add3A_489 : i32
    %swap3A_491 = arith.index_cast %add3A_490 : i32 to index
    %swap3A_492 = tpu.vector_load %arg6[%swap3A_491] {strides = array<i32>} : memref<38912xf32, #tpu.memory_space<vmem>>, vector<16xf32>,
    tpu.vector_store %arg6[%swap3A_491], %broadcast_in_dim3A_3 {strides = array<i32>} : memref<38912xf32, #tpu.memory_space<vmem>>, vector<16xf32>,
    %add3A_493 = arith.constant 25536 : i32
    %add3A_494 = arith.addi %add3A_493, %squeeze3A_340 : i32
    %add3A_495 = arith.constant 1 : i32
    %add3A_496 = arith.addi %add3A_494, %add3A_495 : i32
    %swap3A_497 = arith.index_cast %add3A_496 : i32 to index
    %swap3A_498 = tpu.vector_load %arg6[%swap3A_497] {strides = array<i32>} : memref<38912xf32, #tpu.memory_space<vmem>>, vector<16xf32>,
    tpu.vector_store %arg6[%swap3A_497], %broadcast_in_dim3A_3 {strides = array<i32>} : memref<38912xf32, #tpu.memory_space<vmem>>, vector<16xf32>,
    %add3A_499 = arith.constant 26752 : i32
    %add3A_500 = arith.addi %add3A_499, %squeeze3A_340 : i32
    %add3A_501 = arith.constant 1 : i32
    %add3A_502 = arith.addi %add3A_500, %add3A_501 : i32
    %swap3A_503 = arith.index_cast %add3A_502 : i32 to index
    %swap3A_504 = tpu.vector_load %arg6[%swap3A_503] {strides = array<i32>} : memref<38912xf32, #tpu.memory_space<vmem>>, vector<16xf32>,
    tpu.vector_store %arg6[%swap3A_503], %broadcast_in_dim3A_3 {strides = array<i32>} : memref<38912xf32, #tpu.memory_space<vmem>>, vector<16xf32>,
    %add3A_505 = arith.constant 27968 : i32
    %add3A_506 = arith.addi %add3A_505, %squeeze3A_340 : i32
    %add3A_507 = arith.constant 1 : i32
    %add3A_508 = arith.addi %add3A_506, %add3A_507 : i32
    %swap3A_509 = arith.index_cast %add3A_508 : i32 to index
    %swap3A_510 = tpu.vector_load %arg6[%swap3A_509] {strides = array<i32>} : memref<38912xf32, #tpu.memory_space<vmem>>, vector<16xf32>,
    tpu.vector_store %arg6[%swap3A_509], %broadcast_in_dim3A_3 {strides = array<i32>} : memref<38912xf32, #tpu.memory_space<vmem>>, vector<16xf32>,
    %add3A_511 = arith.constant 29184 : i32
    %add3A_512 = arith.addi %add3A_511, %squeeze3A_340 : i32
    %add3A_513 = arith.constant 1 : i32
    %add3A_514 = arith.addi %add3A_512, %add3A_513 : i32
    %swap3A_515 = arith.index_cast %add3A_514 : i32 to index
    %swap3A_516 = tpu.vector_load %arg6[%swap3A_515] {strides = array<i32>} : memref<38912xf32, #tpu.memory_space<vmem>>, vector<16xf32>,
    tpu.vector_store %arg6[%swap3A_515], %broadcast_in_dim3A_3 {strides = array<i32>} : memref<38912xf32, #tpu.memory_space<vmem>>, vector<16xf32>,
    %add3A_517 = arith.constant 30400 : i32
    %add3A_518 = arith.addi %add3A_517, %squeeze3A_340 : i32
    %add3A_519 = arith.constant 1 : i32
    %add3A_520 = arith.addi %add3A_518, %add3A_519 : i32
    %swap3A_521 = arith.index_cast %add3A_520 : i32 to index
    %swap3A_522 = tpu.vector_load %arg6[%swap3A_521] {strides = array<i32>} : memref<38912xf32, #tpu.memory_space<vmem>>, vector<16xf32>,
    tpu.vector_store %arg6[%swap3A_521], %broadcast_in_dim3A_3 {strides = array<i32>} : memref<38912xf32, #tpu.memory_space<vmem>>, vector<16xf32>,
    %add3A_523 = arith.constant 31616 : i32
    %add3A_524 = arith.addi %add3A_523, %squeeze3A_340 : i32
    %add3A_525 = arith.constant 1 : i32
    %add3A_526 = arith.addi %add3A_524, %add3A_525 : i32
    %swap3A_527 = arith.index_cast %add3A_526 : i32 to index
    %swap3A_528 = tpu.vector_load %arg6[%swap3A_527] {strides = array<i32>} : memref<38912xf32, #tpu.memory_space<vmem>>, vector<16xf32>,
    tpu.vector_store %arg6[%swap3A_527], %broadcast_in_dim3A_3 {strides = array<i32>} : memref<38912xf32, #tpu.memory_space<vmem>>, vector<16xf32>,
    %add3A_529 = arith.constant 32832 : i32
    %add3A_530 = arith.addi %add3A_529, %squeeze3A_340 : i32
    %add3A_531 = arith.constant 1 : i32
    %add3A_532 = arith.addi %add3A_530, %add3A_531 : i32
    %swap3A_533 = arith.index_cast %add3A_532 : i32 to index
    %swap3A_534 = tpu.vector_load %arg6[%swap3A_533] {strides = array<i32>} : memref<38912xf32, #tpu.memory_space<vmem>>, vector<16xf32>,
    tpu.vector_store %arg6[%swap3A_533], %broadcast_in_dim3A_3 {strides = array<i32>} : memref<38912xf32, #tpu.memory_space<vmem>>, vector<16xf32>,
    %add3A_535 = arith.constant 34048 : i32
    %add3A_536 = arith.addi %add3A_535, %squeeze3A_340 : i32
    %add3A_537 = arith.constant 1 : i32
    %add3A_538 = arith.addi %add3A_536, %add3A_537 : i32
    %swap3A_539 = arith.index_cast %add3A_538 : i32 to index
    %swap3A_540 = tpu.vector_load %arg6[%swap3A_539] {strides = array<i32>} : memref<38912xf32, #tpu.memory_space<vmem>>, vector<16xf32>,
    tpu.vector_store %arg6[%swap3A_539], %broadcast_in_dim3A_3 {strides = array<i32>} : memref<38912xf32, #tpu.memory_space<vmem>>, vector<16xf32>,
    %add3A_541 = arith.constant 35264 : i32
    %add3A_542 = arith.addi %add3A_541, %squeeze3A_340 : i32
    %add3A_543 = arith.constant 1 : i32
    %add3A_544 = arith.addi %add3A_542, %add3A_543 : i32
    %swap3A_545 = arith.index_cast %add3A_544 : i32 to index
    %swap3A_546 = tpu.vector_load %arg6[%swap3A_545] {strides = array<i32>} : memref<38912xf32, #tpu.memory_space<vmem>>, vector<16xf32>,
    tpu.vector_store %arg6[%swap3A_545], %broadcast_in_dim3A_3 {strides = array<i32>} : memref<38912xf32, #tpu.memory_space<vmem>>, vector<16xf32>,
    %add3A_547 = arith.constant 36480 : i32
    %add3A_548 = arith.addi %add3A_547, %squeeze3A_340 : i32
    %add3A_549 = arith.constant 1 : i32
    %add3A_550 = arith.addi %add3A_548, %add3A_549 : i32
    %swap3A_551 = arith.index_cast %add3A_550 : i32 to index
    %swap3A_552 = tpu.vector_load %arg6[%swap3A_551] {strides = array<i32>} : memref<38912xf32, #tpu.memory_space<vmem>>, vector<16xf32>,
    tpu.vector_store %arg6[%swap3A_551], %broadcast_in_dim3A_3 {strides = array<i32>} : memref<38912xf32, #tpu.memory_space<vmem>>, vector<16xf32>,
    %add3A_553 = arith.constant 37696 : i32
    %add3A_554 = arith.addi %add3A_553, %squeeze3A_340 : i32
    %add3A_555 = arith.constant 1 : i32
    %add3A_556 = arith.addi %add3A_554, %add3A_555 : i32
    %swap3A_557 = arith.index_cast %add3A_556 : i32 to index
    %swap3A_558 = tpu.vector_load %arg6[%swap3A_557] {strides = array<i32>} : memref<38912xf32, #tpu.memory_space<vmem>>, vector<16xf32>,
    tpu.vector_store %arg6[%swap3A_557], %broadcast_in_dim3A_3 {strides = array<i32>} : memref<38912xf32, #tpu.memory_space<vmem>>, vector<16xf32>,
    %shift_right_arithmetic3A_559 = arith.constant 4 : i32
    %shift_right_arithmetic3A_560 = arith.shrsi %squeeze3A_102, %shift_right_arithmetic3A_559 : i32
    %shift_left3A_561 = arith.constant 4 : i32
    %shift_left3A_562 = arith.shli %shift_right_arithmetic3A_560, %shift_left3A_561 : i32
    %sub3A_563 = arith.subi %squeeze3A_340, %shift_left3A_562 : i32
    %shift_right_arithmetic3A_564 = arith.constant 4 : i32
    %shift_right_arithmetic3A_565 = arith.shrsi %sub3A_563, %shift_right_arithmetic3A_564 : i32
    %add3A_566 = arith.constant 1 : i32
    %add3A_567 = arith.addi %shift_right_arithmetic3A_565, %add3A_566 : i32
    %while3A_568 = arith.constant 0 : i32
    %while3A_569 = arith.constant 0 : i32
    %while3A_570 = arith.subi %add3A_567, %while3A_568 : i32
    %while3A_571 = arith.addi %while3A_568, %while3A_570 : i32
    %while3A_572 = arith.constant 1 : i32
    %while3A_573 = arith.divsi %while3A_570, %while3A_572 : i32
    %while3A_574 = arith.muli %while3A_573, %while3A_572 : i32
    %while3A_575 = arith.addi %while3A_568, %while3A_574 : i32
    %while3A_576 = arith.constant 1 : i32
    %while3A_577 = scf.for %while3A_580 = %while3A_568 to %while3A_575 step %while3A_576 iter_args(%while3A_581 = %while3A_569) -> (i32)  : i32 {
      %mul3A_582 = arith.constant 16 : i32
      %mul3A_583 = arith.muli %while3A_580, %mul3A_582 : i32
      %add3A_584 = arith.addi %shift_left3A_562, %mul3A_583 : i32
      %add3A_585 = arith.constant 0 : i32
      %add3A_586 = arith.addi %add3A_585, %add3A_584 : i32
      %get3A_587 = arith.index_cast %add3A_586 : i32 to index
      %get3A_588 = tpu.vector_load %arg6[%get3A_587] {strides = array<i32>} : memref<38912xf32, #tpu.memory_space<vmem>>, vector<16xf32>,
      %max3A = arith.maximumf %broadcast_in_dim3A_3, %get3A_588 : vector<16xf32>
      %add3A_589 = arith.constant 1216 : i32
      %add3A_590 = arith.addi %add3A_589, %add3A_584 : i32
      %get3A_591 = arith.index_cast %add3A_590 : i32 to index
      %get3A_592 = tpu.vector_load %arg6[%get3A_591] {strides = array<i32>} : memref<38912xf32, #tpu.memory_space<vmem>>, vector<16xf32>,
      %max3A_593 = arith.maximumf %broadcast_in_dim3A_3, %get3A_592 : vector<16xf32>
      %add3A_594 = arith.constant 2432 : i32
      %add3A_595 = arith.addi %add3A_594, %add3A_584 : i32
      %get3A_596 = arith.index_cast %add3A_595 : i32 to index
      %get3A_597 = tpu.vector_load %arg6[%get3A_596] {strides = array<i32>} : memref<38912xf32, #tpu.memory_space<vmem>>, vector<16xf32>,
      %max3A_598 = arith.maximumf %max3A, %get3A_597 : vector<16xf32>
      %add3A_599 = arith.constant 3648 : i32
      %add3A_600 = arith.addi %add3A_599, %add3A_584 : i32
      %get3A_601 = arith.index_cast %add3A_600 : i32 to index
      %get3A_602 = tpu.vector_load %arg6[%get3A_601] {strides = array<i32>} : memref<38912xf32, #tpu.memory_space<vmem>>, vector<16xf32>,
      %max3A_603 = arith.maximumf %max3A_593, %get3A_602 : vector<16xf32>
      %add3A_604 = arith.constant 4864 : i32
      %add3A_605 = arith.addi %add3A_604, %add3A_584 : i32
      %get3A_606 = arith.index_cast %add3A_605 : i32 to index
      %get3A_607 = tpu.vector_load %arg6[%get3A_606] {strides = array<i32>} : memref<38912xf32, #tpu.memory_space<vmem>>, vector<16xf32>,
      %max3A_608 = arith.maximumf %max3A_598, %get3A_607 : vector<16xf32>
      %add3A_609 = arith.constant 6080 : i32
      %add3A_610 = arith.addi %add3A_609, %add3A_584 : i32
      %get3A_611 = arith.index_cast %add3A_610 : i32 to index
      %get3A_612 = tpu.vector_load %arg6[%get3A_611] {strides = array<i32>} : memref<38912xf32, #tpu.memory_space<vmem>>, vector<16xf32>,
      %max3A_613 = arith.maximumf %max3A_603, %get3A_612 : vector<16xf32>
      %add3A_614 = arith.constant 7296 : i32
      %add3A_615 = arith.addi %add3A_614, %add3A_584 : i32
      %get3A_616 = arith.index_cast %add3A_615 : i32 to index
      %get3A_617 = tpu.vector_load %arg6[%get3A_616] {strides = array<i32>} : memref<38912xf32, #tpu.memory_space<vmem>>, vector<16xf32>,
      %max3A_618 = arith.maximumf %max3A_608, %get3A_617 : vector<16xf32>
      %add3A_619 = arith.constant 8512 : i32
      %add3A_620 = arith.addi %add3A_619, %add3A_584 : i32
      %get3A_621 = arith.index_cast %add3A_620 : i32 to index
      %get3A_622 = tpu.vector_load %arg6[%get3A_621] {strides = array<i32>} : memref<38912xf32, #tpu.memory_space<vmem>>, vector<16xf32>,
      %max3A_623 = arith.maximumf %max3A_613, %get3A_622 : vector<16xf32>
      %add3A_624 = arith.constant 9728 : i32
      %add3A_625 = arith.addi %add3A_624, %add3A_584 : i32
      %get3A_626 = arith.index_cast %add3A_625 : i32 to index
      %get3A_627 = tpu.vector_load %arg6[%get3A_626] {strides = array<i32>} : memref<38912xf32, #tpu.memory_space<vmem>>, vector<16xf32>,
      %max3A_628 = arith.maximumf %max3A_618, %get3A_627 : vector<16xf32>
      %add3A_629 = arith.constant 10944 : i32
      %add3A_630 = arith.addi %add3A_629, %add3A_584 : i32
      %get3A_631 = arith.index_cast %add3A_630 : i32 to index
      %get3A_632 = tpu.vector_load %arg6[%get3A_631] {strides = array<i32>} : memref<38912xf32, #tpu.memory_space<vmem>>, vector<16xf32>,
      %max3A_633 = arith.maximumf %max3A_623, %get3A_632 : vector<16xf32>
      %add3A_634 = arith.constant 12160 : i32
      %add3A_635 = arith.addi %add3A_634, %add3A_584 : i32
      %get3A_636 = arith.index_cast %add3A_635 : i32 to index
      %get3A_637 = tpu.vector_load %arg6[%get3A_636] {strides = array<i32>} : memref<38912xf32, #tpu.memory_space<vmem>>, vector<16xf32>,
      %max3A_638 = arith.maximumf %max3A_628, %get3A_637 : vector<16xf32>
      %add3A_639 = arith.constant 13376 : i32
      %add3A_640 = arith.addi %add3A_639, %add3A_584 : i32
      %get3A_641 = arith.index_cast %add3A_640 : i32 to index
      %get3A_642 = tpu.vector_load %arg6[%get3A_641] {strides = array<i32>} : memref<38912xf32, #tpu.memory_space<vmem>>, vector<16xf32>,
      %max3A_643 = arith.maximumf %max3A_633, %get3A_642 : vector<16xf32>
      %add3A_644 = arith.constant 14592 : i32
      %add3A_645 = arith.addi %add3A_644, %add3A_584 : i32
      %get3A_646 = arith.index_cast %add3A_645 : i32 to index
      %get3A_647 = tpu.vector_load %arg6[%get3A_646] {strides = array<i32>} : memref<38912xf32, #tpu.memory_space<vmem>>, vector<16xf32>,
      %max3A_648 = arith.maximumf %max3A_638, %get3A_647 : vector<16xf32>
      %add3A_649 = arith.constant 15808 : i32
      %add3A_650 = arith.addi %add3A_649, %add3A_584 : i32
      %get3A_651 = arith.index_cast %add3A_650 : i32 to index
      %get3A_652 = tpu.vector_load %arg6[%get3A_651] {strides = array<i32>} : memref<38912xf32, #tpu.memory_space<vmem>>, vector<16xf32>,
      %max3A_653 = arith.maximumf %max3A_643, %get3A_652 : vector<16xf32>
      %add3A_654 = arith.constant 17024 : i32
      %add3A_655 = arith.addi %add3A_654, %add3A_584 : i32
      %get3A_656 = arith.index_cast %add3A_655 : i32 to index
      %get3A_657 = tpu.vector_load %arg6[%get3A_656] {strides = array<i32>} : memref<38912xf32, #tpu.memory_space<vmem>>, vector<16xf32>,
      %max3A_658 = arith.maximumf %max3A_648, %get3A_657 : vector<16xf32>
      %add3A_659 = arith.constant 18240 : i32
      %add3A_660 = arith.addi %add3A_659, %add3A_584 : i32
      %get3A_661 = arith.index_cast %add3A_660 : i32 to index
      %get3A_662 = tpu.vector_load %arg6[%get3A_661] {strides = array<i32>} : memref<38912xf32, #tpu.memory_space<vmem>>, vector<16xf32>,
      %max3A_663 = arith.maximumf %max3A_653, %get3A_662 : vector<16xf32>
      %add3A_664 = arith.constant 19456 : i32
      %add3A_665 = arith.addi %add3A_664, %add3A_584 : i32
      %get3A_666 = arith.index_cast %add3A_665 : i32 to index
      %get3A_667 = tpu.vector_load %arg6[%get3A_666] {strides = array<i32>} : memref<38912xf32, #tpu.memory_space<vmem>>, vector<16xf32>,
      %max3A_668 = arith.maximumf %max3A_658, %get3A_667 : vector<16xf32>
      %add3A_669 = arith.constant 20672 : i32
      %add3A_670 = arith.addi %add3A_669, %add3A_584 : i32
      %get3A_671 = arith.index_cast %add3A_670 : i32 to index
      %get3A_672 = tpu.vector_load %arg6[%get3A_671] {strides = array<i32>} : memref<38912xf32, #tpu.memory_space<vmem>>, vector<16xf32>,
      %max3A_673 = arith.maximumf %max3A_663, %get3A_672 : vector<16xf32>
      %add3A_674 = arith.constant 21888 : i32
      %add3A_675 = arith.addi %add3A_674, %add3A_584 : i32
      %get3A_676 = arith.index_cast %add3A_675 : i32 to index
      %get3A_677 = tpu.vector_load %arg6[%get3A_676] {strides = array<i32>} : memref<38912xf32, #tpu.memory_space<vmem>>, vector<16xf32>,
      %max3A_678 = arith.maximumf %max3A_668, %get3A_677 : vector<16xf32>
      %add3A_679 = arith.constant 23104 : i32
      %add3A_680 = arith.addi %add3A_679, %add3A_584 : i32
      %get3A_681 = arith.index_cast %add3A_680 : i32 to index
      %get3A_682 = tpu.vector_load %arg6[%get3A_681] {strides = array<i32>} : memref<38912xf32, #tpu.memory_space<vmem>>, vector<16xf32>,
      %max3A_683 = arith.maximumf %max3A_673, %get3A_682 : vector<16xf32>
      %add3A_684 = arith.constant 24320 : i32
      %add3A_685 = arith.addi %add3A_684, %add3A_584 : i32
      %get3A_686 = arith.index_cast %add3A_685 : i32 to index
      %get3A_687 = tpu.vector_load %arg6[%get3A_686] {strides = array<i32>} : memref<38912xf32, #tpu.memory_space<vmem>>, vector<16xf32>,
      %max3A_688 = arith.maximumf %max3A_678, %get3A_687 : vector<16xf32>
      %add3A_689 = arith.constant 25536 : i32
      %add3A_690 = arith.addi %add3A_689, %add3A_584 : i32
      %get3A_691 = arith.index_cast %add3A_690 : i32 to index
      %get3A_692 = tpu.vector_load %arg6[%get3A_691] {strides = array<i32>} : memref<38912xf32, #tpu.memory_space<vmem>>, vector<16xf32>,
      %max3A_693 = arith.maximumf %max3A_683, %get3A_692 : vector<16xf32>
      %add3A_694 = arith.constant 26752 : i32
      %add3A_695 = arith.addi %add3A_694, %add3A_584 : i32
      %get3A_696 = arith.index_cast %add3A_695 : i32 to index
      %get3A_697 = tpu.vector_load %arg6[%get3A_696] {strides = array<i32>} : memref<38912xf32, #tpu.memory_space<vmem>>, vector<16xf32>,
      %max3A_698 = arith.maximumf %max3A_688, %get3A_697 : vector<16xf32>
      %add3A_699 = arith.constant 27968 : i32
      %add3A_700 = arith.addi %add3A_699, %add3A_584 : i32
      %get3A_701 = arith.index_cast %add3A_700 : i32 to index
      %get3A_702 = tpu.vector_load %arg6[%get3A_701] {strides = array<i32>} : memref<38912xf32, #tpu.memory_space<vmem>>, vector<16xf32>,
      %max3A_703 = arith.maximumf %max3A_693, %get3A_702 : vector<16xf32>
      %add3A_704 = arith.constant 29184 : i32
      %add3A_705 = arith.addi %add3A_704, %add3A_584 : i32
      %get3A_706 = arith.index_cast %add3A_705 : i32 to index
      %get3A_707 = tpu.vector_load %arg6[%get3A_706] {strides = array<i32>} : memref<38912xf32, #tpu.memory_space<vmem>>, vector<16xf32>,
      %max3A_708 = arith.maximumf %max3A_698, %get3A_707 : vector<16xf32>
      %add3A_709 = arith.constant 30400 : i32
      %add3A_710 = arith.addi %add3A_709, %add3A_584 : i32
      %get3A_711 = arith.index_cast %add3A_710 : i32 to index
      %get3A_712 = tpu.vector_load %arg6[%get3A_711] {strides = array<i32>} : memref<38912xf32, #tpu.memory_space<vmem>>, vector<16xf32>,
      %max3A_713 = arith.maximumf %max3A_703, %get3A_712 : vector<16xf32>
      %add3A_714 = arith.constant 31616 : i32
      %add3A_715 = arith.addi %add3A_714, %add3A_584 : i32
      %get3A_716 = arith.index_cast %add3A_715 : i32 to index
      %get3A_717 = tpu.vector_load %arg6[%get3A_716] {strides = array<i32>} : memref<38912xf32, #tpu.memory_space<vmem>>, vector<16xf32>,
      %max3A_718 = arith.maximumf %max3A_708, %get3A_717 : vector<16xf32>
      %add3A_719 = arith.constant 32832 : i32
      %add3A_720 = arith.addi %add3A_719, %add3A_584 : i32
      %get3A_721 = arith.index_cast %add3A_720 : i32 to index
      %get3A_722 = tpu.vector_load %arg6[%get3A_721] {strides = array<i32>} : memref<38912xf32, #tpu.memory_space<vmem>>, vector<16xf32>,
      %max3A_723 = arith.maximumf %max3A_713, %get3A_722 : vector<16xf32>
      %add3A_724 = arith.constant 34048 : i32
      %add3A_725 = arith.addi %add3A_724, %add3A_584 : i32
      %get3A_726 = arith.index_cast %add3A_725 : i32 to index
      %get3A_727 = tpu.vector_load %arg6[%get3A_726] {strides = array<i32>} : memref<38912xf32, #tpu.memory_space<vmem>>, vector<16xf32>,
      %max3A_728 = arith.maximumf %max3A_718, %get3A_727 : vector<16xf32>
      %add3A_729 = arith.constant 35264 : i32
      %add3A_730 = arith.addi %add3A_729, %add3A_584 : i32
      %get3A_731 = arith.index_cast %add3A_730 : i32 to index
      %get3A_732 = tpu.vector_load %arg6[%get3A_731] {strides = array<i32>} : memref<38912xf32, #tpu.memory_space<vmem>>, vector<16xf32>,
      %max3A_733 = arith.maximumf %max3A_723, %get3A_732 : vector<16xf32>
      %add3A_734 = arith.constant 36480 : i32
      %add3A_735 = arith.addi %add3A_734, %add3A_584 : i32
      %get3A_736 = arith.index_cast %add3A_735 : i32 to index
      %get3A_737 = tpu.vector_load %arg6[%get3A_736] {strides = array<i32>} : memref<38912xf32, #tpu.memory_space<vmem>>, vector<16xf32>,
      %max3A_738 = arith.maximumf %max3A_728, %get3A_737 : vector<16xf32>
      %add3A_739 = arith.constant 37696 : i32
      %add3A_740 = arith.addi %add3A_739, %add3A_584 : i32
      %get3A_741 = arith.index_cast %add3A_740 : i32 to index
      %get3A_742 = tpu.vector_load %arg6[%get3A_741] {strides = array<i32>} : memref<38912xf32, #tpu.memory_space<vmem>>, vector<16xf32>,
      %max3A_743 = arith.maximumf %max3A_733, %get3A_742 : vector<16xf32>
      %swap3A_744 = arith.index_cast %add3A_584 : i32 to index
      %swap3A_745 = tpu.vector_load %arg7[%swap3A_744] {strides = array<i32>} : memref<2432xf32, #tpu.memory_space<vmem>>, vector<16xf32>,
      tpu.vector_store %arg7[%swap3A_744], %max3A_738 {strides = array<i32>} : memref<2432xf32, #tpu.memory_space<vmem>>, vector<16xf32>,
      %add3A_746 = arith.constant 1216 : i32
      %add3A_747 = arith.addi %add3A_746, %add3A_584 : i32
      %swap3A_748 = arith.index_cast %add3A_747 : i32 to index
      %swap3A_749 = tpu.vector_load %arg7[%swap3A_748] {strides = array<i32>} : memref<2432xf32, #tpu.memory_space<vmem>>, vector<16xf32>,
      tpu.vector_store %arg7[%swap3A_748], %max3A_743 {strides = array<i32>} : memref<2432xf32, #tpu.memory_space<vmem>>, vector<16xf32>,
      %while3A_750 = arith.constant 0 : i32
      scf.yield %while3A_750 : i32
    }
    %while3A_578 = arith.constant 1 : i32
    %while3A_579 = scf.for %while3A_580 = %while3A_575 to %while3A_571 step %while3A_578 iter_args(%while3A_581 = %while3A_577) -> (i32)  : i32 {
      %mul3A_582 = arith.constant 16 : i32
      %mul3A_583 = arith.muli %while3A_580, %mul3A_582 : i32
      %add3A_584 = arith.addi %shift_left3A_562, %mul3A_583 : i32
      %add3A_585 = arith.constant 0 : i32
      %add3A_586 = arith.addi %add3A_585, %add3A_584 : i32
      %get3A_587 = arith.index_cast %add3A_586 : i32 to index
      %get3A_588 = tpu.vector_load %arg6[%get3A_587] {strides = array<i32>} : memref<38912xf32, #tpu.memory_space<vmem>>, vector<16xf32>,
      %max3A = arith.maximumf %broadcast_in_dim3A_3, %get3A_588 : vector<16xf32>
      %add3A_589 = arith.constant 1216 : i32
      %add3A_590 = arith.addi %add3A_589, %add3A_584 : i32
      %get3A_591 = arith.index_cast %add3A_590 : i32 to index
      %get3A_592 = tpu.vector_load %arg6[%get3A_591] {strides = array<i32>} : memref<38912xf32, #tpu.memory_space<vmem>>, vector<16xf32>,
      %max3A_593 = arith.maximumf %broadcast_in_dim3A_3, %get3A_592 : vector<16xf32>
      %add3A_594 = arith.constant 2432 : i32
      %add3A_595 = arith.addi %add3A_594, %add3A_584 : i32
      %get3A_596 = arith.index_cast %add3A_595 : i32 to index
      %get3A_597 = tpu.vector_load %arg6[%get3A_596] {strides = array<i32>} : memref<38912xf32, #tpu.memory_space<vmem>>, vector<16xf32>,
      %max3A_598 = arith.maximumf %max3A, %get3A_597 : vector<16xf32>
      %add3A_599 = arith.constant 3648 : i32
      %add3A_600 = arith.addi %add3A_599, %add3A_584 : i32
      %get3A_601 = arith.index_cast %add3A_600 : i32 to index
      %get3A_602 = tpu.vector_load %arg6[%get3A_601] {strides = array<i32>} : memref<38912xf32, #tpu.memory_space<vmem>>, vector<16xf32>,
      %max3A_603 = arith.maximumf %max3A_593, %get3A_602 : vector<16xf32>
      %add3A_604 = arith.constant 4864 : i32
      %add3A_605 = arith.addi %add3A_604, %add3A_584 : i32
      %get3A_606 = arith.index_cast %add3A_605 : i32 to index
      %get3A_607 = tpu.vector_load %arg6[%get3A_606] {strides = array<i32>} : memref<38912xf32, #tpu.memory_space<vmem>>, vector<16xf32>,
      %max3A_608 = arith.maximumf %max3A_598, %get3A_607 : vector<16xf32>
      %add3A_609 = arith.constant 6080 : i32
      %add3A_610 = arith.addi %add3A_609, %add3A_584 : i32
      %get3A_611 = arith.index_cast %add3A_610 : i32 to index
      %get3A_612 = tpu.vector_load %arg6[%get3A_611] {strides = array<i32>} : memref<38912xf32, #tpu.memory_space<vmem>>, vector<16xf32>,
      %max3A_613 = arith.maximumf %max3A_603, %get3A_612 : vector<16xf32>
      %add3A_614 = arith.constant 7296 : i32
      %add3A_615 = arith.addi %add3A_614, %add3A_584 : i32
      %get3A_616 = arith.index_cast %add3A_615 : i32 to index
      %get3A_617 = tpu.vector_load %arg6[%get3A_616] {strides = array<i32>} : memref<38912xf32, #tpu.memory_space<vmem>>, vector<16xf32>,
      %max3A_618 = arith.maximumf %max3A_608, %get3A_617 : vector<16xf32>
      %add3A_619 = arith.constant 8512 : i32
      %add3A_620 = arith.addi %add3A_619, %add3A_584 : i32
      %get3A_621 = arith.index_cast %add3A_620 : i32 to index
      %get3A_622 = tpu.vector_load %arg6[%get3A_621] {strides = array<i32>} : memref<38912xf32, #tpu.memory_space<vmem>>, vector<16xf32>,
      %max3A_623 = arith.maximumf %max3A_613, %get3A_622 : vector<16xf32>
      %add3A_624 = arith.constant 9728 : i32
      %add3A_625 = arith.addi %add3A_624, %add3A_584 : i32
      %get3A_626 = arith.index_cast %add3A_625 : i32 to index
      %get3A_627 = tpu.vector_load %arg6[%get3A_626] {strides = array<i32>} : memref<38912xf32, #tpu.memory_space<vmem>>, vector<16xf32>,
      %max3A_628 = arith.maximumf %max3A_618, %get3A_627 : vector<16xf32>
      %add3A_629 = arith.constant 10944 : i32
      %add3A_630 = arith.addi %add3A_629, %add3A_584 : i32
      %get3A_631 = arith.index_cast %add3A_630 : i32 to index
      %get3A_632 = tpu.vector_load %arg6[%get3A_631] {strides = array<i32>} : memref<38912xf32, #tpu.memory_space<vmem>>, vector<16xf32>,
      %max3A_633 = arith.maximumf %max3A_623, %get3A_632 : vector<16xf32>
      %add3A_634 = arith.constant 12160 : i32
      %add3A_635 = arith.addi %add3A_634, %add3A_584 : i32
      %get3A_636 = arith.index_cast %add3A_635 : i32 to index
      %get3A_637 = tpu.vector_load %arg6[%get3A_636] {strides = array<i32>} : memref<38912xf32, #tpu.memory_space<vmem>>, vector<16xf32>,
      %max3A_638 = arith.maximumf %max3A_628, %get3A_637 : vector<16xf32>
      %add3A_639 = arith.constant 13376 : i32
      %add3A_640 = arith.addi %add3A_639, %add3A_584 : i32
      %get3A_641 = arith.index_cast %add3A_640 : i32 to index
      %get3A_642 = tpu.vector_load %arg6[%get3A_641] {strides = array<i32>} : memref<38912xf32, #tpu.memory_space<vmem>>, vector<16xf32>,
      %max3A_643 = arith.maximumf %max3A_633, %get3A_642 : vector<16xf32>
      %add3A_644 = arith.constant 14592 : i32
      %add3A_645 = arith.addi %add3A_644, %add3A_584 : i32
      %get3A_646 = arith.index_cast %add3A_645 : i32 to index
      %get3A_647 = tpu.vector_load %arg6[%get3A_646] {strides = array<i32>} : memref<38912xf32, #tpu.memory_space<vmem>>, vector<16xf32>,
      %max3A_648 = arith.maximumf %max3A_638, %get3A_647 : vector<16xf32>
      %add3A_649 = arith.constant 15808 : i32
      %add3A_650 = arith.addi %add3A_649, %add3A_584 : i32
      %get3A_651 = arith.index_cast %add3A_650 : i32 to index
      %get3A_652 = tpu.vector_load %arg6[%get3A_651] {strides = array<i32>} : memref<38912xf32, #tpu.memory_space<vmem>>, vector<16xf32>,
      %max3A_653 = arith.maximumf %max3A_643, %get3A_652 : vector<16xf32>
      %add3A_654 = arith.constant 17024 : i32
      %add3A_655 = arith.addi %add3A_654, %add3A_584 : i32
      %get3A_656 = arith.index_cast %add3A_655 : i32 to index
      %get3A_657 = tpu.vector_load %arg6[%get3A_656] {strides = array<i32>} : memref<38912xf32, #tpu.memory_space<vmem>>, vector<16xf32>,
      %max3A_658 = arith.maximumf %max3A_648, %get3A_657 : vector<16xf32>
      %add3A_659 = arith.constant 18240 : i32
      %add3A_660 = arith.addi %add3A_659, %add3A_584 : i32
      %get3A_661 = arith.index_cast %add3A_660 : i32 to index
      %get3A_662 = tpu.vector_load %arg6[%get3A_661] {strides = array<i32>} : memref<38912xf32, #tpu.memory_space<vmem>>, vector<16xf32>,
      %max3A_663 = arith.maximumf %max3A_653, %get3A_662 : vector<16xf32>
      %add3A_664 = arith.constant 19456 : i32
      %add3A_665 = arith.addi %add3A_664, %add3A_584 : i32
      %get3A_666 = arith.index_cast %add3A_665 : i32 to index
      %get3A_667 = tpu.vector_load %arg6[%get3A_666] {strides = array<i32>} : memref<38912xf32, #tpu.memory_space<vmem>>, vector<16xf32>,
      %max3A_668 = arith.maximumf %max3A_658, %get3A_667 : vector<16xf32>
      %add3A_669 = arith.constant 20672 : i32
      %add3A_670 = arith.addi %add3A_669, %add3A_584 : i32
      %get3A_671 = arith.index_cast %add3A_670 : i32 to index
      %get3A_672 = tpu.vector_load %arg6[%get3A_671] {strides = array<i32>} : memref<38912xf32, #tpu.memory_space<vmem>>, vector<16xf32>,
      %max3A_673 = arith.maximumf %max3A_663, %get3A_672 : vector<16xf32>
      %add3A_674 = arith.constant 21888 : i32
      %add3A_675 = arith.addi %add3A_674, %add3A_584 : i32
      %get3A_676 = arith.index_cast %add3A_675 : i32 to index
      %get3A_677 = tpu.vector_load %arg6[%get3A_676] {strides = array<i32>} : memref<38912xf32, #tpu.memory_space<vmem>>, vector<16xf32>,
      %max3A_678 = arith.maximumf %max3A_668, %get3A_677 : vector<16xf32>
      %add3A_679 = arith.constant 23104 : i32
      %add3A_680 = arith.addi %add3A_679, %add3A_584 : i32
      %get3A_681 = arith.index_cast %add3A_680 : i32 to index
      %get3A_682 = tpu.vector_load %arg6[%get3A_681] {strides = array<i32>} : memref<38912xf32, #tpu.memory_space<vmem>>, vector<16xf32>,
      %max3A_683 = arith.maximumf %max3A_673, %get3A_682 : vector<16xf32>
      %add3A_684 = arith.constant 24320 : i32
      %add3A_685 = arith.addi %add3A_684, %add3A_584 : i32
      %get3A_686 = arith.index_cast %add3A_685 : i32 to index
      %get3A_687 = tpu.vector_load %arg6[%get3A_686] {strides = array<i32>} : memref<38912xf32, #tpu.memory_space<vmem>>, vector<16xf32>,
      %max3A_688 = arith.maximumf %max3A_678, %get3A_687 : vector<16xf32>
      %add3A_689 = arith.constant 25536 : i32
      %add3A_690 = arith.addi %add3A_689, %add3A_584 : i32
      %get3A_691 = arith.index_cast %add3A_690 : i32 to index
      %get3A_692 = tpu.vector_load %arg6[%get3A_691] {strides = array<i32>} : memref<38912xf32, #tpu.memory_space<vmem>>, vector<16xf32>,
      %max3A_693 = arith.maximumf %max3A_683, %get3A_692 : vector<16xf32>
      %add3A_694 = arith.constant 26752 : i32
      %add3A_695 = arith.addi %add3A_694, %add3A_584 : i32
      %get3A_696 = arith.index_cast %add3A_695 : i32 to index
      %get3A_697 = tpu.vector_load %arg6[%get3A_696] {strides = array<i32>} : memref<38912xf32, #tpu.memory_space<vmem>>, vector<16xf32>,
      %max3A_698 = arith.maximumf %max3A_688, %get3A_697 : vector<16xf32>
      %add3A_699 = arith.constant 27968 : i32
      %add3A_700 = arith.addi %add3A_699, %add3A_584 : i32
      %get3A_701 = arith.index_cast %add3A_700 : i32 to index
      %get3A_702 = tpu.vector_load %arg6[%get3A_701] {strides = array<i32>} : memref<38912xf32, #tpu.memory_space<vmem>>, vector<16xf32>,
      %max3A_703 = arith.maximumf %max3A_693, %get3A_702 : vector<16xf32>
      %add3A_704 = arith.constant 29184 : i32
      %add3A_705 = arith.addi %add3A_704, %add3A_584 : i32
      %get3A_706 = arith.index_cast %add3A_705 : i32 to index
      %get3A_707 = tpu.vector_load %arg6[%get3A_706] {strides = array<i32>} : memref<38912xf32, #tpu.memory_space<vmem>>, vector<16xf32>,
      %max3A_708 = arith.maximumf %max3A_698, %get3A_707 : vector<16xf32>
      %add3A_709 = arith.constant 30400 : i32
      %add3A_710 = arith.addi %add3A_709, %add3A_584 : i32
      %get3A_711 = arith.index_cast %add3A_710 : i32 to index
      %get3A_712 = tpu.vector_load %arg6[%get3A_711] {strides = array<i32>} : memref<38912xf32, #tpu.memory_space<vmem>>, vector<16xf32>,
      %max3A_713 = arith.maximumf %max3A_703, %get3A_712 : vector<16xf32>
      %add3A_714 = arith.constant 31616 : i32
      %add3A_715 = arith.addi %add3A_714, %add3A_584 : i32
      %get3A_716 = arith.index_cast %add3A_715 : i32 to index
      %get3A_717 = tpu.vector_load %arg6[%get3A_716] {strides = array<i32>} : memref<38912xf32, #tpu.memory_space<vmem>>, vector<16xf32>,
      %max3A_718 = arith.maximumf %max3A_708, %get3A_717 : vector<16xf32>
      %add3A_719 = arith.constant 32832 : i32
      %add3A_720 = arith.addi %add3A_719, %add3A_584 : i32
      %get3A_721 = arith.index_cast %add3A_720 : i32 to index
      %get3A_722 = tpu.vector_load %arg6[%get3A_721] {strides = array<i32>} : memref<38912xf32, #tpu.memory_space<vmem>>, vector<16xf32>,
      %max3A_723 = arith.maximumf %max3A_713, %get3A_722 : vector<16xf32>
      %add3A_724 = arith.constant 34048 : i32
      %add3A_725 = arith.addi %add3A_724, %add3A_584 : i32
      %get3A_726 = arith.index_cast %add3A_725 : i32 to index
      %get3A_727 = tpu.vector_load %arg6[%get3A_726] {strides = array<i32>} : memref<38912xf32, #tpu.memory_space<vmem>>, vector<16xf32>,
      %max3A_728 = arith.maximumf %max3A_718, %get3A_727 : vector<16xf32>
      %add3A_729 = arith.constant 35264 : i32
      %add3A_730 = arith.addi %add3A_729, %add3A_584 : i32
      %get3A_731 = arith.index_cast %add3A_730 : i32 to index
      %get3A_732 = tpu.vector_load %arg6[%get3A_731] {strides = array<i32>} : memref<38912xf32, #tpu.memory_space<vmem>>, vector<16xf32>,
      %max3A_733 = arith.maximumf %max3A_723, %get3A_732 : vector<16xf32>
      %add3A_734 = arith.constant 36480 : i32
      %add3A_735 = arith.addi %add3A_734, %add3A_584 : i32
      %get3A_736 = arith.index_cast %add3A_735 : i32 to index
      %get3A_737 = tpu.vector_load %arg6[%get3A_736] {strides = array<i32>} : memref<38912xf32, #tpu.memory_space<vmem>>, vector<16xf32>,
      %max3A_738 = arith.maximumf %max3A_728, %get3A_737 : vector<16xf32>
      %add3A_739 = arith.constant 37696 : i32
      %add3A_740 = arith.addi %add3A_739, %add3A_584 : i32
      %get3A_741 = arith.index_cast %add3A_740 : i32 to index
      %get3A_742 = tpu.vector_load %arg6[%get3A_741] {strides = array<i32>} : memref<38912xf32, #tpu.memory_space<vmem>>, vector<16xf32>,
      %max3A_743 = arith.maximumf %max3A_733, %get3A_742 : vector<16xf32>
      %swap3A_744 = arith.index_cast %add3A_584 : i32 to index
      %swap3A_745 = tpu.vector_load %arg7[%swap3A_744] {strides = array<i32>} : memref<2432xf32, #tpu.memory_space<vmem>>, vector<16xf32>,
      tpu.vector_store %arg7[%swap3A_744], %max3A_738 {strides = array<i32>} : memref<2432xf32, #tpu.memory_space<vmem>>, vector<16xf32>,
      %add3A_746 = arith.constant 1216 : i32
      %add3A_747 = arith.addi %add3A_746, %add3A_584 : i32
      %swap3A_748 = arith.index_cast %add3A_747 : i32 to index
      %swap3A_749 = tpu.vector_load %arg7[%swap3A_748] {strides = array<i32>} : memref<2432xf32, #tpu.memory_space<vmem>>, vector<16xf32>,
      tpu.vector_store %arg7[%swap3A_748], %max3A_743 {strides = array<i32>} : memref<2432xf32, #tpu.memory_space<vmem>>, vector<16xf32>,
      %while3A_750 = arith.constant 0 : i32
      scf.yield %while3A_750 : i32
    }
    "tpu.region"() ({
      %run_scoped3A = tpu.sem_alloc : memref<!tpu.dma_semaphore, #tpu.memory_space<semaphore_mem>>
      %dma_start3A_580 = arith.constant 0 : i32
      %dma_start3A_581 = tpu.memref_slice %arg5[%add3A, %dma_start3A_580] : memref<32x2432xf32, #tpu.memory_space<hbm>> -> memref<1x2432xf32, #tpu.memory_space<hbm>>
      %dma_start3A_582 = tpu.memref_squeeze %dma_start3A_581 : memref<1x2432xf32, #tpu.memory_space<hbm>> -> memref<2432xf32, #tpu.memory_space<hbm>>
      %dma_start3A_583 = arith.constant 0 : i32
      %dma_start3A_584 = tpu.memref_slice %arg5[%add3A, %dma_start3A_583] : memref<32x2432xf32, #tpu.memory_space<hbm>> -> memref<1x2432xf32, #tpu.memory_space<hbm>>
      %dma_start3A_585 = tpu.memref_squeeze %dma_start3A_584 : memref<1x2432xf32, #tpu.memory_space<hbm>> -> memref<2432xf32, #tpu.memory_space<hbm>>
      tpu.enqueue_dma source(%arg7 : memref<2432xf32, #tpu.memory_space<vmem>>) target(%dma_start3A_585 : memref<2432xf32, #tpu.memory_space<hbm>>) target_semaphore(%run_scoped3A : memref<!tpu.dma_semaphore, #tpu.memory_space<semaphore_mem>>)
      %dma_wait3A_586 = arith.constant 0 : i32
      %dma_wait3A_587 = tpu.memref_slice %arg5[%add3A, %dma_wait3A_586] : memref<32x2432xf32, #tpu.memory_space<hbm>> -> memref<1x2432xf32, #tpu.memory_space<hbm>>
      %dma_wait3A_588 = tpu.memref_squeeze %dma_wait3A_587 : memref<1x2432xf32, #tpu.memory_space<hbm>> -> memref<2432xf32, #tpu.memory_space<hbm>>
      %dma_wait3A_589 = arith.constant 0 : i32
      %dma_wait3A_590 = tpu.memref_slice %arg5[%add3A, %dma_wait3A_589] : memref<32x2432xf32, #tpu.memory_space<hbm>> -> memref<1x2432xf32, #tpu.memory_space<hbm>>
      %dma_wait3A_591 = tpu.memref_squeeze %dma_wait3A_590 : memref<1x2432xf32, #tpu.memory_space<hbm>> -> memref<2432xf32, #tpu.memory_space<hbm>>
      tpu.wait_dma2 semaphore(%run_scoped3A : memref<!tpu.dma_semaphore, #tpu.memory_space<semaphore_mem>>) src(%arg7 : memref<2432xf32, #tpu.memory_space<vmem>>) dst(%dma_wait3A_591 : memref<2432xf32, #tpu.memory_space<hbm>>)
      tpu.yield
    }) : () -> ()
    return
  }
}

module attributes {stable_mosaic.version = 14 : i64} {
  func.func @_phase_b_body(%arg0: memref<32x2432xf32, #tpu.memory_space<vmem>>, %arg1: memref<1xf32, #tpu.memory_space<smem>>) attributes {dimension_semantics = [], scalar_prefetch = 0 : i64, scratch_operands = 0 : i64, tpu.core_type = #tpu.core_type<tc>} {
    %get3A = arith.constant 0 : index
    %get3A_0 = arith.constant 0 : index
    %get3A_1 = vector.load %arg0[%get3A, %get3A_0] : memref<32x2432xf32, #tpu.memory_space<vmem>>, vector<32x2432xf32>
    %slice3A = vector.extract_strided_slice %get3A_1 {offsets = [0, 0], sizes = [32, 1200], strides = [1, 1]} : vector<32x2432xf32> to vector<32x1200xf32>
    %reduce_max3A = arith.constant dense<0xFF800000> : vector<1200xf32>
    %reduce_max3A_2 = vector.multi_reduction <maximumf>, %slice3A, %reduce_max3A [0] : vector<32x1200xf32> to vector<1200xf32>
    %slice3A_3 = vector.extract_strided_slice %get3A_1 {offsets = [0, 1216], sizes = [32, 1200], strides = [1, 1]} : vector<32x2432xf32> to vector<32x1200xf32>
    %reduce_max3A_4 = arith.constant dense<0xFF800000> : vector<1200xf32>
    %reduce_max3A_5 = vector.multi_reduction <maximumf>, %slice3A_3, %reduce_max3A_4 [0] : vector<32x1200xf32> to vector<1200xf32>
    %sub3A = arith.subf %reduce_max3A_2, %reduce_max3A_5 : vector<1200xf32>
    %mul3A = arith.mulf %sub3A, %sub3A : vector<1200xf32>
    %reduce_sum3A = vector.shape_cast %mul3A : vector<1200xf32> to vector<1x1200xf32>
    %reduce_sum3A_6 = arith.constant dense<0.000000e+00> : vector<1xf32>
    %reduce_sum3A_7 = vector.multi_reduction <add>, %reduce_sum3A, %reduce_sum3A_6 [1] : vector<1x1200xf32> to vector<1xf32>
    %reduce_sum3A_8 = vector.shape_cast %reduce_sum3A_7 : vector<1xf32> to vector<1x1xf32>
    %reduce_sum3A_9 = vector.extract %reduce_sum3A_8[0, 0] : f32 from vector<1x1xf32>
    %mul3A_10 = arith.constant 8.33333353E-4 : f32
    %mul3A_11 = arith.mulf %reduce_sum3A_9, %mul3A_10 : f32
    %swap3A = arith.constant 0 : index
    %swap3A_12 = memref.load %arg1[%swap3A] : memref<1xf32, #tpu.memory_space<smem>>
    memref.store %mul3A_11, %arg1[%swap3A] : memref<1xf32, #tpu.memory_space<smem>>
    return
  }
}

</mosaic_0001>

<sc_bundles>
// kernel: kernel.4.cloned.1.call-start
scs
__scs_entry_jumppad:
0x0: {  	(pc) =	sbr.rel $0x88, $3  }
0x1: {  	(tag) =	ssettag $0x0;
	lr =	simm.s32 $0x1  }
0x2: {  	[smem:$0x3F9E] =	sst lr;
	_ =	strace $0xD0000000  }
0x3: {  	_ = 	snop  }
0x4: {  	_ = 	snop  }
0x5: {  	_ = 	snop  }
0x6: {  	_ = 	snop  }
0x7: {  	_ = 	snop  }
__scs_overlays_trampoline_lowered:
0x8: {  	[smem:$0x3FAD] =	sst s0  }
0x9: {  	[smem:$0x3FAE] =	sst s1  }
0xa: {  	[smem:$0x3FAF] =	sst s2  }
0xb: {  	[smem:$0x3FB0] =	sst s3  }
0xc: {  	[smem:$0x3FB1] =	sst s4  }
0xd: {  	[smem:$0x3FB2] =	sst s5  }
0xe: {  	[smem:$0x3FB3] =	sst s6  }
0xf: {  	[smem:$0x3FB4] =	sst s7  }
0x10: {  	[smem:$0x3FB5] =	sst s8  }
0x11: {  	[smem:$0x3FB6] =	sst s9;
	s0 =	simm.s32 @!p0 $0x0  }
0x12: {  	s1 =	sld [smem:$0x3F9C];
	s0 =	simm.s32 @p0 $0x1  }
0x13: {  	[smem:$0x3FB7] =	sst s0;
	s0 =	simm.s32 @!p1 $0x0  }
0x14: {  	s2 =	sld [smem:$0x3F9B];
	s0 =	simm.s32 @p1 $0x1  }
0x15: {  	[smem:$0x3FB8] =	sst s0;
	s0 =	simm.s32 @!p2 $0x0  }
0x16: {  	s3 =	sld [smem:$0x3FDB];
	s0 =	simm.s32 @p2 $0x1  }
0x17: {  	s4 =	simm.s32 $0x1BF5;
	[smem:$0x3FBA] =	sst s0  }
0x18: {  	s0 =	sld [smem:$0x3F9D];
	_ =	swait.ge [sflag:s4], $0x0  }
0x19: {  	s7 =	sld [smem:$0x3F9E]  }
0x1a: {  	s8 =	sadd.s32 $0xFFFFE003, lr  }
0x1b: {  	s9 =	sadd.s32 $0xFFFFFEF7, lr;
	s5 =	simm.s32 $0xFFFFFFFF;
	p2 =	slt.u32 s8, $0xFFFFF086  }
0x1c: {  	p1 =	slt.u32 s9, $0xF7A;
	s5 =	simm.s32 @!p2 $0x0  }
0x1d: {  	s5 =	simm.s32 @p1 $0x1;
	p0 =	seq.s32 s7, s2  }
0x1e: {  	s7 =	smul.u32 @!p0 $0xF7A, s2;
	p2 =	seq.s32 @!p0 s5, $0x0  }
0x1f: {  	s9 =	smul.u32 $0xF7A, s1;
	s8 =	simm.s32 @!p0 $0x1BF5;
	p2 =	por !p2, p0  }
0x20: {  	[sflag:s8] =	ssyncset.s32 @!p0 $0xFFFFF086;
	s6 =	sadd.s32 @!p0 s3, s7;
	s7 =	simm.s32 @!p0 $0x108  }
0x21: {  	s3 =	sadd.s32 s3, s9;
	s6 =	sadd.s32 @!p0 $0x88, s6;
	s7 =	simm.s32 @p2 $0x1082  }
0x22: {  	[simem:s7], [sflag:s8] =	dma.local @!p0 [hbm:s6], $0xF7A  }
0x23: {  	s9 =	sor.u32 $0xD0000000, s2;
	s6 =	simm.s32 $0x108;
	_ =	swait.ge @!p0 [sflag:s8], $0x0  }
0x24: {  	s3 =	sadd.s32 $0x88, s3;
	s6 =	simm.s32 @!p1 $0x1082;
	[sflag:s4] =	ssyncset.s32 $0xFFFFF086  }
0x25: {  	[simem:s6], [sflag:s4] =	dma.local [hbm:s3], $0xF7A  }
0x26: {  	[smem:$0x3F9E] =	sst s1;
	(tag) =	ssettag s2;
	_ =	strace s9  }
0x27: {  	s1 =	sld [smem:$0x3FAE]  }
0x28: {  	s2 =	sld [smem:$0x3FAF]  }
0x29: {  	s4 =	sld [smem:$0x3FB1]  }
0x2a: {  	p0 =	seq.s32 s5, $0x0;
	s5 =	sld [smem:$0x3FB2]  }
0x2b: {  	s6 =	sld [smem:$0x3FB3]  }
0x2c: {  	s7 =	sld [smem:$0x3FB4]  }
0x2d: {  	s3 =	simm.s32 $0x108;
	s8 =	sld [smem:$0x3FB5]  }
0x2e: {  	s3 =	simm.s32 @!p0 $0x1082;
	s9 =	sld [smem:$0x3FB6]  }
0x2f: {  	lr =	sadd.s32 s0, s3;
	s0 =	sld [smem:$0x3FAD]  }
0x30: {  	s3 =	sld [smem:$0x3FB0]  }
0x31: {  	[smem:$0x3FB9] =	sst s10  }
0x32: {  	s10 =	sld [smem:$0x3FB7];
	_ =	sdelay $0x3  }
0x33: {  	p0 =	seq.s32 s10, $0x1;
	s10 =	sld [smem:$0x3FB9];
	_ =	sdelay $0x3  }
0x34: {  	[smem:$0x3FB9] =	sst s10  }
0x35: {  	s10 =	sld [smem:$0x3FB8];
	_ =	sdelay $0x3  }
0x36: {  	p1 =	seq.s32 s10, $0x1;
	s10 =	sld [smem:$0x3FB9];
	_ =	sdelay $0x3  }
0x37: {  	[smem:$0x3FB9] =	sst s10  }
0x38: {  	s10 =	sld [smem:$0x3FBA]  }
0x39: {  	_ = 	snop;
	(pc) =	sbr.ind lr, $3  }
0x3a: {  	_ = 	snop  }
0x3b: {  	_ = 	snop  }
0x3c: {  	p2 =	seq.s32 s10, $0x1;
	s10 =	sld [smem:$0x3FB9]  }
0x3d: {  	_ =	shalt  }
0x3e: {  	_ =	shalt  }
0x3f: {  	_ =	shalt  }
0x40: {  	_ =	shalt  }
0x41: {  	_ =	shalt  }
0x42: {  	_ =	shalt  }
0x43: {  	_ =	shalt  }
0x44: {  	_ =	shalt  }
0x45: {  	_ =	shalt  }
0x46: {  	_ =	shalt  }
0x47: {  	_ =	shalt  }
0x48: {  	_ =	shalt  }
0x49: {  	_ =	shalt  }
0x4a: {  	_ =	shalt  }
0x4b: {  	_ =	shalt  }
0x4c: {  	_ =	shalt  }
0x4d: {  	_ =	shalt  }
0x4e: {  	_ =	shalt  }
0x4f: {  	_ =	shalt  }
0x50: {  	_ =	shalt  }
0x51: {  	_ =	shalt  }
0x52: {  	_ =	shalt  }
0x53: {  	_ =	shalt  }
0x54: {  	_ =	shalt  }
0x55: {  	_ =	shalt  }
0x56: {  	_ =	shalt  }
0x57: {  	_ =	shalt  }
0x58: {  	_ =	shalt  }
0x59: {  	_ =	shalt  }
0x5a: {  	_ =	shalt  }
0x5b: {  	_ =	shalt  }
0x5c: {  	_ =	shalt  }
0x5d: {  	_ =	shalt  }
0x5e: {  	_ =	shalt  }
0x5f: {  	_ =	shalt  }
0x60: {  	_ =	shalt  }
0x61: {  	_ =	shalt  }
0x62: {  	_ =	shalt  }
0x63: {  	_ =	shalt  }
0x64: {  	_ =	shalt  }
0x65: {  	_ =	shalt  }
0x66: {  	_ =	shalt  }
0x67: {  	_ =	shalt  }
0x68: {  	_ =	shalt  }
0x69: {  	_ =	shalt  }
0x6a: {  	_ =	shalt  }
0x6b: {  	_ =	shalt  }
0x6c: {  	_ =	shalt  }
0x6d: {  	_ =	shalt  }
0x6e: {  	_ =	shalt  }
0x6f: {  	_ =	shalt  }
0x70: {  	_ =	shalt  }
0x71: {  	_ =	shalt  }
0x72: {  	_ =	shalt  }
0x73: {  	_ =	shalt  }
0x74: {  	_ =	shalt  }
0x75: {  	_ =	shalt  }
0x76: {  	_ =	shalt  }
0x77: {  	_ =	shalt  }
0x78: {  	_ =	shalt  }
0x79: {  	_ =	shalt  }
0x7a: {  	_ =	shalt  }
0x7b: {  	_ =	shalt  }
0x7c: {  	_ =	shalt  }
0x7d: {  	_ =	shalt  }
0x7e: {  	_ =	shalt  }
0x7f: {  	_ =	shalt  }
0x80: {  	_ =	shalt  }
0x81: {  	_ =	shalt  }
0x82: {  	_ =	shalt  }
0x83: {  	_ =	shalt  }
0x84: {  	_ =	shalt  }
0x85: {  	_ =	shalt  }
0x86: {  	_ =	shalt  }
0x87: {  	_ =	shalt  }
.Lfunc_end0:
.L_simem_size_0:
called_computation_lowered:
.L_overlay_start_0:
0x88: {  	s2 =	sld [smem:$0x3FD9]  }
0x89: {  	s3 =	sld [smem:$0x3FFE];
	_ =	sdelay $0x1  }
0x8a: {  	s1 =	srdreg.scid  }
0x8b: {  	s0 =	sand.u32 $0x1, s1  }
0x8c: {  	s17 =	sshll.u32 s0, $0xA;
	s2 =	sadd.s32 s3, s2  }
0x8d: {  	s2 =	sadd.s32 s2, s17  }
0x8e: {  	[smem:$0x3FC5] =	sst s2  }
0x8f: {  	_ = 	snop  }
0x90: {  	s2 =	sld [smem:$0x3FC9]  }
0x91: {  	s18 =	sld [smem:$0x3FC8]  }
0x92: {  	s4 =	sld [smem:$0x3FC7];
	(tm) =	ssettm $0x1  }
0x93: {  	s5 =	sld [smem:$0x3FFB];
	_ =	sdelay $0x3  }
0x94: {  	_ =	strace s5  }
0x95: {  	s5 =	sld [smem:$0x3FFC];
	_ =	sdelay $0x3  }
0x96: {  	_ =	strace s5  }
0x97: {  	s5 =	sld [smem:$0x3FFD];
	_ =	sdelay $0x3  }
0x98: {  	_ =	strace s5  }
0x99: {  	_ =	strace $0x8FFFFFFF  }
0x9a: {  	s19 =	sld [smem:$0x3FDB];
	_ =	sdelay $0x1  }
0x9b: {  	s6 =	simm.s32 $_scs_section_size  }
0x9c: {  	s7 =	simm.s32 $_size__tile_overlayer_lowered;
	s8 =	simm.s32 $_tile_overlayer_lowered  }
0x9d: {  	s22 =	simm.s32 $0x1BFF;
	s21 =	sshll.u32 s8, $0x1;
	s5 =	sadd.s32 s6, s19  }
0x9e: {  	s9 =	simm.s32 $0x0;
	s20 =	sshll.u32 s7, $0x1;
	s7 =	sadd.s32 s21, s5  }
0x9f: {  	[timem:s9], [sflag:s22] =	dma.local [hbm:s7], s20  }
0xa0: {  	_ =	swait.ge [sflag:s22], s20  }
0xa1: {  	s6 =	ssub.s32 $0x0, s20;
	[sflag:s22] =	ssyncset.done $0x0  }
0xa2: {  	[sflag:s22] =	ssyncadd.s32 s6;
	_ =	sdelay $0x1  }
0xa3: {  	s23 =	simm.s32 $0x1B8B  }
0xa4: {  	_ =	swait.ge [sflag:s23], $0x1  }
0xa5: {  	[sflag:s23] =	ssyncset.done $0x0  }
0xa6: {  	s25 =	simm.s32 $0x1B8E;
	s24 =	sld [smem:$0x3FFE];
	[sflag:s23] =	ssyncadd.s32 $0xFFFFFFFF  }
0xa7: {  	s26 =	simm.s32 $execute0_lowered;
	[smem:$0x3FD2] =	sst s25  }
0xa8: {  	s7 =	sshll.u32 s26, $0x1;
	_ =	strace $0x80000046;
	[dreg:$0x1] =	wrdreg $0xFFFFFFFF  }
0xa9: {  	s28 =	simm.s32 $_size_execute0_lowered;
	s5 =	sadd.s32 s5, s7;
	[dreg:$0x0] =	wrdreg $0x0  }
0xaa: {  	s7 =	sshll.u32 s28, $0x1;
	[dreg:$0x2] =	wrdreg s5  }
0xab: {  	[dreg:$0x3] =	wrdreg s7  }
0xac: {  	[dreg:$0x4] =	wrdreg $0xC0  }
0xad: {  	_ =	task [dreg:s9], $0x5FFFF  }
0xae: {  	[dreg:$0x1] =	wrdreg $0xFFFFFFFF  }
0xaf: {  	[dreg:$0x0] =	wrdreg $0x60  }
0xb0: {  	[dreg:$0x2] =	wrdreg s2  }
0xb1: {  	[dreg:$0x3] =	wrdreg s18  }
0xb2: {  	[dreg:$0x4] =	wrdreg s4  }
0xb3: {  	[dreg:$0x5] =	wrdreg s24  }
0xb4: {  	[dreg:$0x6] =	wrdreg $0x9  }
0xb5: {  	_ =	task.clear_ibuf [dreg:s9], $0x7FFFF;
	_ =	strace $0x90000046  }
0xb6: {  	s29 =	simm.s32 $0x9;
	_ =	strace $0x80000048  }
0xb7: {  	_ =	swait.ge [sflag:s29], $0x1  }
0xb8: {  	[sflag:s29] =	ssyncadd.s32 $0xFFFFFFFF  }
0xb9: {  	_ =	strace $0x90000048  }
0xba: {  	_ =	sfence  }
0xbb: {  	s30 =	sld [smem:$0x0];
	_ =	sdelay $0x2  }
0xbc: {  	s31 =	sshll.u32 s1, $0xD;
	s1 =	sshrl.u32 s1, $0x2  }
0xbd: {  	s3 =	sand.u32 $0x4000, s31;
	s1 =	sadd.s32 s1, s30  }
0xbe: {  	s0 =	sor.u32 s3, s0;
	s1 =	sshll.u32 s1, $0x11  }
0xbf: {  	s0 =	sor.u32 s1, s0  }
0xc0: {  	s0 =	sadd.s32 $0x8F2B, s0  }
0xc1: {  	[sflag:s0] =	ssyncadd.remote.s32 $0x1  }
0xc2: {  	_ =	sfence.sel $0xFFFF  }
0xc3: {  	[dreg:$0x0] =	wrdreg $0xFFFFFFFF;
	(pc) =	sbr.abs _section_cstart, $3  }
0xc4: {  	[dreg:$0x1] =	wrdreg $0xFFFFFFFF  }
0xc5: {  	_ =	task.clear_ibuf [dreg:s9], $0x2FFFF;
	_ =	strace $0x9FFFFFFF  }
0xc6: {  	(tm) =	ssettm $0x7FFFFFFF  }
0xc7: {  	_ =	shalt  }
tec
execute0_lowered:
.L_overlay_start_1:
0x0: {  	(tag) =	ssettag $0x1  }
0x1: {  	s0 =	rddreg [dreg:$0x0]  }
0x2: {  	s14 =	rddreg [dreg:$0x1]  }
0x3: {  	s1 =	srdreg.scid;
	s12 =	rddreg [dreg:$0x2]  }
0x4: {  	s4 =	stileid.u32;
	s30 =	rddreg [dreg:$0x3];
	s17 =	simm.s32 $0x1  }
0x5: {  	s18 =	simm.s32 $0x2;
	s21 =	simm.s32 $0x9800;
	s22 =	simm.s32 $0x3  }
0x6: {  	s1 =	sand.u32 $0x1, s1;
	s2 =	sshll.u32 s4, $0x1;
	s29 =	sshrl.u32 s4, $0x2  }
0x7: {  	s23 =	simm.s32 $0x0;
	s3 =	sor.u32 s1, s2;
	s5 =	smul.u32 $0x4C00, s29  }
0x8: {  	s2 =	simm.s32 $0x0;
	s1 =	ssub.s32 $0x2, s1;
	s6 =	sshll.u32 s3, $0x7  }
0x9: {  	[smem:$0x7FF] =	sst s2;
	s31 =	sshrl.u32 s1, $0x1;
	s13 =	sshll.u32 s3, $0xC  }
0xa: {  	s6 =	sand.u32 $0x380, s6;
	_ =	strace $0x80000047;
	s1 =	ssub.s32 s1, s31  }
0xb: {  	s3 =	sadd.s32 s12, s13;
	s4 =	sadd.s32 s0, s13;
	s8 =	sor.u32 $0x400, s13  }
0xc: {  	s11 =	sor.u32 $0x800, s13;
	s16 =	sor.u32 $0xC00, s13;
	s5 =	sor.u32 s5, s6  }
.Ltmp0:
0xd: {  	s6 =	sadd.s32 s12, s8;
	s7 =	sadd.s32 s0, s8;
	(pc) =	sbr.rel .LBB2_1-.Ltmp0, $4  }
0xe: {  	v0 =	vlaneseq.u32;
	s8 =	sadd.s32 s14, s8;
	s9 =	sadd.s32 s12, s11;
	s10 =	sadd.s32 s0, s11  }
0xf: {  	v0 =	vmul.u32 $0x980, v0;
	s11 =	sadd.s32 s14, s11;
	s12 =	sadd.s32 s12, s16;
	s5 =	sshrl.u32 s5, $0x3  }
0x10: {  	s15 =	sadd.s32 s5, s30;
	s5 =	sadd.s32 s14, s13;
	s13 =	sadd.s32 s0, s16  }
0x11: {  	v1 =	vimm.f32 $-Inf;
	v2 =	vadd.s32 $0x4C0, v0;
	s14 =	sadd.s32 s14, s16;
	s16 =	smax.u32 s1, $0x1;
	s15 =	sadd.s32 $0x600, s15  }
.LBB2_56:
0x12: {  	_ =	sdelay $0x3  }
0x13: {  	[tilespmem:v3+s1+$0x4C0 ss:$0x1] =	vst.idx.msk $0xffff, v4  }
.LBB2_57:
0x14: {  	s23 =	sadd.s32 $0x1, s23  }
0x15: {  	p0 =	sne.s32 s23, s16  }
.Ltmp1:
0x16: {  	s0 =	simm.s32 $0x80;
	s1 =	simm.s32 $0x400;
	(pc) =	sbr.rel @!p0 .LBB2_58-.Ltmp1, $4  }
0x17: {  	[hbm4b:s15+s0] =	stream.strided.scatter [tilespmem:s21], [sflag:$0x3], $0x980, s1, s0, $0x38;
	[tilespmem:$0x16180] =	vst v63  }
0x18: {  	_ =	swait.ge [sflag:s22], $0x980  }
0x19: {  	[sflag:s22] =	ssyncset.done $0x0  }
0x1a: {  	[sflag:s22] =	ssyncadd.s32 $0xFFFFF680  }
.LBB2_1:
0x1b: {  	s0 =	simm.s32 $0xA180  }
0x1c: {  	s1 =	simm.s32 $0x10;
	s20 =	sadd.s32 $0x0, s3;
	s19 =	simm.s32 $0xA280  }
.LBB2_2:
0x1d: {  	[tilespmem:s0], [sflag:$0x1] =	stream.linear.gather [hbm4b:s20+s2], $0x80, $0x38;
	[tilespmem:$0x16180] =	vst v63  }
0x1e: {  	s20 =	smov.u32 s1;
	s0 =	smov.u32 s19;
	p0 =	sne.s32 s1, $0x3F0  }
.Ltmp2:
0x1f: {  	s1 =	sadd.s32 $0x10, s1;
	(pc) =	sbr.rel @p0 .LBB2_2-.Ltmp2, $2  }
0x20: {  	_ =	sdelay $0x2  }
0x21: {  	s19 =	sadd.s32 $0x100, s19;
	s20 =	sadd.s32 s20, s3  }
0x22: {  	[tilespmem:s0], [sflag:$0x1] =	stream.linear.gather [hbm4b:s20+s2], $0x80, $0x38;
	[tilespmem:$0x16180] =	vst v63  }
0x23: {  	s0 =	simm.s32 $0xE180  }
0x24: {  	s1 =	simm.s32 $0x10;
	s20 =	sadd.s32 $0x0, s4;
	s19 =	simm.s32 $0xE280  }
.LBB2_4:
0x25: {  	[tilespmem:s0], [sflag:$0x1] =	stream.linear.gather [hbm4b:s20+s2], $0x80, $0x38;
	[tilespmem:$0x16180] =	vst v63  }
0x26: {  	s20 =	smov.u32 s1;
	s0 =	smov.u32 s19;
	p0 =	sne.s32 s1, $0x3F0  }
.Ltmp3:
0x27: {  	s1 =	sadd.s32 $0x10, s1;
	(pc) =	sbr.rel @p0 .LBB2_4-.Ltmp3, $2  }
0x28: {  	_ =	sdelay $0x2  }
0x29: {  	s19 =	sadd.s32 $0x100, s19;
	s20 =	sadd.s32 s20, s4  }
0x2a: {  	[tilespmem:s0], [sflag:$0x1] =	stream.linear.gather [hbm4b:s20+s2], $0x80, $0x38;
	[tilespmem:$0x16180] =	vst v63  }
0x2b: {  	s0 =	simm.s32 $0x0;
	s1 =	simm.s32 $0x12180  }
.LBB2_6:
0x2c: {  	p0 =	sne.s32 s0, $0x3F0  }
.Ltmp4:
0x2d: {  	_ = 	snop;
	(pc) =	sbr.rel @p0 .LBB2_6-.Ltmp4, $4  }
0x2e: {  	_ = 	snop  }
0x2f: {  	s19 =	sadd.s32 s0, s5  }
0x30: {  	[tilespmem:s1], [sflag:$0x1] =	stream.linear.gather [hbm4b:s19+s2], $0x80, $0x38;
	[tilespmem:$0x16180] =	vst v63  }
0x31: {  	s0 =	sadd.s32 $0x10, s0;
	s1 =	sadd.s32 $0x100, s1  }
0x32: {  	s0 =	simm.s32 $0x9840  }
0x33: {  	[tilespmem:s0+$0xFFFFFFC0] =	vst v1  }
0x34: {  	[tilespmem:s0+$0x30] =	vst v1  }
0x35: {  	[tilespmem:s0+$0x20] =	vst v1  }
0x36: {  	[tilespmem:s0+$0x10] =	vst v1  }
0x37: {  	[tilespmem:s0+$0x0] =	vst v1  }
0x38: {  	[tilespmem:s0+$0xFFFFFFF0] =	vst v1  }
0x39: {  	s1 =	simm.s32 $0x0;
	[tilespmem:s0+$0xFFFFFFE0] =	vst v1  }
.LBB2_8:
0x3a: {  	s1 =	sadd.s32 $0x8, s1;
	[tilespmem:s0+$0xFFFFFFD0] =	vst v1;
	s0 =	sadd.s32 $0x80, s0  }
0x3b: {  	[tilespmem:s0+$0xFFFFFFC0] =	vst v1;
	p0 =	slt.u32 s1, $0x90  }
0x3c: {  	[tilespmem:s0+$0x30] =	vst v1  }
.Ltmp5:
0x3d: {  	[tilespmem:s0+$0x20] =	vst v1;
	(pc) =	sbr.rel @p0 .LBB2_8-.Ltmp5, $4  }
0x3e: {  	[tilespmem:s0+$0x10] =	vst v1  }
0x3f: {  	[tilespmem:s0+$0x0] =	vst v1  }
0x40: {  	[tilespmem:s0+$0xFFFFFFF0] =	vst v1  }
0x41: {  	[tilespmem:s0+$0xFFFFFFE0] =	vst v1  }
0x42: {  	s1 =	simm.s32 $0xA200  }
0x43: {  	[tilespmem:s0+$0xFFFFFFD0] =	vst v1;
	s0 =	simm.s32 $0x10;
	s20 =	sadd.s32 $0x0, s6;
	s19 =	simm.s32 $0xA300  }
.LBB2_10:
0x44: {  	[tilespmem:s1], [sflag:$0x2] =	stream.linear.gather [hbm4b:s20+s2], $0x80, $0x38;
	[tilespmem:$0x16180] =	vst v63  }
0x45: {  	s20 =	smov.u32 s0;
	s1 =	smov.u32 s19;
	p0 =	sne.s32 s0, $0x3F0  }
.Ltmp6:
0x46: {  	s0 =	sadd.s32 $0x10, s0;
	(pc) =	sbr.rel @p0 .LBB2_10-.Ltmp6, $2  }
0x47: {  	_ =	sdelay $0x2  }
0x48: {  	s19 =	sadd.s32 $0x100, s19;
	s20 =	sadd.s32 s20, s6  }
0x49: {  	[tilespmem:s1], [sflag:$0x2] =	stream.linear.gather [hbm4b:s20+s2], $0x80, $0x38;
	[tilespmem:$0x16180] =	vst v63  }
0x4a: {  	s0 =	simm.s32 $0xE200  }
0x4b: {  	s1 =	simm.s32 $0x10;
	s20 =	sadd.s32 $0x0, s7;
	s19 =	simm.s32 $0xE300  }
.LBB2_12:
0x4c: {  	[tilespmem:s0], [sflag:$0x2] =	stream.linear.gather [hbm4b:s20+s2], $0x80, $0x38;
	[tilespmem:$0x16180] =	vst v63  }
0x4d: {  	s20 =	smov.u32 s1;
	s0 =	smov.u32 s19;
	p0 =	sne.s32 s1, $0x3F0  }
.Ltmp7:
0x4e: {  	s1 =	sadd.s32 $0x10, s1;
	(pc) =	sbr.rel @p0 .LBB2_12-.Ltmp7, $2  }
0x4f: {  	_ =	sdelay $0x2  }
0x50: {  	s19 =	sadd.s32 $0x100, s19;
	s20 =	sadd.s32 s20, s7  }
0x51: {  	[tilespmem:s0], [sflag:$0x2] =	stream.linear.gather [hbm4b:s20+s2], $0x80, $0x38;
	[tilespmem:$0x16180] =	vst v63  }
0x52: {  	s0 =	simm.s32 $0x12200  }
0x53: {  	s1 =	simm.s32 $0x10;
	s20 =	sadd.s32 $0x0, s8;
	s19 =	simm.s32 $0x12300  }
.LBB2_14:
0x54: {  	[tilespmem:s0], [sflag:$0x2] =	stream.linear.gather [hbm4b:s20+s2], $0x80, $0x38;
	[tilespmem:$0x16180] =	vst v63  }
0x55: {  	s20 =	smov.u32 s1;
	s0 =	smov.u32 s19;
	p0 =	sne.s32 s1, $0x3F0  }
.Ltmp8:
0x56: {  	s1 =	sadd.s32 $0x10, s1;
	(pc) =	sbr.rel @p0 .LBB2_14-.Ltmp8, $2  }
0x57: {  	_ =	sdelay $0x2  }
0x58: {  	s19 =	sadd.s32 $0x100, s19;
	s20 =	sadd.s32 s20, s8  }
0x59: {  	[tilespmem:s0], [sflag:$0x2] =	stream.linear.gather [hbm4b:s20+s2], $0x80, $0x38;
	[tilespmem:$0x16180] =	vst v63  }
0x5a: {  	_ =	swait.ge [sflag:s17], $0x2000  }
0x5b: {  	[sflag:s17] =	ssyncset.done $0x0  }
0x5c: {  	[sflag:s17] =	ssyncadd.s32 $0xFFFFE000  }
0x5d: {  	_ =	swait.ge [sflag:s17], $0x2000  }
0x5e: {  	[sflag:s17] =	ssyncset.done $0x0  }
0x5f: {  	[sflag:s17] =	ssyncadd.s32 $0xFFFFE000  }
0x60: {  	_ =	swait.ge [sflag:s17], $0x2000  }
0x61: {  	[sflag:s17] =	ssyncset.done $0x0  }
0x62: {  	[sflag:s17] =	ssyncadd.s32 $0xFFFFE000  }
0x63: {  	v4 =	vld [tilespmem:$0xE0F0]  }
0x64: {  	v3 =	vld [tilespmem:$0xA180];
	_ =	sdelay $0x3  }
0x65: {  	(v2sf) =	vpush v4, $0xF  }
0x66: {  	(v2sf) =	vpush v3, $0x0;
	_ =	sdelay $0xd  }
0x67: {  	s26 =	spop (v2sf)  }
0x68: {  	s31 =	spop (v2sf)  }
0x69: {  	s24 =	sand.u32 $0xFFFFFFF0, s31  }
0x6a: {  	s1 =	ssub.s32 s26, s24  }
0x6b: {  	s1 =	sadd.s32 $0x10, s1  }
0x6c: {  	s19 =	sshra.s32 s1, $0x4  }
0x6d: {  	p0 =	slt.s32 s19, $0x1  }
.Ltmp9:
0x6e: {  	_ = 	snop;
	(pc) =	sbr.rel @p0 .LBB2_19-.Ltmp9, $3  }
0x6f: {  	_ =	sdelay $0x1  }
0x70: {  	v10 =	vld [tilespmem:$0xE180]  }
0x71: {  	v8 =	vld [tilespmem:$0x12180];
	s25 =	sshll.u32 s31, $0x2  }
0x72: {  	s0 =	sshra.s32 s25, $0x2  }
0x73: {  	s0 =	sand.u32 $0xFFFFFFF0, s0  }
0x74: {  	s0 =	sadd.s32 $0x9340, s0  }
0x75: {  	[tilespmem:s0+$0xFFFF7180] =	vst v1  }
0x76: {  	s1 =	sand.u32 $0xFFFFFFF0, s24;
	[tilespmem:s0+$0xFFFF6CC0] =	vst v1  }
0x77: {  	[tilespmem:s1+$0x980] =	vst v1  }
0x78: {  	[tilespmem:s0+$0xFFFF7B00] =	vst v1  }
0x79: {  	[tilespmem:s1+$0x1300] =	vst v1  }
0x7a: {  	[tilespmem:s0+$0xFFFF8480] =	vst v1  }
0x7b: {  	[tilespmem:s1+$0x1C80] =	vst v1  }
0x7c: {  	[tilespmem:s0+$0xFFFF8E00] =	vst v1  }
0x7d: {  	[tilespmem:s1+$0x2600] =	vst v1  }
0x7e: {  	[tilespmem:s0+$0xFFFF9780] =	vst v1  }
0x7f: {  	[tilespmem:s1+$0x2F80] =	vst v1  }
0x80: {  	[tilespmem:s0+$0xFFFFA100] =	vst v1  }
0x81: {  	[tilespmem:s1+$0x3900] =	vst v1  }
0x82: {  	[tilespmem:s0+$0xFFFFAA80] =	vst v1  }
0x83: {  	[tilespmem:s1+$0x4280] =	vst v1  }
0x84: {  	[tilespmem:s0+$0xFFFFB400] =	vst v1  }
0x85: {  	[tilespmem:s1+$0x4C00] =	vst v1  }
0x86: {  	[tilespmem:s0+$0xFFFFBD80] =	vst v1  }
0x87: {  	[tilespmem:s1+$0x5580] =	vst v1  }
0x88: {  	[tilespmem:s0+$0xFFFFC700] =	vst v1  }
0x89: {  	[tilespmem:s1+$0x5F00] =	vst v1  }
0x8a: {  	[tilespmem:s0+$0xFFFFD080] =	vst v1  }
0x8b: {  	[tilespmem:s1+$0x6880] =	vst v1  }
0x8c: {  	[tilespmem:s0+$0xFFFFDA00] =	vst v1  }
0x8d: {  	p0 =	sne.s32 s19, $0x1;
	[tilespmem:s1+$0x7200] =	vst v1  }
.Ltmp10:
0x8e: {  	[tilespmem:s0+$0xFFFFE380] =	vst v1;
	(pc) =	sbr.rel @!p0 .LBB2_18-.Ltmp10, $4  }
0x8f: {  	[tilespmem:s1+$0x7B80] =	vst v1  }
0x90: {  	[tilespmem:s0+$0xFFFFED00] =	vst v1  }
0x91: {  	[tilespmem:s1+$0x8500] =	vst v1  }
0x92: {  	s19 =	sadd.s32 $0xFFFFFFFF, s19;
	s20 =	smov.u32 s24;
	[tilespmem:s0+$0xFFFFF680] =	vst v1  }
.LBB2_17:
0x93: {  	p0 =	sne.s32 s19, $0x1;
	[tilespmem:s1+$0x8E80] =	vst v1  }
0x94: {  	[tilespmem:s0+$0x0] =	vst v1;
	s0 =	sadd.s32 $0x10, s0  }
0x95: {  	s20 =	sadd.s32 $0x10, s20;
	[tilespmem:s0+$0xFFFF7180] =	vst v1  }
0x96: {  	s1 =	sand.u32 $0xFFFFFFF0, s20;
	[tilespmem:s0+$0xFFFF6CC0] =	vst v1  }
0x97: {  	[tilespmem:s1+$0x980] =	vst v1  }
0x98: {  	[tilespmem:s0+$0xFFFF7B00] =	vst v1  }
0x99: {  	[tilespmem:s1+$0x1300] =	vst v1  }
0x9a: {  	[tilespmem:s0+$0xFFFF8480] =	vst v1  }
0x9b: {  	[tilespmem:s1+$0x1C80] =	vst v1  }
0x9c: {  	[tilespmem:s0+$0xFFFF8E00] =	vst v1  }
0x9d: {  	[tilespmem:s1+$0x2600] =	vst v1  }
0x9e: {  	[tilespmem:s0+$0xFFFF9780] =	vst v1  }
0x9f: {  	[tilespmem:s1+$0x2F80] =	vst v1  }
0xa0: {  	[tilespmem:s0+$0xFFFFA100] =	vst v1  }
0xa1: {  	[tilespmem:s1+$0x3900] =	vst v1  }
0xa2: {  	[tilespmem:s0+$0xFFFFAA80] =	vst v1  }
0xa3: {  	[tilespmem:s1+$0x4280] =	vst v1  }
0xa4: {  	[tilespmem:s0+$0xFFFFB400] =	vst v1  }
0xa5: {  	[tilespmem:s1+$0x4C00] =	vst v1  }
0xa6: {  	[tilespmem:s0+$0xFFFFBD80] =	vst v1  }
0xa7: {  	[tilespmem:s1+$0x5580] =	vst v1  }
0xa8: {  	[tilespmem:s0+$0xFFFFC700] =	vst v1  }
0xa9: {  	[tilespmem:s1+$0x5F00] =	vst v1  }
0xaa: {  	[tilespmem:s0+$0xFFFFD080] =	vst v1  }
0xab: {  	[tilespmem:s1+$0x6880] =	vst v1  }
0xac: {  	[tilespmem:s0+$0xFFFFDA00] =	vst v1  }
0xad: {  	[tilespmem:s1+$0x7200] =	vst v1  }
.Ltmp11:
0xae: {  	[tilespmem:s0+$0xFFFFE380] =	vst v1;
	(pc) =	sbr.rel @p0 .LBB2_17-.Ltmp11, $4  }
0xaf: {  	[tilespmem:s1+$0x7B80] =	vst v1  }
0xb0: {  	[tilespmem:s0+$0xFFFFED00] =	vst v1  }
0xb1: {  	[tilespmem:s1+$0x8500] =	vst v1  }
0xb2: {  	s19 =	sadd.s32 $0xFFFFFFFF, s19;
	[tilespmem:s0+$0xFFFFF680] =	vst v1  }
.LBB2_18:
0xb3: {  	[tilespmem:s1+$0x8E80] =	vst v1  }
0xb4: {  	[tilespmem:s0+$0x0] =	vst v1  }
.LBB2_19:
0xb5: {  	s0 =	simm.s32 $0x12280  }
0xb6: {  	s28 =	simm.s32 $0xA280;
	v24 =	vld [tilespmem:s0+$0xFFFFFF30]  }
0xb7: {  	v12 =	vld [tilespmem:s28+$0xFFFFFF40]  }
0xb8: {  	v13 =	vld [tilespmem:s28+$0xFFFFFF30]  }
0xb9: {  	s29 =	simm.s32 $0xE280;
	v7 =	vld [tilespmem:s28+$0xFFFFFF60]  }
0xba: {  	v14 =	vld [tilespmem:s29+$0xFFFFFF20]  }
0xbb: {  	v11 =	vld [tilespmem:s28+$0xFFFFFF20]  }
0xbc: {  	v16 =	vld [tilespmem:s29+$0xFFFFFF10]  }
0xbd: {  	v19 =	vld [tilespmem:s0+$0xFFFFFF10]  }
0xbe: {  	v18 =	vld [tilespmem:s28+$0xFFFFFF10]  }
0xbf: {  	v26 =	vadd.s32 v0, v3;
	v29 =	vadd.s32 v2, v3;
	v23 =	vld [tilespmem:s28+$0xFFFFFF50]  }
0xc0: {  	v28 =	vld [tilespmem:s0+$0xFFFFFF20];
	v4 =	vadd.s32 v2, v12;
	v5 =	vadd.s32 v2, v7;
	v9 =	vadd.s32 v2, v13  }
0xc1: {  	v31 =	vld [tilespmem:s29+$0xFFFFFF40];
	v6 =	vadd.s32 v0, v7;
	v17 =	vmax.f32 v10, v16;
	v30 =	vadd.s32 v0, v11  }
0xc2: {  	v25 =	vld [tilespmem:s29+$0xFFFFFF30];
	v21 =	vmax.f32 v8, v19;
	vm5 =	vne.s32 v13, v11;
	v32 =	vadd.s32 v2, v11  }
0xc3: {  	v20 =	vld [tilespmem:s0+$0xFFFFFF40];
	vm6 =	vne.s32 v18, v3;
	vm4 =	vne.s32 v11, v18;
	v15 =	vadd.s32 v2, v18  }
0xc4: {  	v18 =	vadd.s32 v0, v18;
	vm1 =	vne.s32 v12, v13;
	v11 =	vld [tilespmem:s28+$0xFFFFFF70];
	v17 =	vsel vm6, v16, v17  }
0xc5: {  	v3 =	vld [tilespmem:s28+$0x0];
	vm0 =	vne.s32 v23, v12;
	vm3 =	vne.s32 v7, v23;
	v22 =	vmax.f32 v17, v14  }
0xc6: {  	v34 =	vld [tilespmem:s29+$0xFFFFFF50];
	v12 =	vadd.s32 v0, v12;
	v16 =	vadd.s32 v0, v13;
	v33 =	vsel vm4, v14, v22  }
0xc7: {  	v27 =	vld [tilespmem:s29+$0xFFFFFF60];
	v14 =	vadd.s32 v2, v23;
	v22 =	vsel vm6, v19, v21;
	v19 =	vmax.f32 v33, v25  }
0xc8: {  	v13 =	vld [tilespmem:s0+$0xFFFFFF70];
	v35 =	vmax.f32 v22, v28;
	v21 =	vsel vm5, v25, v19;
	v25 =	vadd.s32 v0, v23  }
0xc9: {  	v35 =	vsel vm4, v28, v35;
	v23 =	vld [tilespmem:s29+$0xFFFFFF70];
	v19 =	vadd.s32 v0, v11;
	v28 =	vmax.f32 v21, v31  }
0xca: {  	vm2 =	vne.s32 v3, v11;
	[tilespmem:v26+s2+$0x0] =	vst.idx.msk vm6, v10;
	v10 =	vsel vm1, v31, v28;
	v28 =	vld [tilespmem:s0+$0xFFFFFF50]  }
0xcb: {  	v26 =	vld [tilespmem:s0+$0xFFFFFF60];
	[tilespmem:v29+s2+$0x0] =	vst.idx.msk vm6, v8;
	v8 =	vmax.f32 v35, v24;
	v31 =	vmax.f32 v10, v34  }
0xcc: {  	s19 =	simm.s32 $0x1;
	s30 =	simm.s32 $0xE190;
	s31 =	simm.s32 $0x12190;
	[tilespmem:v30+s2+$0x0] =	vst.idx.msk vm5, v33;
	v29 =	vsel vm5, v24, v8;
	v24 =	vld [tilespmem:s29+$0x0];
	v30 =	vsel vm0, v34, v31  }
0xcd: {  	s20 =	simm.s32 $0x12380;
	s1 =	simm.s32 $0x3F20;
	[tilespmem:v32+s2+$0x0] =	vst.idx.msk vm5, v35;
	v8 =	vld [tilespmem:s0+$0x0];
	s0 =	simm.s32 $0xA190;
	v32 =	vmax.f32 v29, v20;
	v31 =	vmax.f32 v30, v27  }
.LBB2_20:
0xce: {  	v33 =	vld [tilespmem:s20+$0xFFFFFF30];
	s19 =	sadd.s32 $0x8, s19;
	[tilespmem:v18+s2+$0x0] =	vst.idx.msk vm4, v17;
	v17 =	vsel vm1, v20, v32;
	v18 =	vsel vm3, v27, v31;
	s29 =	sadd.s32 $0x100, s29;
	s28 =	sadd.s32 $0x100, s28  }
0xcf: {  	v27 =	vld [tilespmem:s28+$0xFFFFFF40];
	p0 =	slt.u32 s19, $0x1F1;
	[tilespmem:v15+s2+$0x0] =	vst.idx.msk vm4, v22;
	v15 =	vmax.f32 v17, v28;
	v20 =	vmax.f32 v18, v23  }
0xd0: {  	vm4 =	vne.s32 v11, v7;
	v22 =	vld [tilespmem:s28+$0xFFFFFF30];
	v15 =	vsel vm0, v28, v15;
	[tilespmem:v25+s2+$0x0] =	vst.idx.msk vm3, v30  }
0xd1: {  	v20 =	vsel vm4, v23, v20;
	v7 =	vld [tilespmem:s28+$0xFFFFFF60];
	[tilespmem:v16+s2+$0x0] =	vst.idx.msk vm1, v21;
	v16 =	vmax.f32 v15, v26  }
0xd2: {  	v21 =	vld [tilespmem:s29+$0xFFFFFF20];
	[tilespmem:v9+s2+$0x0] =	vst.idx.msk vm1, v29;
	v16 =	vsel vm3, v26, v16;
	v9 =	vmax.f32 v20, v24  }
0xd3: {  	v23 =	vld [tilespmem:s28+$0xFFFFFF20];
	[tilespmem:v14+s2+$0x0] =	vst.idx.msk vm3, v15;
	v14 =	vmax.f32 v16, v13;
	v24 =	vsel vm2, v24, v9  }
0xd4: {  	v11 =	vadd.s32 v2, v11;
	v25 =	vld [tilespmem:s29+$0xFFFFFF10];
	v13 =	vsel vm4, v13, v14;
	[tilespmem:v19+s2+$0x0] =	vst.idx.msk vm2, v20  }
0xd5: {  	v14 =	vadd.s32 v2, v27;
	v19 =	vld [tilespmem:s20+$0xFFFFFF10];
	[tilespmem:v12+s2+$0x0] =	vst.idx.msk vm0, v10;
	v9 =	vmax.f32 v13, v8  }
0xd6: {  	v10 =	vld [tilespmem:s28+$0xFFFFFF10];
	v12 =	vadd.s32 v2, v7;
	[tilespmem:v6+s2+$0x0] =	vst.idx.msk vm4, v18;
	v8 =	vsel vm2, v8, v9  }
0xd7: {  	v9 =	vadd.s32 v2, v22;
	v6 =	vadd.s32 v0, v7;
	v26 =	vld [tilespmem:s28+$0xFFFFFF50];
	[tilespmem:v5+s2+$0x0] =	vst.idx.msk vm4, v16;
	v5 =	vmov v12  }
0xd8: {  	v28 =	vadd.s32 v0, v3;
	v29 =	vadd.s32 v2, v3;
	v30 =	vld [tilespmem:s20+$0xFFFFFF20];
	[tilespmem:v4+s2+$0x0] =	vst.idx.msk vm0, v17;
	v4 =	vmov v14  }
0xd9: {  	v31 =	vadd.s32 v0, v23;
	v12 =	vmax.f32 v24, v25;
	v32 =	vld [tilespmem:s29+$0xFFFFFF40];
	[tilespmem:v11+s2+$0x0] =	vst.idx.msk vm2, v13  }
0xda: {  	vm5 =	vne.s32 v22, v23;
	v35 =	vadd.s32 v2, v23;
	v13 =	vmax.f32 v8, v19;
	v34 =	vld [tilespmem:s29+$0xFFFFFF30]  }
0xdb: {  	vm6 =	vne.s32 v10, v3;
	vm4 =	vne.s32 v23, v10;
	v15 =	vadd.s32 v2, v10;
	v3 =	vld [tilespmem:s28+$0x0]  }
0xdc: {  	vm1 =	vne.s32 v27, v22;
	v18 =	vadd.s32 v0, v10;
	v17 =	vsel vm6, v25, v12;
	v11 =	vld [tilespmem:s28+$0xFFFFFF70]  }
0xdd: {  	v16 =	vadd.s32 v0, v22;
	vm0 =	vne.s32 v26, v27;
	v10 =	vmax.f32 v17, v21;
	v20 =	vld [tilespmem:s20+$0xFFFFFF40]  }
0xde: {  	vm3 =	vne.s32 v7, v26;
	v14 =	vadd.s32 v2, v26;
	v36 =	vsel vm4, v21, v10;
	v37 =	vld [tilespmem:s29+$0xFFFFFF50]  }
0xdf: {  	v22 =	vsel vm6, v19, v13;
	v12 =	vadd.s32 v0, v27;
	v10 =	vmax.f32 v36, v34;
	v13 =	vld [tilespmem:s20+$0xFFFFFF70]  }
0xe0: {  	v25 =	vadd.s32 v0, v26;
	v19 =	vmax.f32 v22, v30;
	v21 =	vsel vm5, v34, v10;
	v27 =	vld [tilespmem:s29+$0xFFFFFF60]  }
.Ltmp12:
0xe1: {  	v34 =	vsel vm4, v30, v19;
	v10 =	vmax.f32 v21, v32;
	v23 =	vld [tilespmem:s29+$0xFFFFFF70];
	v19 =	vadd.s32 v0, v11;
	(pc) =	sbr.rel @p0 .LBB2_20-.Ltmp12, $4  }
0xe2: {  	vm2 =	vne.s32 v3, v11;
	[tilespmem:v28+s2+$0x0] =	vst.idx.msk vm6, v24;
	v10 =	vsel vm1, v32, v10;
	v28 =	vld [tilespmem:s20+$0xFFFFFF50]  }
0xe3: {  	[tilespmem:v29+s2+$0x0] =	vst.idx.msk vm6, v8;
	v8 =	vmax.f32 v34, v33;
	v24 =	vmax.f32 v10, v37;
	v26 =	vld [tilespmem:s20+$0xFFFFFF60]  }
0xe4: {  	[tilespmem:v31+s2+$0x0] =	vst.idx.msk vm5, v36;
	v29 =	vsel vm5, v33, v8;
	v30 =	vsel vm0, v37, v24;
	v24 =	vld [tilespmem:s29+$0x0]  }
0xe5: {  	[tilespmem:v35+s2+$0x0] =	vst.idx.msk vm5, v34;
	v32 =	vmax.f32 v29, v20;
	v31 =	vmax.f32 v30, v27;
	v8 =	vld [tilespmem:s20+$0x0];
	s20 =	sadd.s32 $0x100, s20  }
0xe6: {  	_ =	sdelay $0x4  }
0xe7: {  	[tilespmem:v18+s2+$0x0] =	vst.idx.msk vm4, v17  }
0xe8: {  	[tilespmem:v25+s2+$0x0] =	vst.idx.msk vm3, v30  }
0xe9: {  	[tilespmem:v16+s2+$0x0] =	vst.idx.msk vm1, v21  }
0xea: {  	v57 =	vsel vm1, v20, v32;
	vm15 =	vne.s32 v11, v7;
	[tilespmem:v12+s2+$0x0] =	vst.idx.msk vm0, v10  }
0xeb: {  	v7 =	vsel vm3, v27, v31;
	[tilespmem:v15+s2+$0x0] =	vst.idx.msk vm4, v22;
	v58 =	vmax.f32 v57, v28  }
0xec: {  	v62 =	vadd.s32 v2, v11;
	[tilespmem:v9+s2+$0x0] =	vst.idx.msk vm1, v29;
	v17 =	vsel vm0, v28, v58  }
0xed: {  	v59 =	vmax.f32 v7, v23;
	[tilespmem:v4+s2+$0x0] =	vst.idx.msk vm0, v57;
	v61 =	vmax.f32 v17, v26  }
0xee: {  	v60 =	vsel vm15, v23, v59;
	[tilespmem:v14+s2+$0x0] =	vst.idx.msk vm3, v17;
	v14 =	vsel vm3, v26, v61  }
0xef: {  	[tilespmem:v19+s2+$0x0] =	vst.idx.msk vm2, v60;
	v63 =	vmax.f32 v14, v13  }
0xf0: {  	[tilespmem:v6+s2+$0x0] =	vst.idx.msk vm15, v7;
	v6 =	vsel vm15, v13, v63  }
0xf1: {  	[tilespmem:v5+s2+$0x0] =	vst.idx.msk vm15, v14;
	v5 =	vmax.f32 v60, v24;
	v7 =	vmax.f32 v6, v8  }
0xf2: {  	[tilespmem:v62+s2+$0x0] =	vst.idx.msk vm2, v6;
	v5 =	vsel vm2, v24, v5;
	v4 =	vsel vm2, v8, v7  }
.LBB2_22:
0xf3: {  	s19 =	sand.u32 $0x3FFFFF00, s1  }
0xf4: {  	s20 =	sadd.s32 s19, s0  }
0xf5: {  	v6 =	vmov v3;
	v3 =	vld [tilespmem:s20+$0x0];
	_ =	sdelay $0x4  }
0xf6: {  	s29 =	sadd.s32 s19, s30;
	vm0 =	vne.s32 v3, v6  }
0xf7: {  	s19 =	sadd.s32 s19, s31;
	v8 =	vadd.s32 v0, v6;
	v7 =	vld [tilespmem:s29+$0x0]  }
0xf8: {  	v9 =	vld [tilespmem:s19+$0x0];
	v6 =	vadd.s32 v2, v6  }
0xf9: {  	p0 =	sne.s32 s1, $0x3FE0  }
.Ltmp13:
0xfa: {  	_ = 	snop;
	(pc) =	sbr.rel @p0 .LBB2_22-.Ltmp13, $4  }
0xfb: {  	_ = 	snop  }
0xfc: {  	[tilespmem:v8+s2+$0x0] =	vst.idx.msk vm0, v5  }
0xfd: {  	s1 =	sadd.s32 $0x20, s1;
	v5 =	vmax.f32 v5, v7;
	[tilespmem:v6+s2+$0x0] =	vst.idx.msk vm0, v4;
	v4 =	vmax.f32 v4, v9  }
0xfe: {  	s0 =	sadd.s32 $0x10, s0;
	s30 =	sadd.s32 $0x10, s30;
	s31 =	sadd.s32 $0x10, s31;
	v5 =	vsel vm0, v7, v5;
	v4 =	vsel vm0, v9, v4  }
0xff: {  	s0 =	simm.s32 $0xA180  }
0x100: {  	s1 =	simm.s32 $0x10;
	s20 =	sadd.s32 $0x0, s9;
	s19 =	simm.s32 $0xA280  }
.LBB2_24:
0x101: {  	[tilespmem:s0], [sflag:$0x1] =	stream.linear.gather [hbm4b:s20+s2], $0x80, $0x38;
	[tilespmem:$0x16180] =	vst v63  }
0x102: {  	s20 =	smov.u32 s1;
	s0 =	smov.u32 s19;
	p0 =	sne.s32 s1, $0x3F0  }
.Ltmp14:
0x103: {  	s1 =	sadd.s32 $0x10, s1;
	(pc) =	sbr.rel @p0 .LBB2_24-.Ltmp14, $2  }
0x104: {  	_ =	sdelay $0x2  }
0x105: {  	s19 =	sadd.s32 $0x100, s19;
	s20 =	sadd.s32 s20, s9  }
0x106: {  	[tilespmem:s0], [sflag:$0x1] =	stream.linear.gather [hbm4b:s20+s2], $0x80, $0x38;
	[tilespmem:$0x16180] =	vst v63  }
0x107: {  	s0 =	simm.s32 $0xE180  }
0x108: {  	s1 =	simm.s32 $0x10;
	s20 =	sadd.s32 $0x0, s10;
	s19 =	simm.s32 $0xE280  }
.LBB2_26:
0x109: {  	[tilespmem:s0], [sflag:$0x1] =	stream.linear.gather [hbm4b:s20+s2], $0x80, $0x38;
	[tilespmem:$0x16180] =	vst v63  }
0x10a: {  	s20 =	smov.u32 s1;
	s0 =	smov.u32 s19;
	p0 =	sne.s32 s1, $0x3F0  }
.Ltmp15:
0x10b: {  	s1 =	sadd.s32 $0x10, s1;
	(pc) =	sbr.rel @p0 .LBB2_26-.Ltmp15, $2  }
0x10c: {  	_ =	sdelay $0x2  }
0x10d: {  	s19 =	sadd.s32 $0x100, s19;
	s20 =	sadd.s32 s20, s10  }
0x10e: {  	[tilespmem:s0], [sflag:$0x1] =	stream.linear.gather [hbm4b:s20+s2], $0x80, $0x38;
	[tilespmem:$0x16180] =	vst v63  }
0x10f: {  	s0 =	simm.s32 $0x12180  }
0x110: {  	s1 =	simm.s32 $0x10;
	s20 =	sadd.s32 $0x0, s11;
	s19 =	simm.s32 $0x12280  }
.LBB2_28:
0x111: {  	[tilespmem:s0], [sflag:$0x1] =	stream.linear.gather [hbm4b:s20+s2], $0x80, $0x38;
	[tilespmem:$0x16180] =	vst v63  }
0x112: {  	s20 =	smov.u32 s1;
	s0 =	smov.u32 s19;
	p0 =	sne.s32 s1, $0x3F0  }
.Ltmp16:
0x113: {  	s1 =	sadd.s32 $0x10, s1;
	(pc) =	sbr.rel @p0 .LBB2_28-.Ltmp16, $2  }
0x114: {  	_ =	sdelay $0x2  }
0x115: {  	s19 =	sadd.s32 $0x100, s19;
	s20 =	sadd.s32 s20, s11  }
0x116: {  	[tilespmem:s0], [sflag:$0x1] =	stream.linear.gather [hbm4b:s20+s2], $0x80, $0x38;
	[tilespmem:$0x16180] =	vst v63  }
0x117: {  	_ =	swait.ge [sflag:s18], $0x2000  }
0x118: {  	[sflag:s18] =	ssyncset.done $0x0  }
0x119: {  	[sflag:s18] =	ssyncadd.s32 $0xFFFFE000  }
0x11a: {  	_ =	swait.ge [sflag:s18], $0x2000  }
0x11b: {  	[sflag:s18] =	ssyncset.done $0x0  }
0x11c: {  	[sflag:s18] =	ssyncadd.s32 $0xFFFFE000  }
0x11d: {  	_ =	swait.ge [sflag:s18], $0x2000  }
0x11e: {  	[sflag:s18] =	ssyncset.done $0x0  }
0x11f: {  	[sflag:s18] =	ssyncadd.s32 $0xFFFFE000  }
0x120: {  	v6 =	vld [tilespmem:$0xE170];
	_ =	sdelay $0x4  }
0x121: {  	(v2sf) =	vpush v6, $0xF;
	_ =	sdelay $0xe  }
0x122: {  	s28 =	spop (v2sf)  }
0x123: {  	s31 =	ssub.s32 s28, s26  }
0x124: {  	s0 =	sadd.s32 $0xF, s31  }
0x125: {  	s19 =	sshra.s32 s0, $0x4  }
0x126: {  	p0 =	slt.s32 s19, $0x1  }
.Ltmp17:
0x127: {  	_ = 	snop;
	(pc) =	sbr.rel @p0 .LBB2_33-.Ltmp17, $1  }
0x128: {  	_ =	sdelay $0x3  }
0x129: {  	s0 =	sshll.u32 s26, $0x2  }
0x12a: {  	s0 =	sshra.s32 s0, $0x2  }
0x12b: {  	s0 =	sadd.s32 $0x9341, s0  }
0x12c: {  	[tilespmem:s0+$0xFFFF7180] =	vst v1  }
0x12d: {  	s1 =	sadd.s32 $0x1, s26;
	[tilespmem:s0+$0xFFFF6CC0] =	vst v1  }
0x12e: {  	[tilespmem:s1+$0x980] =	vst v1  }
0x12f: {  	[tilespmem:s0+$0xFFFF7B00] =	vst v1  }
0x130: {  	[tilespmem:s1+$0x1300] =	vst v1  }
0x131: {  	[tilespmem:s0+$0xFFFF8480] =	vst v1  }
0x132: {  	[tilespmem:s1+$0x1C80] =	vst v1  }
0x133: {  	[tilespmem:s0+$0xFFFF8E00] =	vst v1  }
0x134: {  	[tilespmem:s1+$0x2600] =	vst v1  }
0x135: {  	[tilespmem:s0+$0xFFFF9780] =	vst v1  }
0x136: {  	[tilespmem:s1+$0x2F80] =	vst v1  }
0x137: {  	[tilespmem:s0+$0xFFFFA100] =	vst v1  }
0x138: {  	[tilespmem:s1+$0x3900] =	vst v1  }
0x139: {  	[tilespmem:s0+$0xFFFFAA80] =	vst v1  }
0x13a: {  	[tilespmem:s1+$0x4280] =	vst v1  }
0x13b: {  	[tilespmem:s0+$0xFFFFB400] =	vst v1  }
0x13c: {  	[tilespmem:s1+$0x4C00] =	vst v1  }
0x13d: {  	[tilespmem:s0+$0xFFFFBD80] =	vst v1  }
0x13e: {  	[tilespmem:s1+$0x5580] =	vst v1  }
0x13f: {  	[tilespmem:s0+$0xFFFFC700] =	vst v1  }
0x140: {  	[tilespmem:s1+$0x5F00] =	vst v1  }
0x141: {  	[tilespmem:s0+$0xFFFFD080] =	vst v1  }
0x142: {  	[tilespmem:s1+$0x6880] =	vst v1  }
0x143: {  	[tilespmem:s0+$0xFFFFDA00] =	vst v1  }
0x144: {  	[tilespmem:s1+$0x7200] =	vst v1  }
0x145: {  	p0 =	sne.s32 s19, $0x1;
	[tilespmem:s0+$0xFFFFE380] =	vst v1  }
.Ltmp18:
0x146: {  	[tilespmem:s1+$0x7B80] =	vst v1;
	(pc) =	sbr.rel @!p0 .LBB2_32-.Ltmp18, $4  }
0x147: {  	[tilespmem:s0+$0xFFFFED00] =	vst v1  }
0x148: {  	[tilespmem:s1+$0x8500] =	vst v1  }
0x149: {  	[tilespmem:s0+$0xFFFFF680] =	vst v1  }
0x14a: {  	s19 =	sadd.s32 $0xFFFFFFFF, s19;
	[tilespmem:s1+$0x8E80] =	vst v1  }
.LBB2_31:
0x14b: {  	p0 =	sne.s32 s19, $0x1;
	[tilespmem:s0+$0x0] =	vst v1;
	s0 =	sadd.s32 $0x10, s0  }
0x14c: {  	[tilespmem:s0+$0xFFFF7180] =	vst v1  }
0x14d: {  	s1 =	sadd.s32 $0x10, s1;
	[tilespmem:s0+$0xFFFF6CC0] =	vst v1  }
0x14e: {  	[tilespmem:s1+$0x980] =	vst v1  }
0x14f: {  	[tilespmem:s0+$0xFFFF7B00] =	vst v1  }
0x150: {  	[tilespmem:s1+$0x1300] =	vst v1  }
0x151: {  	[tilespmem:s0+$0xFFFF8480] =	vst v1  }
0x152: {  	[tilespmem:s1+$0x1C80] =	vst v1  }
0x153: {  	[tilespmem:s0+$0xFFFF8E00] =	vst v1  }
0x154: {  	[tilespmem:s1+$0x2600] =	vst v1  }
0x155: {  	[tilespmem:s0+$0xFFFF9780] =	vst v1  }
0x156: {  	[tilespmem:s1+$0x2F80] =	vst v1  }
0x157: {  	[tilespmem:s0+$0xFFFFA100] =	vst v1  }
0x158: {  	[tilespmem:s1+$0x3900] =	vst v1  }
0x159: {  	[tilespmem:s0+$0xFFFFAA80] =	vst v1  }
0x15a: {  	[tilespmem:s1+$0x4280] =	vst v1  }
0x15b: {  	[tilespmem:s0+$0xFFFFB400] =	vst v1  }
0x15c: {  	[tilespmem:s1+$0x4C00] =	vst v1  }
0x15d: {  	[tilespmem:s0+$0xFFFFBD80] =	vst v1  }
0x15e: {  	[tilespmem:s1+$0x5580] =	vst v1  }
0x15f: {  	[tilespmem:s0+$0xFFFFC700] =	vst v1  }
0x160: {  	[tilespmem:s1+$0x5F00] =	vst v1  }
0x161: {  	[tilespmem:s0+$0xFFFFD080] =	vst v1  }
0x162: {  	[tilespmem:s1+$0x6880] =	vst v1  }
0x163: {  	[tilespmem:s0+$0xFFFFDA00] =	vst v1  }
0x164: {  	[tilespmem:s1+$0x7200] =	vst v1  }
0x165: {  	[tilespmem:s0+$0xFFFFE380] =	vst v1  }
.Ltmp19:
0x166: {  	[tilespmem:s1+$0x7B80] =	vst v1;
	(pc) =	sbr.rel @p0 .LBB2_31-.Ltmp19, $4  }
0x167: {  	[tilespmem:s0+$0xFFFFED00] =	vst v1  }
0x168: {  	[tilespmem:s1+$0x8500] =	vst v1  }
0x169: {  	[tilespmem:s0+$0xFFFFF680] =	vst v1  }
0x16a: {  	s19 =	sadd.s32 $0xFFFFFFFF, s19;
	[tilespmem:s1+$0x8E80] =	vst v1  }
.LBB2_32:
0x16b: {  	[tilespmem:s0+$0x0] =	vst v1  }
.LBB2_33:
0x16c: {  	s1 =	simm.s32 $0x12270  }
0x16d: {  	s26 =	simm.s32 $0xA270;
	v24 =	vld [tilespmem:s1+$0xFFFFFFB0]  }
0x16e: {  	v12 =	vld [tilespmem:s26+$0xFFFFFFC0]  }
0x16f: {  	v13 =	vld [tilespmem:s26+$0xFFFFFFB0]  }
0x170: {  	s29 =	simm.s32 $0xE270;
	v9 =	vld [tilespmem:s26+$0xFFFFFFE0]  }
0x171: {  	v14 =	vld [tilespmem:s29+$0xFFFFFFA0]  }
0x172: {  	v11 =	vld [tilespmem:s26+$0xFFFFFFA0]  }
0x173: {  	v16 =	vld [tilespmem:s29+$0xFFFFFF90]  }
0x174: {  	v19 =	vld [tilespmem:s1+$0xFFFFFF90]  }
0x175: {  	v18 =	vld [tilespmem:s26+$0xFFFFFF90]  }
0x176: {  	v26 =	vadd.s32 v0, v3;
	v29 =	vadd.s32 v2, v3;
	v23 =	vld [tilespmem:s26+$0xFFFFFFD0]  }
0x177: {  	v28 =	vld [tilespmem:s1+$0xFFFFFFA0];
	v6 =	vadd.s32 v2, v12;
	v7 =	vadd.s32 v2, v9;
	v10 =	vadd.s32 v2, v13  }
0x178: {  	v31 =	vld [tilespmem:s29+$0xFFFFFFC0];
	v8 =	vadd.s32 v0, v9;
	v17 =	vmax.f32 v5, v16;
	v30 =	vadd.s32 v0, v11  }
0x179: {  	v25 =	vld [tilespmem:s29+$0xFFFFFFB0];
	v21 =	vmax.f32 v4, v19;
	vm5 =	vne.s32 v13, v11;
	v32 =	vadd.s32 v2, v11  }
0x17a: {  	v20 =	vld [tilespmem:s1+$0xFFFFFFC0];
	vm6 =	vne.s32 v18, v3;
	vm4 =	vne.s32 v11, v18;
	v15 =	vadd.s32 v2, v18  }
0x17b: {  	v18 =	vadd.s32 v0, v18;
	vm2 =	vne.s32 v12, v13;
	v11 =	vld [tilespmem:s26+$0xFFFFFFF0];
	v17 =	vsel vm6, v16, v17  }
0x17c: {  	v3 =	vld [tilespmem:s26+$0x0];
	vm0 =	vne.s32 v23, v12;
	vm3 =	vne.s32 v9, v23;
	v22 =	vmax.f32 v17, v14  }
0x17d: {  	v34 =	vld [tilespmem:s29+$0xFFFFFFD0];
	v12 =	vadd.s32 v0, v12;
	v16 =	vadd.s32 v0, v13;
	v33 =	vsel vm4, v14, v22  }
0x17e: {  	v27 =	vld [tilespmem:s29+$0xFFFFFFE0];
	v14 =	vadd.s32 v2, v23;
	v22 =	vsel vm6, v19, v21;
	v19 =	vmax.f32 v33, v25  }
0x17f: {  	v13 =	vld [tilespmem:s1+$0xFFFFFFF0];
	v35 =	vmax.f32 v22, v28;
	v21 =	vsel vm5, v25, v19;
	v25 =	vadd.s32 v0, v23  }
0x180: {  	v35 =	vsel vm4, v28, v35;
	v23 =	vld [tilespmem:s29+$0xFFFFFFF0];
	v19 =	vadd.s32 v0, v11;
	v28 =	vmax.f32 v21, v31  }
0x181: {  	vm1 =	vne.s32 v3, v11;
	[tilespmem:v26+s2+$0x0] =	vst.idx.msk vm6, v5;
	v5 =	vsel vm2, v31, v28;
	v28 =	vld [tilespmem:s1+$0xFFFFFFD0]  }
0x182: {  	v26 =	vld [tilespmem:s1+$0xFFFFFFE0];
	[tilespmem:v29+s2+$0x0] =	vst.idx.msk vm6, v4;
	v4 =	vmax.f32 v35, v24;
	v31 =	vmax.f32 v5, v34  }
0x183: {  	[tilespmem:v30+s2+$0x0] =	vst.idx.msk vm5, v33;
	v29 =	vsel vm5, v24, v4;
	v24 =	vld [tilespmem:s29+$0x0];
	v30 =	vsel vm0, v34, v31  }
0x184: {  	s0 =	simm.s32 $0x0;
	[tilespmem:v32+s2+$0x0] =	vst.idx.msk vm5, v35;
	v4 =	vld [tilespmem:s1+$0x0];
	s1 =	simm.s32 $0x12370;
	v32 =	vmax.f32 v29, v20;
	v31 =	vmax.f32 v30, v27  }
.LBB2_34:
0x185: {  	v33 =	vld [tilespmem:s1+$0xFFFFFFB0];
	s0 =	sadd.s32 $0x8, s0;
	[tilespmem:v18+s2+$0x0] =	vst.idx.msk vm4, v17;
	v17 =	vsel vm2, v20, v32;
	v18 =	vsel vm3, v27, v31;
	s29 =	sadd.s32 $0x100, s29;
	s26 =	sadd.s32 $0x100, s26  }
0x186: {  	v27 =	vld [tilespmem:s26+$0xFFFFFFC0];
	p0 =	slt.u32 s0, $0x1F8;
	[tilespmem:v15+s2+$0x0] =	vst.idx.msk vm4, v22;
	v15 =	vmax.f32 v17, v28;
	v20 =	vmax.f32 v18, v23  }
0x187: {  	vm4 =	vne.s32 v11, v9;
	v22 =	vld [tilespmem:s26+$0xFFFFFFB0];
	v15 =	vsel vm0, v28, v15;
	[tilespmem:v25+s2+$0x0] =	vst.idx.msk vm3, v30  }
0x188: {  	v20 =	vsel vm4, v23, v20;
	v9 =	vld [tilespmem:s26+$0xFFFFFFE0];
	[tilespmem:v16+s2+$0x0] =	vst.idx.msk vm2, v21;
	v16 =	vmax.f32 v15, v26  }
0x189: {  	v21 =	vld [tilespmem:s29+$0xFFFFFFA0];
	[tilespmem:v10+s2+$0x0] =	vst.idx.msk vm2, v29;
	v16 =	vsel vm3, v26, v16;
	v10 =	vmax.f32 v20, v24  }
0x18a: {  	v23 =	vld [tilespmem:s26+$0xFFFFFFA0];
	[tilespmem:v14+s2+$0x0] =	vst.idx.msk vm3, v15;
	v14 =	vmax.f32 v16, v13;
	v24 =	vsel vm1, v24, v10  }
0x18b: {  	v11 =	vadd.s32 v2, v11;
	v25 =	vld [tilespmem:s29+$0xFFFFFF90];
	v13 =	vsel vm4, v13, v14;
	[tilespmem:v19+s2+$0x0] =	vst.idx.msk vm1, v20  }
0x18c: {  	v14 =	vadd.s32 v2, v27;
	v19 =	vld [tilespmem:s1+$0xFFFFFF90];
	[tilespmem:v12+s2+$0x0] =	vst.idx.msk vm0, v5;
	v5 =	vmax.f32 v13, v4  }
0x18d: {  	v12 =	vld [tilespmem:s26+$0xFFFFFF90];
	v15 =	vadd.s32 v2, v9;
	[tilespmem:v8+s2+$0x0] =	vst.idx.msk vm4, v18;
	v4 =	vsel vm1, v4, v5  }
0x18e: {  	v10 =	vadd.s32 v2, v22;
	v8 =	vadd.s32 v0, v9;
	v5 =	vld [tilespmem:s26+$0xFFFFFFD0];
	[tilespmem:v7+s2+$0x0] =	vst.idx.msk vm4, v16;
	v7 =	vmov v15  }
0x18f: {  	v26 =	vadd.s32 v0, v3;
	v29 =	vadd.s32 v2, v3;
	v28 =	vld [tilespmem:s1+$0xFFFFFFA0];
	[tilespmem:v6+s2+$0x0] =	vst.idx.msk vm0, v17;
	v6 =	vmov v14  }
0x190: {  	v30 =	vadd.s32 v0, v23;
	v14 =	vmax.f32 v24, v25;
	v31 =	vld [tilespmem:s29+$0xFFFFFFC0];
	[tilespmem:v11+s2+$0x0] =	vst.idx.msk vm1, v13  }
0x191: {  	vm5 =	vne.s32 v22, v23;
	v34 =	vadd.s32 v2, v23;
	v13 =	vmax.f32 v4, v19;
	v32 =	vld [tilespmem:s29+$0xFFFFFFB0]  }
0x192: {  	vm6 =	vne.s32 v12, v3;
	vm4 =	vne.s32 v23, v12;
	v15 =	vadd.s32 v2, v12;
	v3 =	vld [tilespmem:s26+$0x0]  }
0x193: {  	vm2 =	vne.s32 v27, v22;
	v18 =	vadd.s32 v0, v12;
	v17 =	vsel vm6, v25, v14;
	v11 =	vld [tilespmem:s26+$0xFFFFFFF0]  }
0x194: {  	v16 =	vadd.s32 v0, v22;
	vm0 =	vne.s32 v5, v27;
	v12 =	vmax.f32 v17, v21;
	v20 =	vld [tilespmem:s1+$0xFFFFFFC0]  }
0x195: {  	vm3 =	vne.s32 v9, v5;
	v14 =	vadd.s32 v2, v5;
	v35 =	vsel vm4, v21, v12;
	v36 =	vld [tilespmem:s29+$0xFFFFFFD0]  }
0x196: {  	v22 =	vsel vm6, v19, v13;
	v12 =	vadd.s32 v0, v27;
	v19 =	vmax.f32 v35, v32;
	v13 =	vld [tilespmem:s1+$0xFFFFFFF0]  }
0x197: {  	v25 =	vadd.s32 v0, v5;
	v23 =	vmax.f32 v22, v28;
	v21 =	vsel vm5, v32, v19;
	v27 =	vld [tilespmem:s29+$0xFFFFFFE0]  }
.Ltmp20:
0x198: {  	v32 =	vsel vm4, v28, v23;
	v5 =	vmax.f32 v21, v31;
	v23 =	vld [tilespmem:s29+$0xFFFFFFF0];
	v19 =	vadd.s32 v0, v11;
	(pc) =	sbr.rel @p0 .LBB2_34-.Ltmp20, $4  }
0x199: {  	vm1 =	vne.s32 v3, v11;
	[tilespmem:v26+s2+$0x0] =	vst.idx.msk vm6, v24;
	v5 =	vsel vm2, v31, v5;
	v28 =	vld [tilespmem:s1+$0xFFFFFFD0]  }
0x19a: {  	[tilespmem:v29+s2+$0x0] =	vst.idx.msk vm6, v4;
	v4 =	vmax.f32 v32, v33;
	v24 =	vmax.f32 v5, v36;
	v26 =	vld [tilespmem:s1+$0xFFFFFFE0]  }
0x19b: {  	[tilespmem:v30+s2+$0x0] =	vst.idx.msk vm5, v35;
	v29 =	vsel vm5, v33, v4;
	v30 =	vsel vm0, v36, v24;
	v24 =	vld [tilespmem:s29+$0x0]  }
0x19c: {  	[tilespmem:v34+s2+$0x0] =	vst.idx.msk vm5, v32;
	v32 =	vmax.f32 v29, v20;
	v31 =	vmax.f32 v30, v27;
	v4 =	vld [tilespmem:s1+$0x0];
	s1 =	sadd.s32 $0x100, s1  }
0x19d: {  	_ =	sdelay $0x4  }
0x19e: {  	[tilespmem:v18+s2+$0x0] =	vst.idx.msk vm4, v17  }
0x19f: {  	[tilespmem:v25+s2+$0x0] =	vst.idx.msk vm3, v30  }
0x1a0: {  	[tilespmem:v16+s2+$0x0] =	vst.idx.msk vm2, v21  }
0x1a1: {  	v56 =	vsel vm2, v20, v32;
	vm15 =	vne.s32 v11, v9;
	[tilespmem:v12+s2+$0x0] =	vst.idx.msk vm0, v5  }
0x1a2: {  	v57 =	vsel vm3, v27, v31;
	[tilespmem:v15+s2+$0x0] =	vst.idx.msk vm4, v22;
	v58 =	vmax.f32 v56, v28  }
0x1a3: {  	v62 =	vadd.s32 v2, v11;
	[tilespmem:v10+s2+$0x0] =	vst.idx.msk vm2, v29;
	v17 =	vsel vm0, v28, v58  }
0x1a4: {  	v59 =	vmax.f32 v57, v23;
	[tilespmem:v6+s2+$0x0] =	vst.idx.msk vm0, v56;
	v61 =	vmax.f32 v17, v26  }
0x1a5: {  	v60 =	vsel vm15, v23, v59;
	[tilespmem:v14+s2+$0x0] =	vst.idx.msk vm3, v17;
	v14 =	vsel vm3, v26, v61  }
0x1a6: {  	[tilespmem:v19+s2+$0x0] =	vst.idx.msk vm1, v60;
	v5 =	vmax.f32 v14, v13  }
0x1a7: {  	[tilespmem:v8+s2+$0x0] =	vst.idx.msk vm15, v57;
	v63 =	vsel vm15, v13, v5  }
0x1a8: {  	s0 =	simm.s32 $0xA200;
	v5 =	vmax.f32 v60, v24;
	[tilespmem:v7+s2+$0x0] =	vst.idx.msk vm15, v14;
	v7 =	vmax.f32 v63, v4  }
0x1a9: {  	s1 =	simm.s32 $0x10;
	s20 =	sadd.s32 $0x0, s12;
	s19 =	simm.s32 $0xA300;
	v5 =	vsel vm1, v24, v5;
	[tilespmem:v62+s2+$0x0] =	vst.idx.msk vm1, v63;
	v4 =	vsel vm1, v4, v7  }
.LBB2_36:
0x1aa: {  	[tilespmem:s0], [sflag:$0x2] =	stream.linear.gather [hbm4b:s20+s2], $0x80, $0x38;
	[tilespmem:$0x16180] =	vst v63  }
0x1ab: {  	s20 =	smov.u32 s1;
	s0 =	smov.u32 s19;
	p0 =	sne.s32 s1, $0x3F0  }
.Ltmp21:
0x1ac: {  	s1 =	sadd.s32 $0x10, s1;
	(pc) =	sbr.rel @p0 .LBB2_36-.Ltmp21, $2  }
0x1ad: {  	_ =	sdelay $0x2  }
0x1ae: {  	s19 =	sadd.s32 $0x100, s19;
	s20 =	sadd.s32 s20, s12  }
0x1af: {  	[tilespmem:s0], [sflag:$0x2] =	stream.linear.gather [hbm4b:s20+s2], $0x80, $0x38;
	[tilespmem:$0x16180] =	vst v63  }
0x1b0: {  	s0 =	simm.s32 $0xE200  }
0x1b1: {  	s1 =	simm.s32 $0x10;
	s20 =	sadd.s32 $0x0, s13;
	s19 =	simm.s32 $0xE300  }
.LBB2_38:
0x1b2: {  	[tilespmem:s0], [sflag:$0x2] =	stream.linear.gather [hbm4b:s20+s2], $0x80, $0x38;
	[tilespmem:$0x16180] =	vst v63  }
0x1b3: {  	s20 =	smov.u32 s1;
	s0 =	smov.u32 s19;
	p0 =	sne.s32 s1, $0x3F0  }
.Ltmp22:
0x1b4: {  	s1 =	sadd.s32 $0x10, s1;
	(pc) =	sbr.rel @p0 .LBB2_38-.Ltmp22, $2  }
0x1b5: {  	_ =	sdelay $0x2  }
0x1b6: {  	s19 =	sadd.s32 $0x100, s19;
	s20 =	sadd.s32 s20, s13  }
0x1b7: {  	[tilespmem:s0], [sflag:$0x2] =	stream.linear.gather [hbm4b:s20+s2], $0x80, $0x38;
	[tilespmem:$0x16180] =	vst v63  }
0x1b8: {  	s0 =	simm.s32 $0x12200  }
0x1b9: {  	s1 =	simm.s32 $0x10;
	s20 =	sadd.s32 $0x0, s14;
	s19 =	simm.s32 $0x12300  }
.LBB2_40:
0x1ba: {  	[tilespmem:s0], [sflag:$0x2] =	stream.linear.gather [hbm4b:s20+s2], $0x80, $0x38;
	[tilespmem:$0x16180] =	vst v63  }
0x1bb: {  	s20 =	smov.u32 s1;
	s0 =	smov.u32 s19;
	p0 =	sne.s32 s1, $0x3F0  }
.Ltmp23:
0x1bc: {  	s1 =	sadd.s32 $0x10, s1;
	(pc) =	sbr.rel @p0 .LBB2_40-.Ltmp23, $2  }
0x1bd: {  	_ =	sdelay $0x2  }
0x1be: {  	s19 =	sadd.s32 $0x100, s19;
	s20 =	sadd.s32 s20, s14  }
0x1bf: {  	[tilespmem:s0], [sflag:$0x2] =	stream.linear.gather [hbm4b:s20+s2], $0x80, $0x38;
	[tilespmem:$0x16180] =	vst v63  }
0x1c0: {  	_ =	swait.ge [sflag:s17], $0x2000  }
0x1c1: {  	[sflag:s17] =	ssyncset.done $0x0  }
0x1c2: {  	[sflag:s17] =	ssyncadd.s32 $0xFFFFE000  }
0x1c3: {  	_ =	swait.ge [sflag:s17], $0x2000  }
0x1c4: {  	[sflag:s17] =	ssyncset.done $0x0  }
0x1c5: {  	[sflag:s17] =	ssyncadd.s32 $0xFFFFE000  }
0x1c6: {  	_ =	swait.ge [sflag:s17], $0x2000  }
0x1c7: {  	[sflag:s17] =	ssyncset.done $0x0  }
0x1c8: {  	[sflag:s17] =	ssyncadd.s32 $0xFFFFE000  }
0x1c9: {  	v6 =	vld [tilespmem:$0xE0F0];
	_ =	sdelay $0x4  }
0x1ca: {  	(v2sf) =	vpush v6, $0xF;
	_ =	sdelay $0xe  }
0x1cb: {  	s29 =	spop (v2sf)  }
0x1cc: {  	s31 =	ssub.s32 s29, s28  }
0x1cd: {  	s0 =	sadd.s32 $0xF, s31  }
0x1ce: {  	s19 =	sshra.s32 s0, $0x4  }
0x1cf: {  	p0 =	slt.s32 s19, $0x1  }
.Ltmp24:
0x1d0: {  	_ = 	snop;
	(pc) =	sbr.rel @p0 .LBB2_45-.Ltmp24, $1  }
0x1d1: {  	_ =	sdelay $0x3  }
0x1d2: {  	s0 =	sshll.u32 s28, $0x2  }
0x1d3: {  	s0 =	sshra.s32 s0, $0x2  }
0x1d4: {  	s0 =	sadd.s32 $0x9341, s0  }
0x1d5: {  	[tilespmem:s0+$0xFFFF7180] =	vst v1  }
0x1d6: {  	s1 =	sadd.s32 $0x1, s28;
	[tilespmem:s0+$0xFFFF6CC0] =	vst v1  }
0x1d7: {  	[tilespmem:s1+$0x980] =	vst v1  }
0x1d8: {  	[tilespmem:s0+$0xFFFF7B00] =	vst v1  }
0x1d9: {  	[tilespmem:s1+$0x1300] =	vst v1  }
0x1da: {  	[tilespmem:s0+$0xFFFF8480] =	vst v1  }
0x1db: {  	[tilespmem:s1+$0x1C80] =	vst v1  }
0x1dc: {  	[tilespmem:s0+$0xFFFF8E00] =	vst v1  }
0x1dd: {  	[tilespmem:s1+$0x2600] =	vst v1  }
0x1de: {  	[tilespmem:s0+$0xFFFF9780] =	vst v1  }
0x1df: {  	[tilespmem:s1+$0x2F80] =	vst v1  }
0x1e0: {  	[tilespmem:s0+$0xFFFFA100] =	vst v1  }
0x1e1: {  	[tilespmem:s1+$0x3900] =	vst v1  }
0x1e2: {  	[tilespmem:s0+$0xFFFFAA80] =	vst v1  }
0x1e3: {  	[tilespmem:s1+$0x4280] =	vst v1  }
0x1e4: {  	[tilespmem:s0+$0xFFFFB400] =	vst v1  }
0x1e5: {  	[tilespmem:s1+$0x4C00] =	vst v1  }
0x1e6: {  	[tilespmem:s0+$0xFFFFBD80] =	vst v1  }
0x1e7: {  	[tilespmem:s1+$0x5580] =	vst v1  }
0x1e8: {  	[tilespmem:s0+$0xFFFFC700] =	vst v1  }
0x1e9: {  	[tilespmem:s1+$0x5F00] =	vst v1  }
0x1ea: {  	[tilespmem:s0+$0xFFFFD080] =	vst v1  }
0x1eb: {  	[tilespmem:s1+$0x6880] =	vst v1  }
0x1ec: {  	[tilespmem:s0+$0xFFFFDA00] =	vst v1  }
0x1ed: {  	[tilespmem:s1+$0x7200] =	vst v1  }
0x1ee: {  	p0 =	sne.s32 s19, $0x1;
	[tilespmem:s0+$0xFFFFE380] =	vst v1  }
.Ltmp25:
0x1ef: {  	[tilespmem:s1+$0x7B80] =	vst v1;
	(pc) =	sbr.rel @!p0 .LBB2_44-.Ltmp25, $4  }
0x1f0: {  	[tilespmem:s0+$0xFFFFED00] =	vst v1  }
0x1f1: {  	[tilespmem:s1+$0x8500] =	vst v1  }
0x1f2: {  	[tilespmem:s0+$0xFFFFF680] =	vst v1  }
0x1f3: {  	s19 =	sadd.s32 $0xFFFFFFFF, s19;
	[tilespmem:s1+$0x8E80] =	vst v1  }
.LBB2_43:
0x1f4: {  	p0 =	sne.s32 s19, $0x1;
	[tilespmem:s0+$0x0] =	vst v1;
	s0 =	sadd.s32 $0x10, s0  }
0x1f5: {  	[tilespmem:s0+$0xFFFF7180] =	vst v1  }
0x1f6: {  	s1 =	sadd.s32 $0x10, s1;
	[tilespmem:s0+$0xFFFF6CC0] =	vst v1  }
0x1f7: {  	[tilespmem:s1+$0x980] =	vst v1  }
0x1f8: {  	[tilespmem:s0+$0xFFFF7B00] =	vst v1  }
0x1f9: {  	[tilespmem:s1+$0x1300] =	vst v1  }
0x1fa: {  	[tilespmem:s0+$0xFFFF8480] =	vst v1  }
0x1fb: {  	[tilespmem:s1+$0x1C80] =	vst v1  }
0x1fc: {  	[tilespmem:s0+$0xFFFF8E00] =	vst v1  }
0x1fd: {  	[tilespmem:s1+$0x2600] =	vst v1  }
0x1fe: {  	[tilespmem:s0+$0xFFFF9780] =	vst v1  }
0x1ff: {  	[tilespmem:s1+$0x2F80] =	vst v1  }
0x200: {  	[tilespmem:s0+$0xFFFFA100] =	vst v1  }
0x201: {  	[tilespmem:s1+$0x3900] =	vst v1  }
0x202: {  	[tilespmem:s0+$0xFFFFAA80] =	vst v1  }
0x203: {  	[tilespmem:s1+$0x4280] =	vst v1  }
0x204: {  	[tilespmem:s0+$0xFFFFB400] =	vst v1  }
0x205: {  	[tilespmem:s1+$0x4C00] =	vst v1  }
0x206: {  	[tilespmem:s0+$0xFFFFBD80] =	vst v1  }
0x207: {  	[tilespmem:s1+$0x5580] =	vst v1  }
0x208: {  	[tilespmem:s0+$0xFFFFC700] =	vst v1  }
0x209: {  	[tilespmem:s1+$0x5F00] =	vst v1  }
0x20a: {  	[tilespmem:s0+$0xFFFFD080] =	vst v1  }
0x20b: {  	[tilespmem:s1+$0x6880] =	vst v1  }
0x20c: {  	[tilespmem:s0+$0xFFFFDA00] =	vst v1  }
0x20d: {  	[tilespmem:s1+$0x7200] =	vst v1  }
0x20e: {  	[tilespmem:s0+$0xFFFFE380] =	vst v1  }
.Ltmp26:
0x20f: {  	[tilespmem:s1+$0x7B80] =	vst v1;
	(pc) =	sbr.rel @p0 .LBB2_43-.Ltmp26, $4  }
0x210: {  	[tilespmem:s0+$0xFFFFED00] =	vst v1  }
0x211: {  	[tilespmem:s1+$0x8500] =	vst v1  }
0x212: {  	[tilespmem:s0+$0xFFFFF680] =	vst v1  }
0x213: {  	s19 =	sadd.s32 $0xFFFFFFFF, s19;
	[tilespmem:s1+$0x8E80] =	vst v1  }
.LBB2_44:
0x214: {  	[tilespmem:s0+$0x0] =	vst v1  }
.LBB2_45:
0x215: {  	s1 =	simm.s32 $0x121C0  }
0x216: {  	s26 =	simm.s32 $0xA1C0;
	v20 =	vld [tilespmem:s1+$0xFFFFFFE0]  }
0x217: {  	v12 =	vld [tilespmem:s26+$0xFFFFFFF0]  }
0x218: {  	v13 =	vld [tilespmem:s26+$0xFFFFFFE0]  }
0x219: {  	s28 =	simm.s32 $0xE1C0;
	v9 =	vld [tilespmem:s26+$0x10]  }
0x21a: {  	v14 =	vld [tilespmem:s28+$0xFFFFFFD0]  }
0x21b: {  	v11 =	vld [tilespmem:s26+$0xFFFFFFD0]  }
0x21c: {  	v16 =	vld [tilespmem:s28+$0xFFFFFFC0]  }
0x21d: {  	v19 =	vld [tilespmem:s1+$0xFFFFFFC0]  }
0x21e: {  	v18 =	vld [tilespmem:s26+$0xFFFFFFC0]  }
0x21f: {  	v26 =	vadd.s32 v0, v3;
	v29 =	vadd.s32 v2, v3;
	v24 =	vld [tilespmem:s26+$0x0]  }
0x220: {  	v28 =	vld [tilespmem:s1+$0xFFFFFFD0];
	v6 =	vadd.s32 v2, v12;
	v7 =	vadd.s32 v2, v9;
	v10 =	vadd.s32 v2, v13  }
0x221: {  	v31 =	vld [tilespmem:s28+$0xFFFFFFF0];
	v8 =	vadd.s32 v0, v9;
	v17 =	vmax.f32 v5, v16;
	v30 =	vadd.s32 v0, v11  }
0x222: {  	v25 =	vld [tilespmem:s28+$0xFFFFFFE0];
	v22 =	vmax.f32 v4, v19;
	vm5 =	vne.s32 v13, v11;
	v32 =	vadd.s32 v2, v11  }
0x223: {  	v21 =	vld [tilespmem:s1+$0xFFFFFFF0];
	vm6 =	vne.s32 v18, v3;
	vm4 =	vne.s32 v11, v18;
	v15 =	vadd.s32 v2, v18  }
0x224: {  	v18 =	vadd.s32 v0, v18;
	vm2 =	vne.s32 v12, v13;
	v11 =	vld [tilespmem:s26+$0x20];
	v17 =	vsel vm6, v16, v17  }
0x225: {  	v3 =	vld [tilespmem:s26+$0x30];
	vm0 =	vne.s32 v24, v12;
	vm3 =	vne.s32 v9, v24;
	v23 =	vmax.f32 v17, v14  }
0x226: {  	v34 =	vld [tilespmem:s28+$0x0];
	v12 =	vadd.s32 v0, v12;
	v16 =	vadd.s32 v0, v13;
	v33 =	vsel vm4, v14, v23  }
0x227: {  	v27 =	vld [tilespmem:s28+$0x10];
	v14 =	vadd.s32 v2, v24;
	v23 =	vsel vm6, v19, v22;
	v19 =	vmax.f32 v33, v25  }
0x228: {  	v13 =	vld [tilespmem:s1+$0x20];
	v35 =	vmax.f32 v23, v28;
	v22 =	vsel vm5, v25, v19;
	v25 =	vadd.s32 v0, v24  }
0x229: {  	v35 =	vsel vm4, v28, v35;
	v24 =	vld [tilespmem:s28+$0x20];
	v19 =	vadd.s32 v0, v11;
	v28 =	vmax.f32 v22, v31  }
0x22a: {  	vm1 =	vne.s32 v3, v11;
	[tilespmem:v26+s2+$0x0] =	vst.idx.msk vm6, v5;
	v5 =	vsel vm2, v31, v28;
	v28 =	vld [tilespmem:s1+$0x0]  }
0x22b: {  	v26 =	vld [tilespmem:s1+$0x10];
	[tilespmem:v29+s2+$0x0] =	vst.idx.msk vm6, v4;
	v4 =	vmax.f32 v35, v20;
	v31 =	vmax.f32 v5, v34  }
0x22c: {  	[tilespmem:v30+s2+$0x0] =	vst.idx.msk vm5, v33;
	v29 =	vsel vm5, v20, v4;
	v20 =	vld [tilespmem:s28+$0x30];
	v30 =	vsel vm0, v34, v31  }
0x22d: {  	s0 =	simm.s32 $0x0;
	[tilespmem:v32+s2+$0x0] =	vst.idx.msk vm5, v35;
	v4 =	vld [tilespmem:s1+$0x30];
	s1 =	simm.s32 $0x122C0;
	v32 =	vmax.f32 v29, v21;
	v31 =	vmax.f32 v30, v27  }
.LBB2_46:
0x22e: {  	v33 =	vld [tilespmem:s1+$0xFFFFFFE0];
	s0 =	sadd.s32 $0x8, s0;
	[tilespmem:v18+s2+$0x0] =	vst.idx.msk vm4, v17;
	v17 =	vsel vm2, v21, v32;
	v18 =	vsel vm3, v27, v31;
	s26 =	sadd.s32 $0x100, s26;
	s28 =	sadd.s32 $0x100, s28  }
0x22f: {  	v27 =	vld [tilespmem:s26+$0xFFFFFFF0];
	p0 =	slt.u32 s0, $0x1F8;
	[tilespmem:v15+s2+$0x0] =	vst.idx.msk vm4, v23;
	v15 =	vmax.f32 v17, v28;
	v21 =	vmax.f32 v18, v24  }
0x230: {  	vm4 =	vne.s32 v11, v9;
	v23 =	vld [tilespmem:s26+$0xFFFFFFE0];
	v15 =	vsel vm0, v28, v15;
	[tilespmem:v25+s2+$0x0] =	vst.idx.msk vm3, v30  }
0x231: {  	v21 =	vsel vm4, v24, v21;
	v9 =	vld [tilespmem:s26+$0x10];
	[tilespmem:v16+s2+$0x0] =	vst.idx.msk vm2, v22;
	v16 =	vmax.f32 v15, v26  }
0x232: {  	v22 =	vld [tilespmem:s28+$0xFFFFFFD0];
	[tilespmem:v10+s2+$0x0] =	vst.idx.msk vm2, v29;
	v16 =	vsel vm3, v26, v16;
	v10 =	vmax.f32 v21, v20  }
0x233: {  	v24 =	vld [tilespmem:s26+$0xFFFFFFD0];
	[tilespmem:v14+s2+$0x0] =	vst.idx.msk vm3, v15;
	v14 =	vmax.f32 v16, v13;
	v20 =	vsel vm1, v20, v10  }
0x234: {  	v11 =	vadd.s32 v2, v11;
	v25 =	vld [tilespmem:s28+$0xFFFFFFC0];
	v13 =	vsel vm4, v13, v14;
	[tilespmem:v19+s2+$0x0] =	vst.idx.msk vm1, v21  }
0x235: {  	v14 =	vadd.s32 v2, v27;
	v19 =	vld [tilespmem:s1+$0xFFFFFFC0];
	[tilespmem:v12+s2+$0x0] =	vst.idx.msk vm0, v5;
	v5 =	vmax.f32 v13, v4  }
0x236: {  	v12 =	vld [tilespmem:s26+$0xFFFFFFC0];
	v15 =	vadd.s32 v2, v9;
	[tilespmem:v8+s2+$0x0] =	vst.idx.msk vm4, v18;
	v4 =	vsel vm1, v4, v5  }
0x237: {  	v10 =	vadd.s32 v2, v23;
	v8 =	vadd.s32 v0, v9;
	v5 =	vld [tilespmem:s26+$0x0];
	[tilespmem:v7+s2+$0x0] =	vst.idx.msk vm4, v16;
	v7 =	vmov v15  }
0x238: {  	v26 =	vadd.s32 v0, v3;
	v29 =	vadd.s32 v2, v3;
	v28 =	vld [tilespmem:s1+$0xFFFFFFD0];
	[tilespmem:v6+s2+$0x0] =	vst.idx.msk vm0, v17;
	v6 =	vmov v14  }
0x239: {  	v30 =	vadd.s32 v0, v24;
	v14 =	vmax.f32 v20, v25;
	v31 =	vld [tilespmem:s28+$0xFFFFFFF0];
	[tilespmem:v11+s2+$0x0] =	vst.idx.msk vm1, v13  }
0x23a: {  	vm5 =	vne.s32 v23, v24;
	v34 =	vadd.s32 v2, v24;
	v13 =	vmax.f32 v4, v19;
	v32 =	vld [tilespmem:s28+$0xFFFFFFE0]  }
0x23b: {  	vm6 =	vne.s32 v12, v3;
	vm4 =	vne.s32 v24, v12;
	v15 =	vadd.s32 v2, v12;
	v3 =	vld [tilespmem:s26+$0x30]  }
0x23c: {  	vm2 =	vne.s32 v27, v23;
	v18 =	vadd.s32 v0, v12;
	v17 =	vsel vm6, v25, v14;
	v11 =	vld [tilespmem:s26+$0x20]  }
0x23d: {  	v16 =	vadd.s32 v0, v23;
	vm0 =	vne.s32 v5, v27;
	v12 =	vmax.f32 v17, v22;
	v21 =	vld [tilespmem:s1+$0xFFFFFFF0]  }
0x23e: {  	vm3 =	vne.s32 v9, v5;
	v14 =	vadd.s32 v2, v5;
	v35 =	vsel vm4, v22, v12;
	v36 =	vld [tilespmem:s28+$0x0]  }
0x23f: {  	v23 =	vsel vm6, v19, v13;
	v12 =	vadd.s32 v0, v27;
	v19 =	vmax.f32 v35, v32;
	v13 =	vld [tilespmem:s1+$0x20]  }
0x240: {  	v25 =	vadd.s32 v0, v5;
	v24 =	vmax.f32 v23, v28;
	v22 =	vsel vm5, v32, v19;
	v27 =	vld [tilespmem:s28+$0x10]  }
.Ltmp27:
0x241: {  	v32 =	vsel vm4, v28, v24;
	v5 =	vmax.f32 v22, v31;
	v24 =	vld [tilespmem:s28+$0x20];
	v19 =	vadd.s32 v0, v11;
	(pc) =	sbr.rel @p0 .LBB2_46-.Ltmp27, $4  }
0x242: {  	vm1 =	vne.s32 v3, v11;
	[tilespmem:v26+s2+$0x0] =	vst.idx.msk vm6, v20;
	v5 =	vsel vm2, v31, v5;
	v28 =	vld [tilespmem:s1+$0x0]  }
0x243: {  	[tilespmem:v29+s2+$0x0] =	vst.idx.msk vm6, v4;
	v4 =	vmax.f32 v32, v33;
	v20 =	vmax.f32 v5, v36;
	v26 =	vld [tilespmem:s1+$0x10]  }
0x244: {  	[tilespmem:v30+s2+$0x0] =	vst.idx.msk vm5, v35;
	v29 =	vsel vm5, v33, v4;
	v30 =	vsel vm0, v36, v20;
	v20 =	vld [tilespmem:s28+$0x30]  }
0x245: {  	[tilespmem:v34+s2+$0x0] =	vst.idx.msk vm5, v32;
	v32 =	vmax.f32 v29, v21;
	v31 =	vmax.f32 v30, v27;
	v4 =	vld [tilespmem:s1+$0x30];
	s1 =	sadd.s32 $0x100, s1  }
0x246: {  	_ =	sdelay $0x4  }
0x247: {  	[tilespmem:v18+s2+$0x0] =	vst.idx.msk vm4, v17  }
0x248: {  	[tilespmem:v25+s2+$0x0] =	vst.idx.msk vm3, v30  }
0x249: {  	[tilespmem:v16+s2+$0x0] =	vst.idx.msk vm2, v22  }
0x24a: {  	vm15 =	vne.s32 v11, v9;
	[tilespmem:v12+s2+$0x0] =	vst.idx.msk vm0, v5  }
0x24b: {  	v60 =	vsel vm2, v21, v32;
	v9 =	vsel vm3, v27, v31;
	[tilespmem:v15+s2+$0x0] =	vst.idx.msk vm4, v23  }
0x24c: {  	v11 =	vadd.s32 v2, v11;
	v61 =	vmax.f32 v60, v28;
	[tilespmem:v10+s2+$0x0] =	vst.idx.msk vm2, v29  }
0x24d: {  	v62 =	vmax.f32 v9, v24;
	[tilespmem:v6+s2+$0x0] =	vst.idx.msk vm0, v60;
	v17 =	vsel vm0, v28, v61  }
0x24e: {  	v10 =	vsel vm15, v24, v62;
	[tilespmem:v14+s2+$0x0] =	vst.idx.msk vm3, v17;
	v63 =	vmax.f32 v17, v26  }
0x24f: {  	[tilespmem:v19+s2+$0x0] =	vst.idx.msk vm1, v10;
	v5 =	vsel vm3, v26, v63  }
0x250: {  	[tilespmem:v8+s2+$0x0] =	vst.idx.msk vm15, v9;
	v8 =	vmax.f32 v5, v13  }
0x251: {  	[tilespmem:v7+s2+$0x0] =	vst.idx.msk vm15, v5;
	v5 =	vsel vm15, v13, v8  }
0x252: {  	[tilespmem:v11+s2+$0x0] =	vst.idx.msk vm1, v5  }
0x253: {  	_ =	swait.ge [sflag:s18], $0x2000  }
0x254: {  	[sflag:s18] =	ssyncset.done $0x0  }
0x255: {  	[sflag:s18] =	ssyncadd.s32 $0xFFFFE000  }
0x256: {  	_ =	swait.ge [sflag:s18], $0x2000  }
0x257: {  	[sflag:s18] =	ssyncset.done $0x0  }
0x258: {  	[sflag:s18] =	ssyncadd.s32 $0xFFFFE000  }
0x259: {  	_ =	swait.ge [sflag:s18], $0x2000  }
0x25a: {  	[sflag:s18] =	ssyncset.done $0x0  }
0x25b: {  	[sflag:s18] =	ssyncadd.s32 $0xFFFFE000  }
0x25c: {  	v6 =	vld [tilespmem:$0xE170];
	_ =	sdelay $0x4  }
0x25d: {  	(v2sf) =	vpush v6, $0xF;
	_ =	sdelay $0xe  }
0x25e: {  	s26 =	spop (v2sf)  }
0x25f: {  	s0 =	ssub.s32 s26, s29  }
0x260: {  	s0 =	sadd.s32 $0xF, s0  }
0x261: {  	s19 =	sshra.s32 s0, $0x4  }
0x262: {  	p0 =	slt.s32 s19, $0x1  }
.Ltmp28:
0x263: {  	_ = 	snop;
	(pc) =	sbr.rel @p0 .LBB2_51-.Ltmp28, $3  }
0x264: {  	_ =	sdelay $0x1  }
0x265: {  	v5 =	vmax.f32 v5, v4;
	v6 =	vmax.f32 v10, v20  }
0x266: {  	v8 =	vsel vm1, v4, v5;
	v10 =	vsel vm1, v20, v6  }
0x267: {  	s0 =	sshll.u32 s29, $0x2  }
0x268: {  	s0 =	sshra.s32 s0, $0x2  }
0x269: {  	s0 =	sadd.s32 $0x9341, s0  }
0x26a: {  	[tilespmem:s0+$0xFFFF7180] =	vst v1  }
0x26b: {  	s1 =	sadd.s32 $0x1, s29;
	[tilespmem:s0+$0xFFFF6CC0] =	vst v1  }
0x26c: {  	[tilespmem:s1+$0x980] =	vst v1  }
0x26d: {  	[tilespmem:s0+$0xFFFF7B00] =	vst v1  }
0x26e: {  	[tilespmem:s1+$0x1300] =	vst v1  }
0x26f: {  	[tilespmem:s0+$0xFFFF8480] =	vst v1  }
0x270: {  	[tilespmem:s1+$0x1C80] =	vst v1  }
0x271: {  	[tilespmem:s0+$0xFFFF8E00] =	vst v1  }
0x272: {  	[tilespmem:s1+$0x2600] =	vst v1  }
0x273: {  	[tilespmem:s0+$0xFFFF9780] =	vst v1  }
0x274: {  	[tilespmem:s1+$0x2F80] =	vst v1  }
0x275: {  	[tilespmem:s0+$0xFFFFA100] =	vst v1  }
0x276: {  	[tilespmem:s1+$0x3900] =	vst v1  }
0x277: {  	[tilespmem:s0+$0xFFFFAA80] =	vst v1  }
0x278: {  	[tilespmem:s1+$0x4280] =	vst v1  }
0x279: {  	[tilespmem:s0+$0xFFFFB400] =	vst v1  }
0x27a: {  	[tilespmem:s1+$0x4C00] =	vst v1  }
0x27b: {  	[tilespmem:s0+$0xFFFFBD80] =	vst v1  }
0x27c: {  	[tilespmem:s1+$0x5580] =	vst v1  }
0x27d: {  	[tilespmem:s0+$0xFFFFC700] =	vst v1  }
0x27e: {  	[tilespmem:s1+$0x5F00] =	vst v1  }
0x27f: {  	[tilespmem:s0+$0xFFFFD080] =	vst v1  }
0x280: {  	[tilespmem:s1+$0x6880] =	vst v1  }
0x281: {  	[tilespmem:s0+$0xFFFFDA00] =	vst v1  }
0x282: {  	[tilespmem:s1+$0x7200] =	vst v1  }
0x283: {  	p0 =	sne.s32 s19, $0x1;
	[tilespmem:s0+$0xFFFFE380] =	vst v1  }
.Ltmp29:
0x284: {  	[tilespmem:s1+$0x7B80] =	vst v1;
	(pc) =	sbr.rel @!p0 .LBB2_50-.Ltmp29, $4  }
0x285: {  	[tilespmem:s0+$0xFFFFED00] =	vst v1  }
0x286: {  	[tilespmem:s1+$0x8500] =	vst v1  }
0x287: {  	[tilespmem:s0+$0xFFFFF680] =	vst v1  }
0x288: {  	s19 =	sadd.s32 $0xFFFFFFFF, s19;
	[tilespmem:s1+$0x8E80] =	vst v1  }
.LBB2_49:
0x289: {  	p0 =	sne.s32 s19, $0x1;
	[tilespmem:s0+$0x0] =	vst v1;
	s0 =	sadd.s32 $0x10, s0  }
0x28a: {  	[tilespmem:s0+$0xFFFF7180] =	vst v1  }
0x28b: {  	s1 =	sadd.s32 $0x10, s1;
	[tilespmem:s0+$0xFFFF6CC0] =	vst v1  }
0x28c: {  	[tilespmem:s1+$0x980] =	vst v1  }
0x28d: {  	[tilespmem:s0+$0xFFFF7B00] =	vst v1  }
0x28e: {  	[tilespmem:s1+$0x1300] =	vst v1  }
0x28f: {  	[tilespmem:s0+$0xFFFF8480] =	vst v1  }
0x290: {  	[tilespmem:s1+$0x1C80] =	vst v1  }
0x291: {  	[tilespmem:s0+$0xFFFF8E00] =	vst v1  }
0x292: {  	[tilespmem:s1+$0x2600] =	vst v1  }
0x293: {  	[tilespmem:s0+$0xFFFF9780] =	vst v1  }
0x294: {  	[tilespmem:s1+$0x2F80] =	vst v1  }
0x295: {  	[tilespmem:s0+$0xFFFFA100] =	vst v1  }
0x296: {  	[tilespmem:s1+$0x3900] =	vst v1  }
0x297: {  	[tilespmem:s0+$0xFFFFAA80] =	vst v1  }
0x298: {  	[tilespmem:s1+$0x4280] =	vst v1  }
0x299: {  	[tilespmem:s0+$0xFFFFB400] =	vst v1  }
0x29a: {  	[tilespmem:s1+$0x4C00] =	vst v1  }
0x29b: {  	[tilespmem:s0+$0xFFFFBD80] =	vst v1  }
0x29c: {  	[tilespmem:s1+$0x5580] =	vst v1  }
0x29d: {  	[tilespmem:s0+$0xFFFFC700] =	vst v1  }
0x29e: {  	[tilespmem:s1+$0x5F00] =	vst v1  }
0x29f: {  	[tilespmem:s0+$0xFFFFD080] =	vst v1  }
0x2a0: {  	[tilespmem:s1+$0x6880] =	vst v1  }
0x2a1: {  	[tilespmem:s0+$0xFFFFDA00] =	vst v1  }
0x2a2: {  	[tilespmem:s1+$0x7200] =	vst v1  }
0x2a3: {  	[tilespmem:s0+$0xFFFFE380] =	vst v1  }
.Ltmp30:
0x2a4: {  	[tilespmem:s1+$0x7B80] =	vst v1;
	(pc) =	sbr.rel @p0 .LBB2_49-.Ltmp30, $4  }
0x2a5: {  	[tilespmem:s0+$0xFFFFED00] =	vst v1  }
0x2a6: {  	[tilespmem:s1+$0x8500] =	vst v1  }
0x2a7: {  	[tilespmem:s0+$0xFFFFF680] =	vst v1  }
0x2a8: {  	s19 =	sadd.s32 $0xFFFFFFFF, s19;
	[tilespmem:s1+$0x8E80] =	vst v1  }
.LBB2_50:
0x2a9: {  	[tilespmem:s0+$0x0] =	vst v1  }
.LBB2_51:
0x2aa: {  	s1 =	simm.s32 $0x12270  }
0x2ab: {  	s28 =	simm.s32 $0xA270;
	v24 =	vld [tilespmem:s1+$0xFFFFFFB0]  }
0x2ac: {  	v12 =	vld [tilespmem:s28+$0xFFFFFFC0]  }
0x2ad: {  	v13 =	vld [tilespmem:s28+$0xFFFFFFB0]  }
0x2ae: {  	s29 =	simm.s32 $0xE270;
	v7 =	vld [tilespmem:s28+$0xFFFFFFE0]  }
0x2af: {  	v14 =	vld [tilespmem:s29+$0xFFFFFFA0]  }
0x2b0: {  	v11 =	vld [tilespmem:s28+$0xFFFFFFA0]  }
0x2b1: {  	v16 =	vld [tilespmem:s29+$0xFFFFFF90]  }
0x2b2: {  	v19 =	vld [tilespmem:s1+$0xFFFFFF90]  }
0x2b3: {  	v18 =	vld [tilespmem:s28+$0xFFFFFF90]  }
0x2b4: {  	v26 =	vadd.s32 v0, v3;
	v29 =	vadd.s32 v2, v3;
	v23 =	vld [tilespmem:s28+$0xFFFFFFD0]  }
0x2b5: {  	v28 =	vld [tilespmem:s1+$0xFFFFFFA0];
	v4 =	vadd.s32 v2, v12;
	v5 =	vadd.s32 v2, v7;
	v9 =	vadd.s32 v2, v13  }
0x2b6: {  	v31 =	vld [tilespmem:s29+$0xFFFFFFC0];
	v6 =	vadd.s32 v0, v7;
	v17 =	vmax.f32 v10, v16;
	v30 =	vadd.s32 v0, v11  }
0x2b7: {  	v25 =	vld [tilespmem:s29+$0xFFFFFFB0];
	v21 =	vmax.f32 v8, v19;
	vm5 =	vne.s32 v13, v11;
	v32 =	vadd.s32 v2, v11  }
0x2b8: {  	v20 =	vld [tilespmem:s1+$0xFFFFFFC0];
	vm6 =	vne.s32 v18, v3;
	vm4 =	vne.s32 v11, v18;
	v15 =	vadd.s32 v2, v18  }
0x2b9: {  	v18 =	vadd.s32 v0, v18;
	vm2 =	vne.s32 v12, v13;
	v11 =	vld [tilespmem:s28+$0xFFFFFFF0];
	v17 =	vsel vm6, v16, v17  }
0x2ba: {  	v3 =	vld [tilespmem:s28+$0x0];
	vm0 =	vne.s32 v23, v12;
	vm3 =	vne.s32 v7, v23;
	v22 =	vmax.f32 v17, v14  }
0x2bb: {  	v34 =	vld [tilespmem:s29+$0xFFFFFFD0];
	v16 =	vadd.s32 v0, v13;
	v13 =	vadd.s32 v0, v12;
	v33 =	vsel vm4, v14, v22  }
0x2bc: {  	v27 =	vld [tilespmem:s29+$0xFFFFFFE0];
	v14 =	vadd.s32 v2, v23;
	v22 =	vsel vm6, v19, v21;
	v19 =	vmax.f32 v33, v25  }
0x2bd: {  	v12 =	vld [tilespmem:s1+$0xFFFFFFF0];
	v35 =	vmax.f32 v22, v28;
	v21 =	vsel vm5, v25, v19;
	v25 =	vadd.s32 v0, v23  }
0x2be: {  	v35 =	vsel vm4, v28, v35;
	v23 =	vld [tilespmem:s29+$0xFFFFFFF0];
	v19 =	vadd.s32 v0, v11;
	v28 =	vmax.f32 v21, v31  }
0x2bf: {  	vm1 =	vne.s32 v3, v11;
	[tilespmem:v26+s2+$0x0] =	vst.idx.msk vm6, v10;
	v10 =	vsel vm2, v31, v28;
	v28 =	vld [tilespmem:s1+$0xFFFFFFD0]  }
0x2c0: {  	v26 =	vld [tilespmem:s1+$0xFFFFFFE0];
	[tilespmem:v29+s2+$0x0] =	vst.idx.msk vm6, v8;
	v8 =	vmax.f32 v35, v24;
	v31 =	vmax.f32 v10, v34  }
0x2c1: {  	[tilespmem:v30+s2+$0x0] =	vst.idx.msk vm5, v33;
	v29 =	vsel vm5, v24, v8;
	v24 =	vld [tilespmem:s29+$0x0];
	v30 =	vsel vm0, v34, v31  }
0x2c2: {  	s0 =	simm.s32 $0x0;
	[tilespmem:v32+s2+$0x0] =	vst.idx.msk vm5, v35;
	v8 =	vld [tilespmem:s1+$0x0];
	s1 =	simm.s32 $0x12370;
	v32 =	vmax.f32 v29, v20;
	v31 =	vmax.f32 v30, v27  }
.LBB2_52:
0x2c3: {  	v33 =	vld [tilespmem:s1+$0xFFFFFFB0];
	s0 =	sadd.s32 $0x8, s0;
	[tilespmem:v18+s2+$0x0] =	vst.idx.msk vm4, v17;
	v17 =	vsel vm2, v20, v32;
	v18 =	vsel vm3, v27, v31;
	s29 =	sadd.s32 $0x100, s29;
	s28 =	sadd.s32 $0x100, s28  }
0x2c4: {  	v27 =	vld [tilespmem:s28+$0xFFFFFFC0];
	p0 =	slt.u32 s0, $0x1F8;
	[tilespmem:v15+s2+$0x0] =	vst.idx.msk vm4, v22;
	v15 =	vmax.f32 v17, v28;
	v20 =	vmax.f32 v18, v23  }
0x2c5: {  	vm4 =	vne.s32 v11, v7;
	v22 =	vld [tilespmem:s28+$0xFFFFFFB0];
	v15 =	vsel vm0, v28, v15;
	[tilespmem:v25+s2+$0x0] =	vst.idx.msk vm3, v30  }
0x2c6: {  	v20 =	vsel vm4, v23, v20;
	v7 =	vld [tilespmem:s28+$0xFFFFFFE0];
	[tilespmem:v16+s2+$0x0] =	vst.idx.msk vm2, v21;
	v16 =	vmax.f32 v15, v26  }
0x2c7: {  	v21 =	vld [tilespmem:s29+$0xFFFFFFA0];
	[tilespmem:v9+s2+$0x0] =	vst.idx.msk vm2, v29;
	v16 =	vsel vm3, v26, v16;
	v9 =	vmax.f32 v20, v24  }
0x2c8: {  	v23 =	vld [tilespmem:s28+$0xFFFFFFA0];
	[tilespmem:v14+s2+$0x0] =	vst.idx.msk vm3, v15;
	v14 =	vmax.f32 v16, v12;
	v24 =	vsel vm1, v24, v9  }
0x2c9: {  	v11 =	vadd.s32 v2, v11;
	v25 =	vld [tilespmem:s29+$0xFFFFFF90];
	v12 =	vsel vm4, v12, v14;
	[tilespmem:v19+s2+$0x0] =	vst.idx.msk vm1, v20  }
0x2ca: {  	v14 =	vadd.s32 v2, v27;
	v19 =	vld [tilespmem:s1+$0xFFFFFF90];
	[tilespmem:v13+s2+$0x0] =	vst.idx.msk vm0, v10;
	v9 =	vmax.f32 v12, v8  }
0x2cb: {  	v10 =	vld [tilespmem:s28+$0xFFFFFF90];
	v13 =	vadd.s32 v2, v7;
	[tilespmem:v6+s2+$0x0] =	vst.idx.msk vm4, v18;
	v8 =	vsel vm1, v8, v9  }
0x2cc: {  	v9 =	vadd.s32 v2, v22;
	v6 =	vadd.s32 v0, v7;
	v26 =	vld [tilespmem:s28+$0xFFFFFFD0];
	[tilespmem:v5+s2+$0x0] =	vst.idx.msk vm4, v16;
	v5 =	vmov v13  }
0x2cd: {  	v28 =	vadd.s32 v0, v3;
	v29 =	vadd.s32 v2, v3;
	v30 =	vld [tilespmem:s1+$0xFFFFFFA0];
	[tilespmem:v4+s2+$0x0] =	vst.idx.msk vm0, v17;
	v4 =	vmov v14  }
0x2ce: {  	v31 =	vadd.s32 v0, v23;
	v13 =	vmax.f32 v24, v25;
	v32 =	vld [tilespmem:s29+$0xFFFFFFC0];
	[tilespmem:v11+s2+$0x0] =	vst.idx.msk vm1, v12  }
0x2cf: {  	vm5 =	vne.s32 v22, v23;
	v35 =	vadd.s32 v2, v23;
	v12 =	vmax.f32 v8, v19;
	v34 =	vld [tilespmem:s29+$0xFFFFFFB0]  }
0x2d0: {  	vm6 =	vne.s32 v10, v3;
	vm4 =	vne.s32 v23, v10;
	v15 =	vadd.s32 v2, v10;
	v3 =	vld [tilespmem:s28+$0x0]  }
0x2d1: {  	vm2 =	vne.s32 v27, v22;
	v18 =	vadd.s32 v0, v10;
	v17 =	vsel vm6, v25, v13;
	v11 =	vld [tilespmem:s28+$0xFFFFFFF0]  }
0x2d2: {  	v16 =	vadd.s32 v0, v22;
	vm0 =	vne.s32 v26, v27;
	v10 =	vmax.f32 v17, v21;
	v20 =	vld [tilespmem:s1+$0xFFFFFFC0]  }
0x2d3: {  	vm3 =	vne.s32 v7, v26;
	v14 =	vadd.s32 v2, v26;
	v36 =	vsel vm4, v21, v10;
	v37 =	vld [tilespmem:s29+$0xFFFFFFD0]  }
0x2d4: {  	v22 =	vsel vm6, v19, v12;
	v13 =	vadd.s32 v0, v27;
	v10 =	vmax.f32 v36, v34;
	v12 =	vld [tilespmem:s1+$0xFFFFFFF0]  }
0x2d5: {  	v25 =	vadd.s32 v0, v26;
	v19 =	vmax.f32 v22, v30;
	v21 =	vsel vm5, v34, v10;
	v27 =	vld [tilespmem:s29+$0xFFFFFFE0]  }
.Ltmp31:
0x2d6: {  	v34 =	vsel vm4, v30, v19;
	v10 =	vmax.f32 v21, v32;
	v23 =	vld [tilespmem:s29+$0xFFFFFFF0];
	v19 =	vadd.s32 v0, v11;
	(pc) =	sbr.rel @p0 .LBB2_52-.Ltmp31, $4  }
0x2d7: {  	vm1 =	vne.s32 v3, v11;
	[tilespmem:v28+s2+$0x0] =	vst.idx.msk vm6, v24;
	v10 =	vsel vm2, v32, v10;
	v28 =	vld [tilespmem:s1+$0xFFFFFFD0]  }
0x2d8: {  	[tilespmem:v29+s2+$0x0] =	vst.idx.msk vm6, v8;
	v8 =	vmax.f32 v34, v33;
	v24 =	vmax.f32 v10, v37;
	v26 =	vld [tilespmem:s1+$0xFFFFFFE0]  }
0x2d9: {  	[tilespmem:v31+s2+$0x0] =	vst.idx.msk vm5, v36;
	v29 =	vsel vm5, v33, v8;
	v30 =	vsel vm0, v37, v24;
	v24 =	vld [tilespmem:s29+$0x0]  }
0x2da: {  	[tilespmem:v35+s2+$0x0] =	vst.idx.msk vm5, v34;
	v32 =	vmax.f32 v29, v20;
	v31 =	vmax.f32 v30, v27;
	v8 =	vld [tilespmem:s1+$0x0];
	s1 =	sadd.s32 $0x100, s1  }
0x2db: {  	_ =	sdelay $0x4  }
0x2dc: {  	[tilespmem:v18+s2+$0x0] =	vst.idx.msk vm4, v17  }
0x2dd: {  	[tilespmem:v25+s2+$0x0] =	vst.idx.msk vm3, v30  }
0x2de: {  	[tilespmem:v16+s2+$0x0] =	vst.idx.msk vm2, v21  }
0x2df: {  	v51 =	vsel vm2, v20, v32;
	vm15 =	vne.s32 v11, v7;
	[tilespmem:v13+s2+$0x0] =	vst.idx.msk vm0, v10  }
0x2e0: {  	v52 =	vsel vm3, v27, v31;
	v56 =	vadd.s32 v2, v11;
	[tilespmem:v15+s2+$0x0] =	vst.idx.msk vm4, v22  }
0x2e1: {  	v58 =	vadd.s32 v0, v3;
	v53 =	vmax.f32 v51, v28;
	[tilespmem:v9+s2+$0x0] =	vst.idx.msk vm2, v29  }
0x2e2: {  	v54 =	vmax.f32 v52, v23;
	[tilespmem:v4+s2+$0x0] =	vst.idx.msk vm0, v51;
	v17 =	vsel vm0, v28, v53  }
0x2e3: {  	v55 =	vsel vm15, v23, v54;
	[tilespmem:v14+s2+$0x0] =	vst.idx.msk vm3, v17;
	v57 =	vmax.f32 v17, v26  }
0x2e4: {  	v3 =	vadd.s32 v2, v3;
	[tilespmem:v19+s2+$0x0] =	vst.idx.msk vm1, v55;
	v59 =	vsel vm3, v26, v57  }
0x2e5: {  	v60 =	vmax.f32 v59, v12;
	[tilespmem:v6+s2+$0x0] =	vst.idx.msk vm15, v52  }
0x2e6: {  	v61 =	vmax.f32 v55, v24;
	v6 =	vsel vm15, v12, v60;
	[tilespmem:v5+s2+$0x0] =	vst.idx.msk vm15, v59  }
0x2e7: {  	v62 =	vsel vm1, v24, v61;
	v63 =	vmax.f32 v6, v8;
	[tilespmem:v56+s2+$0x0] =	vst.idx.msk vm1, v6  }
0x2e8: {  	v5 =	vsel vm1, v8, v63;
	[tilespmem:v58+s2+$0x0] =	vst.idx.msk $0xffff, v62  }
0x2e9: {  	[tilespmem:v3+s2+$0x0] =	vst.idx.msk $0xffff, v5  }
0x2ea: {  	[tilespmem:s26+$0x1] =	vst v1  }
0x2eb: {  	[tilespmem:s26+$0x4C1] =	vst v1  }
0x2ec: {  	[tilespmem:s26+$0x981] =	vst v1  }
0x2ed: {  	[tilespmem:s26+$0xE41] =	vst v1  }
0x2ee: {  	[tilespmem:s26+$0x1301] =	vst v1  }
0x2ef: {  	[tilespmem:s26+$0x17C1] =	vst v1  }
0x2f0: {  	[tilespmem:s26+$0x1C81] =	vst v1  }
0x2f1: {  	[tilespmem:s26+$0x2141] =	vst v1  }
0x2f2: {  	[tilespmem:s26+$0x2601] =	vst v1  }
0x2f3: {  	[tilespmem:s26+$0x2AC1] =	vst v1  }
0x2f4: {  	[tilespmem:s26+$0x2F81] =	vst v1  }
0x2f5: {  	[tilespmem:s26+$0x3441] =	vst v1  }
0x2f6: {  	[tilespmem:s26+$0x3901] =	vst v1  }
0x2f7: {  	[tilespmem:s26+$0x3DC1] =	vst v1  }
0x2f8: {  	[tilespmem:s26+$0x4281] =	vst v1  }
0x2f9: {  	[tilespmem:s26+$0x4741] =	vst v1  }
0x2fa: {  	[tilespmem:s26+$0x4C01] =	vst v1  }
0x2fb: {  	[tilespmem:s26+$0x50C1] =	vst v1  }
0x2fc: {  	[tilespmem:s26+$0x5581] =	vst v1  }
0x2fd: {  	[tilespmem:s26+$0x5A41] =	vst v1  }
0x2fe: {  	[tilespmem:s26+$0x5F01] =	vst v1  }
0x2ff: {  	[tilespmem:s26+$0x63C1] =	vst v1  }
0x300: {  	[tilespmem:s26+$0x6881] =	vst v1  }
0x301: {  	[tilespmem:s26+$0x6D41] =	vst v1  }
0x302: {  	s0 =	ssub.s32 s26, s24;
	[tilespmem:s26+$0x7201] =	vst v1  }
0x303: {  	s1 =	sshra.s32 s0, $0x4;
	[tilespmem:s26+$0x76C1] =	vst v1  }
0x304: {  	p0 =	slt.s32 s1, $0x0;
	[tilespmem:s26+$0x7B81] =	vst v1  }
.Ltmp32:
0x305: {  	[tilespmem:s26+$0x8041] =	vst v1;
	(pc) =	sbr.rel @p0 .LBB2_57-.Ltmp32, $4  }
0x306: {  	[tilespmem:s26+$0x8501] =	vst v1  }
0x307: {  	[tilespmem:s26+$0x89C1] =	vst v1  }
0x308: {  	[tilespmem:s26+$0x8E81] =	vst v1  }
0x309: {  	[tilespmem:s26+$0x9341] =	vst v1  }
0x30a: {  	s19 =	sand.u32 $0xFFFFFFF0, s24  }
0x30b: {  	v5 =	vld [tilespmem:s19+$0x6880]  }
0x30c: {  	v6 =	vld [tilespmem:s19+$0x5F00]  }
0x30d: {  	v7 =	vld [tilespmem:s19+$0x5580]  }
0x30e: {  	v8 =	vld [tilespmem:s19+$0x4C00]  }
0x30f: {  	v9 =	vld [tilespmem:s19+$0x4280]  }
0x310: {  	v10 =	vld [tilespmem:s19+$0x3900]  }
0x311: {  	v11 =	vld [tilespmem:s19+$0x2F80]  }
0x312: {  	v12 =	vld [tilespmem:s19+$0x2600]  }
0x313: {  	s0 =	sand.u32 $0xFFFFFFC0, s25;
	v13 =	vld [tilespmem:s19+$0x1C80]  }
0x314: {  	s0 =	sshra.s32 s0, $0x2;
	v15 =	vld [tilespmem:s19+$0x1300]  }
0x315: {  	v16 =	vld [tilespmem:s19+$0x980];
	v3 =	vmov s0  }
0x316: {  	v17 =	vld [tilespmem:s19+$0x7B80]  }
0x317: {  	v18 =	vld [tilespmem:s19+$0x8500]  }
0x318: {  	v19 =	vld [tilespmem:s19+$0x8E80]  }
0x319: {  	v54 =	vld [tilespmem:s19+$0x7200];
	s0 =	simm.s32 $0x0  }
0x31a: {  	v14 =	vld.idx.msk [tilespmem:v3+s0+$0x0 ss:$0x1], $0xffff  }
0x31b: {  	v20 =	vld.idx.msk [tilespmem:v3+s0+$0xE40 ss:$0x1], $0xffff  }
0x31c: {  	v21 =	vld.idx.msk [tilespmem:v3+s0+$0x4C0 ss:$0x1], $0xffff  }
0x31d: {  	v22 =	vld.idx.msk [tilespmem:v3+s0+$0x17C0 ss:$0x1], $0xffff  }
0x31e: {  	v23 =	vld.idx.msk [tilespmem:v3+s0+$0x2140 ss:$0x1], $0xffff  }
0x31f: {  	v24 =	vld.idx.msk [tilespmem:v3+s0+$0x2AC0 ss:$0x1], $0xffff  }
0x320: {  	v4 =	vld.idx.msk [tilespmem:v3+s0+$0x3440 ss:$0x1], $0xffff;
	v14 =	vmax.f32 v14, v16  }
0x321: {  	v52 =	vld.idx.msk [tilespmem:v3+s0+$0x3DC0 ss:$0x1], $0xffff;
	v53 =	vmax.f32 v21, v20;
	v14 =	vmax.f32 v14, v15  }
0x322: {  	v56 =	vld.idx.msk [tilespmem:v3+s0+$0x4740 ss:$0x1], $0xffff;
	v55 =	vmax.f32 v53, v22;
	v13 =	vmax.f32 v14, v13  }
0x323: {  	v58 =	vld.idx.msk [tilespmem:v3+s0+$0x50C0 ss:$0x1], $0xffff;
	v57 =	vmax.f32 v55, v23;
	v12 =	vmax.f32 v13, v12  }
0x324: {  	v59 =	vld.idx.msk [tilespmem:v3+s0+$0x5A40 ss:$0x1], $0xffff;
	v13 =	vmax.f32 v57, v24;
	v11 =	vmax.f32 v12, v11  }
0x325: {  	v60 =	vld.idx.msk [tilespmem:v3+s0+$0x63C0 ss:$0x1], $0xffff;
	v4 =	vmax.f32 v13, v4;
	v10 =	vmax.f32 v11, v10  }
0x326: {  	v61 =	vld.idx.msk [tilespmem:v3+s0+$0x6D40 ss:$0x1], $0xffff;
	v4 =	vmax.f32 v4, v52;
	v9 =	vmax.f32 v10, v9  }
0x327: {  	v62 =	vld.idx.msk [tilespmem:v3+s0+$0x76C0 ss:$0x1], $0xffff;
	v4 =	vmax.f32 v4, v56;
	v8 =	vmax.f32 v9, v8  }
0x328: {  	v63 =	vld.idx.msk [tilespmem:v3+s0+$0x8040 ss:$0x1], $0xffff;
	v4 =	vmax.f32 v4, v58;
	v7 =	vmax.f32 v8, v7  }
0x329: {  	s31 =	sadd.s32 $0x1, s1;
	v4 =	vmax.f32 v4, v59;
	v6 =	vmax.f32 v7, v6;
	v7 =	vld.idx.msk [tilespmem:v3+s0+$0x89C0 ss:$0x1], $0xffff  }
0x32a: {  	p0 =	sne.s32 s31, $0x1;
	v4 =	vmax.f32 v4, v60;
	v5 =	vmax.f32 v6, v5;
	v6 =	vld.idx.msk [tilespmem:v3+s0+$0x9340 ss:$0x1], $0xffff  }
.Ltmp33:
0x32b: {  	v4 =	vmax.f32 v4, v61;
	v5 =	vmax.f32 v5, v54;
	(pc) =	sbr.rel @!p0 .LBB2_56-.Ltmp33, $4  }
0x32c: {  	v4 =	vmax.f32 v4, v62;
	v5 =	vmax.f32 v5, v17  }
0x32d: {  	v4 =	vmax.f32 v4, v63;
	v5 =	vmax.f32 v5, v18  }
0x32e: {  	s1 =	simm.s32 $0x9800;
	v5 =	vmax.f32 v5, v19;
	v4 =	vmax.f32 v4, v7  }
0x32f: {  	s19 =	sadd.s32 $0xFFFFFFFF, s31;
	[tilespmem:v3+s1+$0x0 ss:$0x1] =	vst.idx.msk $0xffff, v5;
	v4 =	vmax.f32 v4, v6  }
.LBB2_55:
0x330: {  	[tilespmem:v3+s1+$0x4C0 ss:$0x1] =	vst.idx.msk $0xffff, v4;
	s24 =	sadd.s32 $0x10, s24;
	s0 =	sadd.s32 $0x10, s0;
	s1 =	sadd.s32 $0x10, s1  }
0x331: {  	p0 =	sne.s32 s19, $0x1;
	s19 =	sadd.s32 $0xFFFFFFFF, s19;
	s20 =	sand.u32 $0xFFFFFFF0, s24;
	v4 =	vld.idx.msk [tilespmem:v3+s0+$0x3440 ss:$0x1], $0xffff  }
0x332: {  	v5 =	vld [tilespmem:s20+$0x6880]  }
0x333: {  	v6 =	vld [tilespmem:s20+$0x5F00]  }
0x334: {  	v7 =	vld [tilespmem:s20+$0x5580]  }
0x335: {  	v8 =	vld [tilespmem:s20+$0x4C00]  }
0x336: {  	v9 =	vld [tilespmem:s20+$0x4280]  }
0x337: {  	v10 =	vld [tilespmem:s20+$0x3900]  }
0x338: {  	v11 =	vld [tilespmem:s20+$0x2F80]  }
0x339: {  	v12 =	vld [tilespmem:s20+$0x2600]  }
0x33a: {  	v13 =	vld [tilespmem:s20+$0x1C80]  }
0x33b: {  	v14 =	vld.idx.msk [tilespmem:v3+s0+$0x0 ss:$0x1], $0xffff  }
0x33c: {  	v15 =	vld [tilespmem:s20+$0x1300]  }
0x33d: {  	v16 =	vld [tilespmem:s20+$0x980]  }
0x33e: {  	v17 =	vld [tilespmem:s20+$0x7B80]  }
0x33f: {  	v18 =	vld [tilespmem:s20+$0x8500]  }
0x340: {  	v19 =	vld [tilespmem:s20+$0x8E80]  }
0x341: {  	v20 =	vld.idx.msk [tilespmem:v3+s0+$0xE40 ss:$0x1], $0xffff  }
0x342: {  	v21 =	vld.idx.msk [tilespmem:v3+s0+$0x4C0 ss:$0x1], $0xffff;
	v14 =	vmax.f32 v14, v16  }
0x343: {  	v14 =	vmax.f32 v14, v15;
	v15 =	vld.idx.msk [tilespmem:v3+s0+$0x17C0 ss:$0x1], $0xffff  }
0x344: {  	v13 =	vmax.f32 v14, v13;
	v14 =	vld.idx.msk [tilespmem:v3+s0+$0x2140 ss:$0x1], $0xffff  }
0x345: {  	v12 =	vmax.f32 v13, v12;
	v13 =	vld.idx.msk [tilespmem:v3+s0+$0x2AC0 ss:$0x1], $0xffff  }
0x346: {  	v11 =	vmax.f32 v12, v11;
	v12 =	vld.idx.msk [tilespmem:v3+s0+$0x3DC0 ss:$0x1], $0xffff  }
0x347: {  	v10 =	vmax.f32 v11, v10;
	v11 =	vld [tilespmem:s20+$0x7200]  }
0x348: {  	v16 =	vmax.f32 v21, v20;
	v9 =	vmax.f32 v10, v9;
	v10 =	vld.idx.msk [tilespmem:v3+s0+$0x4740 ss:$0x1], $0xffff  }
0x349: {  	v15 =	vmax.f32 v16, v15;
	v8 =	vmax.f32 v9, v8;
	v9 =	vld.idx.msk [tilespmem:v3+s0+$0x50C0 ss:$0x1], $0xffff  }
0x34a: {  	v14 =	vmax.f32 v15, v14;
	v7 =	vmax.f32 v8, v7;
	v8 =	vld.idx.msk [tilespmem:v3+s0+$0x5A40 ss:$0x1], $0xffff  }
0x34b: {  	v13 =	vmax.f32 v14, v13;
	v6 =	vmax.f32 v7, v6;
	v7 =	vld.idx.msk [tilespmem:v3+s0+$0x63C0 ss:$0x1], $0xffff  }
0x34c: {  	v4 =	vmax.f32 v13, v4;
	v5 =	vmax.f32 v6, v5;
	v6 =	vld.idx.msk [tilespmem:v3+s0+$0x6D40 ss:$0x1], $0xffff  }
0x34d: {  	v4 =	vmax.f32 v4, v12;
	v5 =	vmax.f32 v5, v11;
	v11 =	vld.idx.msk [tilespmem:v3+s0+$0x76C0 ss:$0x1], $0xffff  }
0x34e: {  	v4 =	vmax.f32 v4, v10;
	v5 =	vmax.f32 v5, v17;
	v10 =	vld.idx.msk [tilespmem:v3+s0+$0x8040 ss:$0x1], $0xffff  }
0x34f: {  	v4 =	vmax.f32 v4, v9;
	v5 =	vmax.f32 v5, v18;
	v9 =	vld.idx.msk [tilespmem:v3+s0+$0x89C0 ss:$0x1], $0xffff  }
0x350: {  	v4 =	vmax.f32 v4, v8;
	v5 =	vmax.f32 v5, v19;
	v8 =	vld.idx.msk [tilespmem:v3+s0+$0x9340 ss:$0x1], $0xffff  }
0x351: {  	v4 =	vmax.f32 v4, v7;
	[tilespmem:v3+s1+$0x0 ss:$0x1] =	vst.idx.msk $0xffff, v5  }
.Ltmp34:
0x352: {  	v4 =	vmax.f32 v4, v6;
	(pc) =	sbr.rel @p0 .LBB2_55-.Ltmp34, $4  }
0x353: {  	v4 =	vmax.f32 v4, v11  }
0x354: {  	v4 =	vmax.f32 v4, v10  }
0x355: {  	v4 =	vmax.f32 v4, v9  }
0x356: {  	v4 =	vmax.f32 v4, v8  }
.Ltmp35:
0x357: {  	_ = 	snop;
	(pc) =	sbr.rel .LBB2_56-.Ltmp35, $1  }
0x358: {  	_ =	sdelay $0x3  }
.LBB2_58:
0x359: {  	_ =	sfence.sel $0x180000  }
0x35a: {  	[bflag:$0x0] =	sbarrier.arrive $0xFFFF  }
0x35b: {  	_ =	strace $0x90000047  }
0x35c: {  	s0 =	stileid.u32;
	[bflag:$0x2] =	sbarrier.arrive $0xFFFF  }
0x35d: {  	p0 =	sne.s32 s0, $0x0;
	s0 =	rddreg [dreg:$0x4]  }
0x35e: {  	s0 =	sadd.s32 @!p0 $0x100000, s0  }
0x35f: {  	[sflag:s0] =	ssyncadd.tile.s32 @!p0 $0x1;
	_ =	shalt  }
.Lfunc_end2:
_tile_overlayer_lowered:
.L_overlay_start_2:
0x360: {  	(tag) =	ssettag $0x2  }
0x361: {  	s0 =	rddreg [dreg:$0x0];
	s2 =	stileid.u32  }
0x362: {  	s1 =	rddreg [dreg:$0x1];
	p0 =	sne.s32 s2, $0x0  }
0x363: {  	s3 =	rddreg [dreg:$0x2];
	[bflag:$0x3] =	sbarrier.arrive $0xFFFF;
	s2 =	simm.s32 @!p0 $0x1C03  }
0x364: {  	[timem:s3], [sflag:s2] =	dma.local @!p0 [hbm:s0], s1  }
0x365: {  	s0 =	simm.s32 @!p0 $0x3  }
0x366: {  	_ =	swait.ge @!p0 [sflag:s0], s1  }
0x367: {  	s1 =	ssub.s32 @!p0 $0x0, s1;
	[sflag:s0] =	ssyncset.done @!p0 $0x0  }
0x368: {  	[sflag:s0] =	ssyncadd.s32 @!p0 s1  }
0x369: {  	[bflag:$0x3] =	sbarrier.arrive $0xFFFF  }
0x36a: {  	_ =	shalt  }

</sc_bundles>
